<compile_context>
chip_gen: v7x
topology: tpu7x:2x2x1
jax: 0.10.2.dev20260603
libtpu: 0.0.44.dev20260713+nightly
codegen_flags: <defaults>
</compile_context>

<pallas_src>
import jax
import jax.numpy as jnp
from jax import lax
from jax.experimental import pallas as pl
from jax.experimental.pallas import tpu as pltpu
from jax.experimental.pallas import tpu_sc as plsc

NUM_CORES = 2
NUM_SUBCORES = 16
NUM_WORKERS = NUM_CORES * NUM_SUBCORES

NB = 16384
T = 50
TP = 56
D = 32
NUM_EMB = 1000000
WB = NB // NUM_WORKERS
GB = 16
NGROUPS = WB // GB
NBUF = 3


def _emb_kernel(x_hbm, table_hbm, out_hbm, idx_v, rows_v, gsem, osem):
  wid = lax.axis_index("s") * NUM_CORES + lax.axis_index("c")
  base = wid * WB
  pltpu.sync_copy(x_hbm.at[pl.ds(base, WB)], idx_v)

  def fire(g, slot):
    for i in range(GB):
      pltpu.async_copy(
          table_hbm.at[idx_v.at[g * GB + i]],
          rows_v.at[slot, i],
          gsem.at[slot])

  def drain_gathers(slot):
    for i in range(GB):
      pltpu.make_async_copy(
          table_hbm.at[pl.ds(0, TP)], rows_v.at[slot, i],
          gsem.at[slot]).wait()

  def out_copy(g, slot):
    pltpu.async_copy(
        rows_v.at[slot, pl.ds(0, GB), pl.ds(0, T)],
        out_hbm.at[pl.ds(base + g * GB, GB)], osem.at[slot])

  def drain_out(g, slot):
    pltpu.make_async_copy(
        rows_v.at[slot, pl.ds(0, GB), pl.ds(0, T)],
        out_hbm.at[pl.ds(base + g * GB, GB)],
        osem.at[slot]).wait()

  fire(0, 0)
  fire(1, 1)

  def body(g, _):
    slot = g % NBUF

    @pl.when(g + 2 < NGROUPS)
    def _():
      nslot = (g + 2) % NBUF

      @pl.when(g >= 1)
      def _():
        drain_out(g - 1, nslot)
      fire(g + 2, nslot)

    drain_gathers(slot)
    out_copy(g, slot)
    return 0

  lax.fori_loop(0, NGROUPS, body, 0)
  drain_out(NGROUPS - 3, (NGROUPS - 3) % NBUF)
  drain_out(NGROUPS - 2, (NGROUPS - 2) % NBUF)
  drain_out(NGROUPS - 1, (NGROUPS - 1) % NBUF)


@jax.jit
def _emb(x_pad, table):
  mesh = plsc.VectorSubcoreMesh(
      core_axis_name="c", subcore_axis_name="s",
      num_cores=NUM_CORES, num_subcores=NUM_SUBCORES)
  f = pl.kernel(
      _emb_kernel,
      out_type=jax.ShapeDtypeStruct((NB, T, D), jnp.float32),
      mesh=mesh,
      scratch_types=[
          pltpu.VMEM((WB, TP), jnp.int32),
          pltpu.VMEM((NBUF, GB, TP, D), jnp.float32),
          pltpu.SemaphoreType.DMA((NBUF,)),
          pltpu.SemaphoreType.DMA((NBUF,)),
      ],
      compiler_params=pltpu.CompilerParams(
          use_tc_tiling_on_sc=False, skip_device_barrier=True),
  )
  return f(x_pad, table)


def kernel(x, table):
  pad = (jnp.arange(NB, dtype=jnp.int32)[:, None] * (TP - T)
         + jnp.arange(TP - T, dtype=jnp.int32)[None, :]) % NUM_EMB
  x_pad = jnp.concatenate([x.astype(jnp.int32), pad], axis=1)
  return _emb(x_pad, table)

# --- scband reference (transcript-rebuilt; emitter-appended) ---
"""Pipeline reference for scband-embedding-16071767622431 (READ-ONLY COPY).

The authoritative reference and input builder live on the scoring server;
editing this copy changes nothing except your own understanding.
"""

import jax, jax.numpy as jnp
import numpy as np

NUM_EMBEDDINGS = 1000000
EMBEDDING_DIM = 32


def setup_inputs(seed: int = 0) -> dict:
    key = jax.random.key(seed)
    k_idx, k_tab = jax.random.split(key)
    x = jax.random.randint(k_idx, (16384, 50), 0, NUM_EMBEDDINGS, dtype=jnp.int64) if jax.config.jax_enable_x64 else jax.random.randint(k_idx, (16384, 50), 0, NUM_EMBEDDINGS, dtype=jnp.int32)
    table = jax.random.normal(k_tab, (NUM_EMBEDDINGS, EMBEDDING_DIM), dtype=jnp.float32)
    # nn.Embedding with padding_idx=0 zeroes the padding row at init
    table = table.at[0].set(0.0)
    return {"x": x, "table": table}


def reference(x, table):
    # embs = self.embedding(x) -> gather rows of the table
    embs = jnp.take(table, x, axis=0)
    return embs

if __name__ == "__main__":
    import jax
    _d = setup_inputs()
    print(jax.jit(kernel)(*tuple(_d.values())))

</pallas_src>

<mosaic_0001>
#map = affine_map<(d0, d1) -> (0, 0)>
#map1 = affine_map<(d0, d1) -> (0, 0, 0)>
module attributes {stable_mosaic.version = 14 : i64} {
  func.func @_emb_kernel(%arg0: i32, %arg1: i32, %arg2: memref<16384x56xi32, #tpu.memory_space<hbm>>, %arg3: memref<1000000x32xf32, #tpu.memory_space<hbm>>, %arg4: memref<16384x50x32xf32, #tpu.memory_space<hbm>>, %arg5: memref<512x56xi32, #tpu.memory_space<vmem>>, %arg6: memref<3x16x56x32xf32, #tpu.memory_space<vmem>>, %arg7: memref<3x!tpu.dma_semaphore, #tpu.memory_space<semaphore_mem>>, %arg8: memref<3x!tpu.dma_semaphore, #tpu.memory_space<semaphore_mem>>) attributes {dimension_semantics = [#tpu.dimension_semantics<core_parallel>, #tpu.dimension_semantics<subcore_parallel>], iteration_bounds = array<i64: 2, 16>, scalar_prefetch = 0 : i64, scratch_operands = 4 : i64, tpu.core_type = #tpu.core_type<sc_vector_subcore>, window_params = [{transform_indices = #map}, {transform_indices = #map}, {transform_indices = #map1}]} {
    %mul3A = arith.constant 2 : i32
    %mul3A_0 = arith.muli %arg1, %mul3A : i32
    %add3A = arith.addi %mul3A_0, %arg0 : i32
    %mul3A_1 = arith.constant 512 : i32
    %mul3A_2 = arith.muli %add3A, %mul3A_1 : i32
    "tpu.region"() ({
      %run_scoped3A = tpu.sem_alloc : memref<!tpu.dma_semaphore, #tpu.memory_space<semaphore_mem>>
      %dma_start3A_585 = arith.constant 0 : i32
      %dma_start3A_586 = tpu.memref_slice %arg2[%mul3A_2, %dma_start3A_585] : memref<16384x56xi32, #tpu.memory_space<hbm>> -> memref<512x56xi32, #tpu.memory_space<hbm>>
      %dma_start3A_587 = arith.constant 0 : i32
      %dma_start3A_588 = tpu.memref_slice %arg2[%mul3A_2, %dma_start3A_587] : memref<16384x56xi32, #tpu.memory_space<hbm>> -> memref<512x56xi32, #tpu.memory_space<hbm>>
      tpu.enqueue_dma source(%dma_start3A_588 : memref<512x56xi32, #tpu.memory_space<hbm>>) target(%arg5 : memref<512x56xi32, #tpu.memory_space<vmem>>) target_semaphore(%run_scoped3A : memref<!tpu.dma_semaphore, #tpu.memory_space<semaphore_mem>>)
      %dma_wait3A_589 = arith.constant 0 : i32
      %dma_wait3A_590 = tpu.memref_slice %arg2[%mul3A_2, %dma_wait3A_589] : memref<16384x56xi32, #tpu.memory_space<hbm>> -> memref<512x56xi32, #tpu.memory_space<hbm>>
      %dma_wait3A_591 = arith.constant 0 : i32
      %dma_wait3A_592 = tpu.memref_slice %arg2[%mul3A_2, %dma_wait3A_591] : memref<16384x56xi32, #tpu.memory_space<hbm>> -> memref<512x56xi32, #tpu.memory_space<hbm>>
      tpu.wait_dma2 semaphore(%run_scoped3A : memref<!tpu.dma_semaphore, #tpu.memory_space<semaphore_mem>>) src(%dma_wait3A_592 : memref<512x56xi32, #tpu.memory_space<hbm>>) dst(%arg5 : memref<512x56xi32, #tpu.memory_space<vmem>>)
      tpu.yield
    }) : () -> ()
    %dma_start3A = arith.constant 0 : i32
    %dma_start3A_3 = arith.constant 0 : i32
    %dma_start3A_4 = arith.constant 0 : i32
    %dma_start3A_5 = arith.constant 0 : i32
    %dma_start3A_6 = arith.constant 0 : i32
    %dma_start3A_7 = arith.constant 0 : i32
    %dma_start3A_8 = tpu.memref_slice %arg6[%dma_start3A_3, %dma_start3A_4, %dma_start3A_6, %dma_start3A_7] : memref<3x16x56x32xf32, #tpu.memory_space<vmem>> -> memref<1x1x56x32xf32, #tpu.memory_space<vmem>>
    %dma_start3A_9 = tpu.memref_squeeze %dma_start3A_8 : memref<1x1x56x32xf32, #tpu.memory_space<vmem>> -> memref<56x32xf32, #tpu.memory_space<vmem>>
    %dma_start3A_10 = arith.constant 0 : i32
    %dma_start3A_11 = tpu.memref_slice %arg5[%dma_start3A, %dma_start3A_10] : memref<512x56xi32, #tpu.memory_space<vmem>> -> memref<1x56xi32, #tpu.memory_space<vmem>>
    %dma_start3A_12 = tpu.memref_squeeze %dma_start3A_11 : memref<1x56xi32, #tpu.memory_space<vmem>> -> memref<56xi32, #tpu.memory_space<vmem>>
    %dma_start3A_13 = arith.constant 0 : i32
    %dma_start3A_14 = arith.constant 0 : i32
    %dma_start3A_15 = tpu.memref_slice %arg3[%dma_start3A_13, %dma_start3A_14] : memref<1000000x32xf32, #tpu.memory_space<hbm>> -> memref<1000000x32xf32, #tpu.memory_space<hbm>>
    %dma_start3A_16 = tpu.memref_slice %arg7[%dma_start3A_5] : memref<3x!tpu.dma_semaphore, #tpu.memory_space<semaphore_mem>> -> memref<1x!tpu.dma_semaphore, #tpu.memory_space<semaphore_mem>>
    %dma_start3A_17 = tpu.memref_squeeze %dma_start3A_16 : memref<1x!tpu.dma_semaphore, #tpu.memory_space<semaphore_mem>> -> memref<!tpu.dma_semaphore, #tpu.memory_space<semaphore_mem>>
    tpu.enqueue_indirect_dma source(%dma_start3A_15 : memref<1000000x32xf32, #tpu.memory_space<hbm>>) target(%dma_start3A_9 : memref<56x32xf32, #tpu.memory_space<vmem>>) offsets(%dma_start3A_12 : memref<56xi32, #tpu.memory_space<vmem>>) semaphore(%dma_start3A_17 : memref<!tpu.dma_semaphore, #tpu.memory_space<semaphore_mem>>)
    %dma_start3A_18 = arith.constant 1 : i32
    %dma_start3A_19 = arith.constant 0 : i32
    %dma_start3A_20 = arith.constant 1 : i32
    %dma_start3A_21 = arith.constant 0 : i32
    %dma_start3A_22 = arith.constant 0 : i32
    %dma_start3A_23 = arith.constant 0 : i32
    %dma_start3A_24 = tpu.memref_slice %arg6[%dma_start3A_19, %dma_start3A_20, %dma_start3A_22, %dma_start3A_23] : memref<3x16x56x32xf32, #tpu.memory_space<vmem>> -> memref<1x1x56x32xf32, #tpu.memory_space<vmem>>
    %dma_start3A_25 = tpu.memref_squeeze %dma_start3A_24 : memref<1x1x56x32xf32, #tpu.memory_space<vmem>> -> memref<56x32xf32, #tpu.memory_space<vmem>>
    %dma_start3A_26 = arith.constant 0 : i32
    %dma_start3A_27 = tpu.memref_slice %arg5[%dma_start3A_18, %dma_start3A_26] : memref<512x56xi32, #tpu.memory_space<vmem>> -> memref<1x56xi32, #tpu.memory_space<vmem>>
    %dma_start3A_28 = tpu.memref_squeeze %dma_start3A_27 : memref<1x56xi32, #tpu.memory_space<vmem>> -> memref<56xi32, #tpu.memory_space<vmem>>
    %dma_start3A_29 = arith.constant 0 : i32
    %dma_start3A_30 = arith.constant 0 : i32
    %dma_start3A_31 = tpu.memref_slice %arg3[%dma_start3A_29, %dma_start3A_30] : memref<1000000x32xf32, #tpu.memory_space<hbm>> -> memref<1000000x32xf32, #tpu.memory_space<hbm>>
    %dma_start3A_32 = tpu.memref_slice %arg7[%dma_start3A_21] : memref<3x!tpu.dma_semaphore, #tpu.memory_space<semaphore_mem>> -> memref<1x!tpu.dma_semaphore, #tpu.memory_space<semaphore_mem>>
    %dma_start3A_33 = tpu.memref_squeeze %dma_start3A_32 : memref<1x!tpu.dma_semaphore, #tpu.memory_space<semaphore_mem>> -> memref<!tpu.dma_semaphore, #tpu.memory_space<semaphore_mem>>
    tpu.enqueue_indirect_dma source(%dma_start3A_31 : memref<1000000x32xf32, #tpu.memory_space<hbm>>) target(%dma_start3A_25 : memref<56x32xf32, #tpu.memory_space<vmem>>) offsets(%dma_start3A_28 : memref<56xi32, #tpu.memory_space<vmem>>) semaphore(%dma_start3A_33 : memref<!tpu.dma_semaphore, #tpu.memory_space<semaphore_mem>>)
    %dma_start3A_34 = arith.constant 2 : i32
    %dma_start3A_35 = arith.constant 0 : i32
    %dma_start3A_36 = arith.constant 2 : i32
    %dma_start3A_37 = arith.constant 0 : i32
    %dma_start3A_38 = arith.constant 0 : i32
    %dma_start3A_39 = arith.constant 0 : i32
    %dma_start3A_40 = tpu.memref_slice %arg6[%dma_start3A_35, %dma_start3A_36, %dma_start3A_38, %dma_start3A_39] : memref<3x16x56x32xf32, #tpu.memory_space<vmem>> -> memref<1x1x56x32xf32, #tpu.memory_space<vmem>>
    %dma_start3A_41 = tpu.memref_squeeze %dma_start3A_40 : memref<1x1x56x32xf32, #tpu.memory_space<vmem>> -> memref<56x32xf32, #tpu.memory_space<vmem>>
    %dma_start3A_42 = arith.constant 0 : i32
    %dma_start3A_43 = tpu.memref_slice %arg5[%dma_start3A_34, %dma_start3A_42] : memref<512x56xi32, #tpu.memory_space<vmem>> -> memref<1x56xi32, #tpu.memory_space<vmem>>
    %dma_start3A_44 = tpu.memref_squeeze %dma_start3A_43 : memref<1x56xi32, #tpu.memory_space<vmem>> -> memref<56xi32, #tpu.memory_space<vmem>>
    %dma_start3A_45 = arith.constant 0 : i32
    %dma_start3A_46 = arith.constant 0 : i32
    %dma_start3A_47 = tpu.memref_slice %arg3[%dma_start3A_45, %dma_start3A_46] : memref<1000000x32xf32, #tpu.memory_space<hbm>> -> memref<1000000x32xf32, #tpu.memory_space<hbm>>
    %dma_start3A_48 = tpu.memref_slice %arg7[%dma_start3A_37] : memref<3x!tpu.dma_semaphore, #tpu.memory_space<semaphore_mem>> -> memref<1x!tpu.dma_semaphore, #tpu.memory_space<semaphore_mem>>
    %dma_start3A_49 = tpu.memref_squeeze %dma_start3A_48 : memref<1x!tpu.dma_semaphore, #tpu.memory_space<semaphore_mem>> -> memref<!tpu.dma_semaphore, #tpu.memory_space<semaphore_mem>>
    tpu.enqueue_indirect_dma source(%dma_start3A_47 : memref<1000000x32xf32, #tpu.memory_space<hbm>>) target(%dma_start3A_41 : memref<56x32xf32, #tpu.memory_space<vmem>>) offsets(%dma_start3A_44 : memref<56xi32, #tpu.memory_space<vmem>>) semaphore(%dma_start3A_49 : memref<!tpu.dma_semaphore, #tpu.memory_space<semaphore_mem>>)
    %dma_start3A_50 = arith.constant 3 : i32
    %dma_start3A_51 = arith.constant 0 : i32
    %dma_start3A_52 = arith.constant 3 : i32
    %dma_start3A_53 = arith.constant 0 : i32
    %dma_start3A_54 = arith.constant 0 : i32
    %dma_start3A_55 = arith.constant 0 : i32
    %dma_start3A_56 = tpu.memref_slice %arg6[%dma_start3A_51, %dma_start3A_52, %dma_start3A_54, %dma_start3A_55] : memref<3x16x56x32xf32, #tpu.memory_space<vmem>> -> memref<1x1x56x32xf32, #tpu.memory_space<vmem>>
    %dma_start3A_57 = tpu.memref_squeeze %dma_start3A_56 : memref<1x1x56x32xf32, #tpu.memory_space<vmem>> -> memref<56x32xf32, #tpu.memory_space<vmem>>
    %dma_start3A_58 = arith.constant 0 : i32
    %dma_start3A_59 = tpu.memref_slice %arg5[%dma_start3A_50, %dma_start3A_58] : memref<512x56xi32, #tpu.memory_space<vmem>> -> memref<1x56xi32, #tpu.memory_space<vmem>>
    %dma_start3A_60 = tpu.memref_squeeze %dma_start3A_59 : memref<1x56xi32, #tpu.memory_space<vmem>> -> memref<56xi32, #tpu.memory_space<vmem>>
    %dma_start3A_61 = arith.constant 0 : i32
    %dma_start3A_62 = arith.constant 0 : i32
    %dma_start3A_63 = tpu.memref_slice %arg3[%dma_start3A_61, %dma_start3A_62] : memref<1000000x32xf32, #tpu.memory_space<hbm>> -> memref<1000000x32xf32, #tpu.memory_space<hbm>>
    %dma_start3A_64 = tpu.memref_slice %arg7[%dma_start3A_53] : memref<3x!tpu.dma_semaphore, #tpu.memory_space<semaphore_mem>> -> memref<1x!tpu.dma_semaphore, #tpu.memory_space<semaphore_mem>>
    %dma_start3A_65 = tpu.memref_squeeze %dma_start3A_64 : memref<1x!tpu.dma_semaphore, #tpu.memory_space<semaphore_mem>> -> memref<!tpu.dma_semaphore, #tpu.memory_space<semaphore_mem>>
    tpu.enqueue_indirect_dma source(%dma_start3A_63 : memref<1000000x32xf32, #tpu.memory_space<hbm>>) target(%dma_start3A_57 : memref<56x32xf32, #tpu.memory_space<vmem>>) offsets(%dma_start3A_60 : memref<56xi32, #tpu.memory_space<vmem>>) semaphore(%dma_start3A_65 : memref<!tpu.dma_semaphore, #tpu.memory_space<semaphore_mem>>)
    %dma_start3A_66 = arith.constant 4 : i32
    %dma_start3A_67 = arith.constant 0 : i32
    %dma_start3A_68 = arith.constant 4 : i32
    %dma_start3A_69 = arith.constant 0 : i32
    %dma_start3A_70 = arith.constant 0 : i32
    %dma_start3A_71 = arith.constant 0 : i32
    %dma_start3A_72 = tpu.memref_slice %arg6[%dma_start3A_67, %dma_start3A_68, %dma_start3A_70, %dma_start3A_71] : memref<3x16x56x32xf32, #tpu.memory_space<vmem>> -> memref<1x1x56x32xf32, #tpu.memory_space<vmem>>
    %dma_start3A_73 = tpu.memref_squeeze %dma_start3A_72 : memref<1x1x56x32xf32, #tpu.memory_space<vmem>> -> memref<56x32xf32, #tpu.memory_space<vmem>>
    %dma_start3A_74 = arith.constant 0 : i32
    %dma_start3A_75 = tpu.memref_slice %arg5[%dma_start3A_66, %dma_start3A_74] : memref<512x56xi32, #tpu.memory_space<vmem>> -> memref<1x56xi32, #tpu.memory_space<vmem>>
    %dma_start3A_76 = tpu.memref_squeeze %dma_start3A_75 : memref<1x56xi32, #tpu.memory_space<vmem>> -> memref<56xi32, #tpu.memory_space<vmem>>
    %dma_start3A_77 = arith.constant 0 : i32
    %dma_start3A_78 = arith.constant 0 : i32
    %dma_start3A_79 = tpu.memref_slice %arg3[%dma_start3A_77, %dma_start3A_78] : memref<1000000x32xf32, #tpu.memory_space<hbm>> -> memref<1000000x32xf32, #tpu.memory_space<hbm>>
    %dma_start3A_80 = tpu.memref_slice %arg7[%dma_start3A_69] : memref<3x!tpu.dma_semaphore, #tpu.memory_space<semaphore_mem>> -> memref<1x!tpu.dma_semaphore, #tpu.memory_space<semaphore_mem>>
    %dma_start3A_81 = tpu.memref_squeeze %dma_start3A_80 : memref<1x!tpu.dma_semaphore, #tpu.memory_space<semaphore_mem>> -> memref<!tpu.dma_semaphore, #tpu.memory_space<semaphore_mem>>
    tpu.enqueue_indirect_dma source(%dma_start3A_79 : memref<1000000x32xf32, #tpu.memory_space<hbm>>) target(%dma_start3A_73 : memref<56x32xf32, #tpu.memory_space<vmem>>) offsets(%dma_start3A_76 : memref<56xi32, #tpu.memory_space<vmem>>) semaphore(%dma_start3A_81 : memref<!tpu.dma_semaphore, #tpu.memory_space<semaphore_mem>>)
    %dma_start3A_82 = arith.constant 5 : i32
    %dma_start3A_83 = arith.constant 0 : i32
    %dma_start3A_84 = arith.constant 5 : i32
    %dma_start3A_85 = arith.constant 0 : i32
    %dma_start3A_86 = arith.constant 0 : i32
    %dma_start3A_87 = arith.constant 0 : i32
    %dma_start3A_88 = tpu.memref_slice %arg6[%dma_start3A_83, %dma_start3A_84, %dma_start3A_86, %dma_start3A_87] : memref<3x16x56x32xf32, #tpu.memory_space<vmem>> -> memref<1x1x56x32xf32, #tpu.memory_space<vmem>>
    %dma_start3A_89 = tpu.memref_squeeze %dma_start3A_88 : memref<1x1x56x32xf32, #tpu.memory_space<vmem>> -> memref<56x32xf32, #tpu.memory_space<vmem>>
    %dma_start3A_90 = arith.constant 0 : i32
    %dma_start3A_91 = tpu.memref_slice %arg5[%dma_start3A_82, %dma_start3A_90] : memref<512x56xi32, #tpu.memory_space<vmem>> -> memref<1x56xi32, #tpu.memory_space<vmem>>
    %dma_start3A_92 = tpu.memref_squeeze %dma_start3A_91 : memref<1x56xi32, #tpu.memory_space<vmem>> -> memref<56xi32, #tpu.memory_space<vmem>>
    %dma_start3A_93 = arith.constant 0 : i32
    %dma_start3A_94 = arith.constant 0 : i32
    %dma_start3A_95 = tpu.memref_slice %arg3[%dma_start3A_93, %dma_start3A_94] : memref<1000000x32xf32, #tpu.memory_space<hbm>> -> memref<1000000x32xf32, #tpu.memory_space<hbm>>
    %dma_start3A_96 = tpu.memref_slice %arg7[%dma_start3A_85] : memref<3x!tpu.dma_semaphore, #tpu.memory_space<semaphore_mem>> -> memref<1x!tpu.dma_semaphore, #tpu.memory_space<semaphore_mem>>
    %dma_start3A_97 = tpu.memref_squeeze %dma_start3A_96 : memref<1x!tpu.dma_semaphore, #tpu.memory_space<semaphore_mem>> -> memref<!tpu.dma_semaphore, #tpu.memory_space<semaphore_mem>>
    tpu.enqueue_indirect_dma source(%dma_start3A_95 : memref<1000000x32xf32, #tpu.memory_space<hbm>>) target(%dma_start3A_89 : memref<56x32xf32, #tpu.memory_space<vmem>>) offsets(%dma_start3A_92 : memref<56xi32, #tpu.memory_space<vmem>>) semaphore(%dma_start3A_97 : memref<!tpu.dma_semaphore, #tpu.memory_space<semaphore_mem>>)
    %dma_start3A_98 = arith.constant 6 : i32
    %dma_start3A_99 = arith.constant 0 : i32
    %dma_start3A_100 = arith.constant 6 : i32
    %dma_start3A_101 = arith.constant 0 : i32
    %dma_start3A_102 = arith.constant 0 : i32
    %dma_start3A_103 = arith.constant 0 : i32
    %dma_start3A_104 = tpu.memref_slice %arg6[%dma_start3A_99, %dma_start3A_100, %dma_start3A_102, %dma_start3A_103] : memref<3x16x56x32xf32, #tpu.memory_space<vmem>> -> memref<1x1x56x32xf32, #tpu.memory_space<vmem>>
    %dma_start3A_105 = tpu.memref_squeeze %dma_start3A_104 : memref<1x1x56x32xf32, #tpu.memory_space<vmem>> -> memref<56x32xf32, #tpu.memory_space<vmem>>
    %dma_start3A_106 = arith.constant 0 : i32
    %dma_start3A_107 = tpu.memref_slice %arg5[%dma_start3A_98, %dma_start3A_106] : memref<512x56xi32, #tpu.memory_space<vmem>> -> memref<1x56xi32, #tpu.memory_space<vmem>>
    %dma_start3A_108 = tpu.memref_squeeze %dma_start3A_107 : memref<1x56xi32, #tpu.memory_space<vmem>> -> memref<56xi32, #tpu.memory_space<vmem>>
    %dma_start3A_109 = arith.constant 0 : i32
    %dma_start3A_110 = arith.constant 0 : i32
    %dma_start3A_111 = tpu.memref_slice %arg3[%dma_start3A_109, %dma_start3A_110] : memref<1000000x32xf32, #tpu.memory_space<hbm>> -> memref<1000000x32xf32, #tpu.memory_space<hbm>>
    %dma_start3A_112 = tpu.memref_slice %arg7[%dma_start3A_101] : memref<3x!tpu.dma_semaphore, #tpu.memory_space<semaphore_mem>> -> memref<1x!tpu.dma_semaphore, #tpu.memory_space<semaphore_mem>>
    %dma_start3A_113 = tpu.memref_squeeze %dma_start3A_112 : memref<1x!tpu.dma_semaphore, #tpu.memory_space<semaphore_mem>> -> memref<!tpu.dma_semaphore, #tpu.memory_space<semaphore_mem>>
    tpu.enqueue_indirect_dma source(%dma_start3A_111 : memref<1000000x32xf32, #tpu.memory_space<hbm>>) target(%dma_start3A_105 : memref<56x32xf32, #tpu.memory_space<vmem>>) offsets(%dma_start3A_108 : memref<56xi32, #tpu.memory_space<vmem>>) semaphore(%dma_start3A_113 : memref<!tpu.dma_semaphore, #tpu.memory_space<semaphore_mem>>)
    %dma_start3A_114 = arith.constant 7 : i32
    %dma_start3A_115 = arith.constant 0 : i32
    %dma_start3A_116 = arith.constant 7 : i32
    %dma_start3A_117 = arith.constant 0 : i32
    %dma_start3A_118 = arith.constant 0 : i32
    %dma_start3A_119 = arith.constant 0 : i32
    %dma_start3A_120 = tpu.memref_slice %arg6[%dma_start3A_115, %dma_start3A_116, %dma_start3A_118, %dma_start3A_119] : memref<3x16x56x32xf32, #tpu.memory_space<vmem>> -> memref<1x1x56x32xf32, #tpu.memory_space<vmem>>
    %dma_start3A_121 = tpu.memref_squeeze %dma_start3A_120 : memref<1x1x56x32xf32, #tpu.memory_space<vmem>> -> memref<56x32xf32, #tpu.memory_space<vmem>>
    %dma_start3A_122 = arith.constant 0 : i32
    %dma_start3A_123 = tpu.memref_slice %arg5[%dma_start3A_114, %dma_start3A_122] : memref<512x56xi32, #tpu.memory_space<vmem>> -> memref<1x56xi32, #tpu.memory_space<vmem>>
    %dma_start3A_124 = tpu.memref_squeeze %dma_start3A_123 : memref<1x56xi32, #tpu.memory_space<vmem>> -> memref<56xi32, #tpu.memory_space<vmem>>
    %dma_start3A_125 = arith.constant 0 : i32
    %dma_start3A_126 = arith.constant 0 : i32
    %dma_start3A_127 = tpu.memref_slice %arg3[%dma_start3A_125, %dma_start3A_126] : memref<1000000x32xf32, #tpu.memory_space<hbm>> -> memref<1000000x32xf32, #tpu.memory_space<hbm>>
    %dma_start3A_128 = tpu.memref_slice %arg7[%dma_start3A_117] : memref<3x!tpu.dma_semaphore, #tpu.memory_space<semaphore_mem>> -> memref<1x!tpu.dma_semaphore, #tpu.memory_space<semaphore_mem>>
    %dma_start3A_129 = tpu.memref_squeeze %dma_start3A_128 : memref<1x!tpu.dma_semaphore, #tpu.memory_space<semaphore_mem>> -> memref<!tpu.dma_semaphore, #tpu.memory_space<semaphore_mem>>
    tpu.enqueue_indirect_dma source(%dma_start3A_127 : memref<1000000x32xf32, #tpu.memory_space<hbm>>) target(%dma_start3A_121 : memref<56x32xf32, #tpu.memory_space<vmem>>) offsets(%dma_start3A_124 : memref<56xi32, #tpu.memory_space<vmem>>) semaphore(%dma_start3A_129 : memref<!tpu.dma_semaphore, #tpu.memory_space<semaphore_mem>>)
    %dma_start3A_130 = arith.constant 8 : i32
    %dma_start3A_131 = arith.constant 0 : i32
    %dma_start3A_132 = arith.constant 8 : i32
    %dma_start3A_133 = arith.constant 0 : i32
    %dma_start3A_134 = arith.constant 0 : i32
    %dma_start3A_135 = arith.constant 0 : i32
    %dma_start3A_136 = tpu.memref_slice %arg6[%dma_start3A_131, %dma_start3A_132, %dma_start3A_134, %dma_start3A_135] : memref<3x16x56x32xf32, #tpu.memory_space<vmem>> -> memref<1x1x56x32xf32, #tpu.memory_space<vmem>>
    %dma_start3A_137 = tpu.memref_squeeze %dma_start3A_136 : memref<1x1x56x32xf32, #tpu.memory_space<vmem>> -> memref<56x32xf32, #tpu.memory_space<vmem>>
    %dma_start3A_138 = arith.constant 0 : i32
    %dma_start3A_139 = tpu.memref_slice %arg5[%dma_start3A_130, %dma_start3A_138] : memref<512x56xi32, #tpu.memory_space<vmem>> -> memref<1x56xi32, #tpu.memory_space<vmem>>
    %dma_start3A_140 = tpu.memref_squeeze %dma_start3A_139 : memref<1x56xi32, #tpu.memory_space<vmem>> -> memref<56xi32, #tpu.memory_space<vmem>>
    %dma_start3A_141 = arith.constant 0 : i32
    %dma_start3A_142 = arith.constant 0 : i32
    %dma_start3A_143 = tpu.memref_slice %arg3[%dma_start3A_141, %dma_start3A_142] : memref<1000000x32xf32, #tpu.memory_space<hbm>> -> memref<1000000x32xf32, #tpu.memory_space<hbm>>
    %dma_start3A_144 = tpu.memref_slice %arg7[%dma_start3A_133] : memref<3x!tpu.dma_semaphore, #tpu.memory_space<semaphore_mem>> -> memref<1x!tpu.dma_semaphore, #tpu.memory_space<semaphore_mem>>
    %dma_start3A_145 = tpu.memref_squeeze %dma_start3A_144 : memref<1x!tpu.dma_semaphore, #tpu.memory_space<semaphore_mem>> -> memref<!tpu.dma_semaphore, #tpu.memory_space<semaphore_mem>>
    tpu.enqueue_indirect_dma source(%dma_start3A_143 : memref<1000000x32xf32, #tpu.memory_space<hbm>>) target(%dma_start3A_137 : memref<56x32xf32, #tpu.memory_space<vmem>>) offsets(%dma_start3A_140 : memref<56xi32, #tpu.memory_space<vmem>>) semaphore(%dma_start3A_145 : memref<!tpu.dma_semaphore, #tpu.memory_space<semaphore_mem>>)
    %dma_start3A_146 = arith.constant 9 : i32
    %dma_start3A_147 = arith.constant 0 : i32
    %dma_start3A_148 = arith.constant 9 : i32
    %dma_start3A_149 = arith.constant 0 : i32
    %dma_start3A_150 = arith.constant 0 : i32
    %dma_start3A_151 = arith.constant 0 : i32
    %dma_start3A_152 = tpu.memref_slice %arg6[%dma_start3A_147, %dma_start3A_148, %dma_start3A_150, %dma_start3A_151] : memref<3x16x56x32xf32, #tpu.memory_space<vmem>> -> memref<1x1x56x32xf32, #tpu.memory_space<vmem>>
    %dma_start3A_153 = tpu.memref_squeeze %dma_start3A_152 : memref<1x1x56x32xf32, #tpu.memory_space<vmem>> -> memref<56x32xf32, #tpu.memory_space<vmem>>
    %dma_start3A_154 = arith.constant 0 : i32
    %dma_start3A_155 = tpu.memref_slice %arg5[%dma_start3A_146, %dma_start3A_154] : memref<512x56xi32, #tpu.memory_space<vmem>> -> memref<1x56xi32, #tpu.memory_space<vmem>>
    %dma_start3A_156 = tpu.memref_squeeze %dma_start3A_155 : memref<1x56xi32, #tpu.memory_space<vmem>> -> memref<56xi32, #tpu.memory_space<vmem>>
    %dma_start3A_157 = arith.constant 0 : i32
    %dma_start3A_158 = arith.constant 0 : i32
    %dma_start3A_159 = tpu.memref_slice %arg3[%dma_start3A_157, %dma_start3A_158] : memref<1000000x32xf32, #tpu.memory_space<hbm>> -> memref<1000000x32xf32, #tpu.memory_space<hbm>>
    %dma_start3A_160 = tpu.memref_slice %arg7[%dma_start3A_149] : memref<3x!tpu.dma_semaphore, #tpu.memory_space<semaphore_mem>> -> memref<1x!tpu.dma_semaphore, #tpu.memory_space<semaphore_mem>>
    %dma_start3A_161 = tpu.memref_squeeze %dma_start3A_160 : memref<1x!tpu.dma_semaphore, #tpu.memory_space<semaphore_mem>> -> memref<!tpu.dma_semaphore, #tpu.memory_space<semaphore_mem>>
    tpu.enqueue_indirect_dma source(%dma_start3A_159 : memref<1000000x32xf32, #tpu.memory_space<hbm>>) target(%dma_start3A_153 : memref<56x32xf32, #tpu.memory_space<vmem>>) offsets(%dma_start3A_156 : memref<56xi32, #tpu.memory_space<vmem>>) semaphore(%dma_start3A_161 : memref<!tpu.dma_semaphore, #tpu.memory_space<semaphore_mem>>)
    %dma_start3A_162 = arith.constant 10 : i32
    %dma_start3A_163 = arith.constant 0 : i32
    %dma_start3A_164 = arith.constant 10 : i32
    %dma_start3A_165 = arith.constant 0 : i32
    %dma_start3A_166 = arith.constant 0 : i32
    %dma_start3A_167 = arith.constant 0 : i32
    %dma_start3A_168 = tpu.memref_slice %arg6[%dma_start3A_163, %dma_start3A_164, %dma_start3A_166, %dma_start3A_167] : memref<3x16x56x32xf32, #tpu.memory_space<vmem>> -> memref<1x1x56x32xf32, #tpu.memory_space<vmem>>
    %dma_start3A_169 = tpu.memref_squeeze %dma_start3A_168 : memref<1x1x56x32xf32, #tpu.memory_space<vmem>> -> memref<56x32xf32, #tpu.memory_space<vmem>>
    %dma_start3A_170 = arith.constant 0 : i32
    %dma_start3A_171 = tpu.memref_slice %arg5[%dma_start3A_162, %dma_start3A_170] : memref<512x56xi32, #tpu.memory_space<vmem>> -> memref<1x56xi32, #tpu.memory_space<vmem>>
    %dma_start3A_172 = tpu.memref_squeeze %dma_start3A_171 : memref<1x56xi32, #tpu.memory_space<vmem>> -> memref<56xi32, #tpu.memory_space<vmem>>
    %dma_start3A_173 = arith.constant 0 : i32
    %dma_start3A_174 = arith.constant 0 : i32
    %dma_start3A_175 = tpu.memref_slice %arg3[%dma_start3A_173, %dma_start3A_174] : memref<1000000x32xf32, #tpu.memory_space<hbm>> -> memref<1000000x32xf32, #tpu.memory_space<hbm>>
    %dma_start3A_176 = tpu.memref_slice %arg7[%dma_start3A_165] : memref<3x!tpu.dma_semaphore, #tpu.memory_space<semaphore_mem>> -> memref<1x!tpu.dma_semaphore, #tpu.memory_space<semaphore_mem>>
    %dma_start3A_177 = tpu.memref_squeeze %dma_start3A_176 : memref<1x!tpu.dma_semaphore, #tpu.memory_space<semaphore_mem>> -> memref<!tpu.dma_semaphore, #tpu.memory_space<semaphore_mem>>
    tpu.enqueue_indirect_dma source(%dma_start3A_175 : memref<1000000x32xf32, #tpu.memory_space<hbm>>) target(%dma_start3A_169 : memref<56x32xf32, #tpu.memory_space<vmem>>) offsets(%dma_start3A_172 : memref<56xi32, #tpu.memory_space<vmem>>) semaphore(%dma_start3A_177 : memref<!tpu.dma_semaphore, #tpu.memory_space<semaphore_mem>>)
    %dma_start3A_178 = arith.constant 11 : i32
    %dma_start3A_179 = arith.constant 0 : i32
    %dma_start3A_180 = arith.constant 11 : i32
    %dma_start3A_181 = arith.constant 0 : i32
    %dma_start3A_182 = arith.constant 0 : i32
    %dma_start3A_183 = arith.constant 0 : i32
    %dma_start3A_184 = tpu.memref_slice %arg6[%dma_start3A_179, %dma_start3A_180, %dma_start3A_182, %dma_start3A_183] : memref<3x16x56x32xf32, #tpu.memory_space<vmem>> -> memref<1x1x56x32xf32, #tpu.memory_space<vmem>>
    %dma_start3A_185 = tpu.memref_squeeze %dma_start3A_184 : memref<1x1x56x32xf32, #tpu.memory_space<vmem>> -> memref<56x32xf32, #tpu.memory_space<vmem>>
    %dma_start3A_186 = arith.constant 0 : i32
    %dma_start3A_187 = tpu.memref_slice %arg5[%dma_start3A_178, %dma_start3A_186] : memref<512x56xi32, #tpu.memory_space<vmem>> -> memref<1x56xi32, #tpu.memory_space<vmem>>
    %dma_start3A_188 = tpu.memref_squeeze %dma_start3A_187 : memref<1x56xi32, #tpu.memory_space<vmem>> -> memref<56xi32, #tpu.memory_space<vmem>>
    %dma_start3A_189 = arith.constant 0 : i32
    %dma_start3A_190 = arith.constant 0 : i32
    %dma_start3A_191 = tpu.memref_slice %arg3[%dma_start3A_189, %dma_start3A_190] : memref<1000000x32xf32, #tpu.memory_space<hbm>> -> memref<1000000x32xf32, #tpu.memory_space<hbm>>
    %dma_start3A_192 = tpu.memref_slice %arg7[%dma_start3A_181] : memref<3x!tpu.dma_semaphore, #tpu.memory_space<semaphore_mem>> -> memref<1x!tpu.dma_semaphore, #tpu.memory_space<semaphore_mem>>
    %dma_start3A_193 = tpu.memref_squeeze %dma_start3A_192 : memref<1x!tpu.dma_semaphore, #tpu.memory_space<semaphore_mem>> -> memref<!tpu.dma_semaphore, #tpu.memory_space<semaphore_mem>>
    tpu.enqueue_indirect_dma source(%dma_start3A_191 : memref<1000000x32xf32, #tpu.memory_space<hbm>>) target(%dma_start3A_185 : memref<56x32xf32, #tpu.memory_space<vmem>>) offsets(%dma_start3A_188 : memref<56xi32, #tpu.memory_space<vmem>>) semaphore(%dma_start3A_193 : memref<!tpu.dma_semaphore, #tpu.memory_space<semaphore_mem>>)
    %dma_start3A_194 = arith.constant 12 : i32
    %dma_start3A_195 = arith.constant 0 : i32
    %dma_start3A_196 = arith.constant 12 : i32
    %dma_start3A_197 = arith.constant 0 : i32
    %dma_start3A_198 = arith.constant 0 : i32
    %dma_start3A_199 = arith.constant 0 : i32
    %dma_start3A_200 = tpu.memref_slice %arg6[%dma_start3A_195, %dma_start3A_196, %dma_start3A_198, %dma_start3A_199] : memref<3x16x56x32xf32, #tpu.memory_space<vmem>> -> memref<1x1x56x32xf32, #tpu.memory_space<vmem>>
    %dma_start3A_201 = tpu.memref_squeeze %dma_start3A_200 : memref<1x1x56x32xf32, #tpu.memory_space<vmem>> -> memref<56x32xf32, #tpu.memory_space<vmem>>
    %dma_start3A_202 = arith.constant 0 : i32
    %dma_start3A_203 = tpu.memref_slice %arg5[%dma_start3A_194, %dma_start3A_202] : memref<512x56xi32, #tpu.memory_space<vmem>> -> memref<1x56xi32, #tpu.memory_space<vmem>>
    %dma_start3A_204 = tpu.memref_squeeze %dma_start3A_203 : memref<1x56xi32, #tpu.memory_space<vmem>> -> memref<56xi32, #tpu.memory_space<vmem>>
    %dma_start3A_205 = arith.constant 0 : i32
    %dma_start3A_206 = arith.constant 0 : i32
    %dma_start3A_207 = tpu.memref_slice %arg3[%dma_start3A_205, %dma_start3A_206] : memref<1000000x32xf32, #tpu.memory_space<hbm>> -> memref<1000000x32xf32, #tpu.memory_space<hbm>>
    %dma_start3A_208 = tpu.memref_slice %arg7[%dma_start3A_197] : memref<3x!tpu.dma_semaphore, #tpu.memory_space<semaphore_mem>> -> memref<1x!tpu.dma_semaphore, #tpu.memory_space<semaphore_mem>>
    %dma_start3A_209 = tpu.memref_squeeze %dma_start3A_208 : memref<1x!tpu.dma_semaphore, #tpu.memory_space<semaphore_mem>> -> memref<!tpu.dma_semaphore, #tpu.memory_space<semaphore_mem>>
    tpu.enqueue_indirect_dma source(%dma_start3A_207 : memref<1000000x32xf32, #tpu.memory_space<hbm>>) target(%dma_start3A_201 : memref<56x32xf32, #tpu.memory_space<vmem>>) offsets(%dma_start3A_204 : memref<56xi32, #tpu.memory_space<vmem>>) semaphore(%dma_start3A_209 : memref<!tpu.dma_semaphore, #tpu.memory_space<semaphore_mem>>)
    %dma_start3A_210 = arith.constant 13 : i32
    %dma_start3A_211 = arith.constant 0 : i32
    %dma_start3A_212 = arith.constant 13 : i32
    %dma_start3A_213 = arith.constant 0 : i32
    %dma_start3A_214 = arith.constant 0 : i32
    %dma_start3A_215 = arith.constant 0 : i32
    %dma_start3A_216 = tpu.memref_slice %arg6[%dma_start3A_211, %dma_start3A_212, %dma_start3A_214, %dma_start3A_215] : memref<3x16x56x32xf32, #tpu.memory_space<vmem>> -> memref<1x1x56x32xf32, #tpu.memory_space<vmem>>
    %dma_start3A_217 = tpu.memref_squeeze %dma_start3A_216 : memref<1x1x56x32xf32, #tpu.memory_space<vmem>> -> memref<56x32xf32, #tpu.memory_space<vmem>>
    %dma_start3A_218 = arith.constant 0 : i32
    %dma_start3A_219 = tpu.memref_slice %arg5[%dma_start3A_210, %dma_start3A_218] : memref<512x56xi32, #tpu.memory_space<vmem>> -> memref<1x56xi32, #tpu.memory_space<vmem>>
    %dma_start3A_220 = tpu.memref_squeeze %dma_start3A_219 : memref<1x56xi32, #tpu.memory_space<vmem>> -> memref<56xi32, #tpu.memory_space<vmem>>
    %dma_start3A_221 = arith.constant 0 : i32
    %dma_start3A_222 = arith.constant 0 : i32
    %dma_start3A_223 = tpu.memref_slice %arg3[%dma_start3A_221, %dma_start3A_222] : memref<1000000x32xf32, #tpu.memory_space<hbm>> -> memref<1000000x32xf32, #tpu.memory_space<hbm>>
    %dma_start3A_224 = tpu.memref_slice %arg7[%dma_start3A_213] : memref<3x!tpu.dma_semaphore, #tpu.memory_space<semaphore_mem>> -> memref<1x!tpu.dma_semaphore, #tpu.memory_space<semaphore_mem>>
    %dma_start3A_225 = tpu.memref_squeeze %dma_start3A_224 : memref<1x!tpu.dma_semaphore, #tpu.memory_space<semaphore_mem>> -> memref<!tpu.dma_semaphore, #tpu.memory_space<semaphore_mem>>
    tpu.enqueue_indirect_dma source(%dma_start3A_223 : memref<1000000x32xf32, #tpu.memory_space<hbm>>) target(%dma_start3A_217 : memref<56x32xf32, #tpu.memory_space<vmem>>) offsets(%dma_start3A_220 : memref<56xi32, #tpu.memory_space<vmem>>) semaphore(%dma_start3A_225 : memref<!tpu.dma_semaphore, #tpu.memory_space<semaphore_mem>>)
    %dma_start3A_226 = arith.constant 14 : i32
    %dma_start3A_227 = arith.constant 0 : i32
    %dma_start3A_228 = arith.constant 14 : i32
    %dma_start3A_229 = arith.constant 0 : i32
    %dma_start3A_230 = arith.constant 0 : i32
    %dma_start3A_231 = arith.constant 0 : i32
    %dma_start3A_232 = tpu.memref_slice %arg6[%dma_start3A_227, %dma_start3A_228, %dma_start3A_230, %dma_start3A_231] : memref<3x16x56x32xf32, #tpu.memory_space<vmem>> -> memref<1x1x56x32xf32, #tpu.memory_space<vmem>>
    %dma_start3A_233 = tpu.memref_squeeze %dma_start3A_232 : memref<1x1x56x32xf32, #tpu.memory_space<vmem>> -> memref<56x32xf32, #tpu.memory_space<vmem>>
    %dma_start3A_234 = arith.constant 0 : i32
    %dma_start3A_235 = tpu.memref_slice %arg5[%dma_start3A_226, %dma_start3A_234] : memref<512x56xi32, #tpu.memory_space<vmem>> -> memref<1x56xi32, #tpu.memory_space<vmem>>
    %dma_start3A_236 = tpu.memref_squeeze %dma_start3A_235 : memref<1x56xi32, #tpu.memory_space<vmem>> -> memref<56xi32, #tpu.memory_space<vmem>>
    %dma_start3A_237 = arith.constant 0 : i32
    %dma_start3A_238 = arith.constant 0 : i32
    %dma_start3A_239 = tpu.memref_slice %arg3[%dma_start3A_237, %dma_start3A_238] : memref<1000000x32xf32, #tpu.memory_space<hbm>> -> memref<1000000x32xf32, #tpu.memory_space<hbm>>
    %dma_start3A_240 = tpu.memref_slice %arg7[%dma_start3A_229] : memref<3x!tpu.dma_semaphore, #tpu.memory_space<semaphore_mem>> -> memref<1x!tpu.dma_semaphore, #tpu.memory_space<semaphore_mem>>
    %dma_start3A_241 = tpu.memref_squeeze %dma_start3A_240 : memref<1x!tpu.dma_semaphore, #tpu.memory_space<semaphore_mem>> -> memref<!tpu.dma_semaphore, #tpu.memory_space<semaphore_mem>>
    tpu.enqueue_indirect_dma source(%dma_start3A_239 : memref<1000000x32xf32, #tpu.memory_space<hbm>>) target(%dma_start3A_233 : memref<56x32xf32, #tpu.memory_space<vmem>>) offsets(%dma_start3A_236 : memref<56xi32, #tpu.memory_space<vmem>>) semaphore(%dma_start3A_241 : memref<!tpu.dma_semaphore, #tpu.memory_space<semaphore_mem>>)
    %dma_start3A_242 = arith.constant 15 : i32
    %dma_start3A_243 = arith.constant 0 : i32
    %dma_start3A_244 = arith.constant 15 : i32
    %dma_start3A_245 = arith.constant 0 : i32
    %dma_start3A_246 = arith.constant 0 : i32
    %dma_start3A_247 = arith.constant 0 : i32
    %dma_start3A_248 = tpu.memref_slice %arg6[%dma_start3A_243, %dma_start3A_244, %dma_start3A_246, %dma_start3A_247] : memref<3x16x56x32xf32, #tpu.memory_space<vmem>> -> memref<1x1x56x32xf32, #tpu.memory_space<vmem>>
    %dma_start3A_249 = tpu.memref_squeeze %dma_start3A_248 : memref<1x1x56x32xf32, #tpu.memory_space<vmem>> -> memref<56x32xf32, #tpu.memory_space<vmem>>
    %dma_start3A_250 = arith.constant 0 : i32
    %dma_start3A_251 = tpu.memref_slice %arg5[%dma_start3A_242, %dma_start3A_250] : memref<512x56xi32, #tpu.memory_space<vmem>> -> memref<1x56xi32, #tpu.memory_space<vmem>>
    %dma_start3A_252 = tpu.memref_squeeze %dma_start3A_251 : memref<1x56xi32, #tpu.memory_space<vmem>> -> memref<56xi32, #tpu.memory_space<vmem>>
    %dma_start3A_253 = arith.constant 0 : i32
    %dma_start3A_254 = arith.constant 0 : i32
    %dma_start3A_255 = tpu.memref_slice %arg3[%dma_start3A_253, %dma_start3A_254] : memref<1000000x32xf32, #tpu.memory_space<hbm>> -> memref<1000000x32xf32, #tpu.memory_space<hbm>>
    %dma_start3A_256 = tpu.memref_slice %arg7[%dma_start3A_245] : memref<3x!tpu.dma_semaphore, #tpu.memory_space<semaphore_mem>> -> memref<1x!tpu.dma_semaphore, #tpu.memory_space<semaphore_mem>>
    %dma_start3A_257 = tpu.memref_squeeze %dma_start3A_256 : memref<1x!tpu.dma_semaphore, #tpu.memory_space<semaphore_mem>> -> memref<!tpu.dma_semaphore, #tpu.memory_space<semaphore_mem>>
    tpu.enqueue_indirect_dma source(%dma_start3A_255 : memref<1000000x32xf32, #tpu.memory_space<hbm>>) target(%dma_start3A_249 : memref<56x32xf32, #tpu.memory_space<vmem>>) offsets(%dma_start3A_252 : memref<56xi32, #tpu.memory_space<vmem>>) semaphore(%dma_start3A_257 : memref<!tpu.dma_semaphore, #tpu.memory_space<semaphore_mem>>)
    %dma_start3A_258 = arith.constant 16 : i32
    %dma_start3A_259 = arith.constant 1 : i32
    %dma_start3A_260 = arith.constant 0 : i32
    %dma_start3A_261 = arith.constant 1 : i32
    %dma_start3A_262 = arith.constant 0 : i32
    %dma_start3A_263 = arith.constant 0 : i32
    %dma_start3A_264 = tpu.memref_slice %arg6[%dma_start3A_259, %dma_start3A_260, %dma_start3A_262, %dma_start3A_263] : memref<3x16x56x32xf32, #tpu.memory_space<vmem>> -> memref<1x1x56x32xf32, #tpu.memory_space<vmem>>
    %dma_start3A_265 = tpu.memref_squeeze %dma_start3A_264 : memref<1x1x56x32xf32, #tpu.memory_space<vmem>> -> memref<56x32xf32, #tpu.memory_space<vmem>>
    %dma_start3A_266 = arith.constant 0 : i32
    %dma_start3A_267 = tpu.memref_slice %arg5[%dma_start3A_258, %dma_start3A_266] : memref<512x56xi32, #tpu.memory_space<vmem>> -> memref<1x56xi32, #tpu.memory_space<vmem>>
    %dma_start3A_268 = tpu.memref_squeeze %dma_start3A_267 : memref<1x56xi32, #tpu.memory_space<vmem>> -> memref<56xi32, #tpu.memory_space<vmem>>
    %dma_start3A_269 = arith.constant 0 : i32
    %dma_start3A_270 = arith.constant 0 : i32
    %dma_start3A_271 = tpu.memref_slice %arg3[%dma_start3A_269, %dma_start3A_270] : memref<1000000x32xf32, #tpu.memory_space<hbm>> -> memref<1000000x32xf32, #tpu.memory_space<hbm>>
    %dma_start3A_272 = tpu.memref_slice %arg7[%dma_start3A_261] : memref<3x!tpu.dma_semaphore, #tpu.memory_space<semaphore_mem>> -> memref<1x!tpu.dma_semaphore, #tpu.memory_space<semaphore_mem>>
    %dma_start3A_273 = tpu.memref_squeeze %dma_start3A_272 : memref<1x!tpu.dma_semaphore, #tpu.memory_space<semaphore_mem>> -> memref<!tpu.dma_semaphore, #tpu.memory_space<semaphore_mem>>
    tpu.enqueue_indirect_dma source(%dma_start3A_271 : memref<1000000x32xf32, #tpu.memory_space<hbm>>) target(%dma_start3A_265 : memref<56x32xf32, #tpu.memory_space<vmem>>) offsets(%dma_start3A_268 : memref<56xi32, #tpu.memory_space<vmem>>) semaphore(%dma_start3A_273 : memref<!tpu.dma_semaphore, #tpu.memory_space<semaphore_mem>>)
    %dma_start3A_274 = arith.constant 17 : i32
    %dma_start3A_275 = arith.constant 1 : i32
    %dma_start3A_276 = arith.constant 1 : i32
    %dma_start3A_277 = arith.constant 1 : i32
    %dma_start3A_278 = arith.constant 0 : i32
    %dma_start3A_279 = arith.constant 0 : i32
    %dma_start3A_280 = tpu.memref_slice %arg6[%dma_start3A_275, %dma_start3A_276, %dma_start3A_278, %dma_start3A_279] : memref<3x16x56x32xf32, #tpu.memory_space<vmem>> -> memref<1x1x56x32xf32, #tpu.memory_space<vmem>>
    %dma_start3A_281 = tpu.memref_squeeze %dma_start3A_280 : memref<1x1x56x32xf32, #tpu.memory_space<vmem>> -> memref<56x32xf32, #tpu.memory_space<vmem>>
    %dma_start3A_282 = arith.constant 0 : i32
    %dma_start3A_283 = tpu.memref_slice %arg5[%dma_start3A_274, %dma_start3A_282] : memref<512x56xi32, #tpu.memory_space<vmem>> -> memref<1x56xi32, #tpu.memory_space<vmem>>
    %dma_start3A_284 = tpu.memref_squeeze %dma_start3A_283 : memref<1x56xi32, #tpu.memory_space<vmem>> -> memref<56xi32, #tpu.memory_space<vmem>>
    %dma_start3A_285 = arith.constant 0 : i32
    %dma_start3A_286 = arith.constant 0 : i32
    %dma_start3A_287 = tpu.memref_slice %arg3[%dma_start3A_285, %dma_start3A_286] : memref<1000000x32xf32, #tpu.memory_space<hbm>> -> memref<1000000x32xf32, #tpu.memory_space<hbm>>
    %dma_start3A_288 = tpu.memref_slice %arg7[%dma_start3A_277] : memref<3x!tpu.dma_semaphore, #tpu.memory_space<semaphore_mem>> -> memref<1x!tpu.dma_semaphore, #tpu.memory_space<semaphore_mem>>
    %dma_start3A_289 = tpu.memref_squeeze %dma_start3A_288 : memref<1x!tpu.dma_semaphore, #tpu.memory_space<semaphore_mem>> -> memref<!tpu.dma_semaphore, #tpu.memory_space<semaphore_mem>>
    tpu.enqueue_indirect_dma source(%dma_start3A_287 : memref<1000000x32xf32, #tpu.memory_space<hbm>>) target(%dma_start3A_281 : memref<56x32xf32, #tpu.memory_space<vmem>>) offsets(%dma_start3A_284 : memref<56xi32, #tpu.memory_space<vmem>>) semaphore(%dma_start3A_289 : memref<!tpu.dma_semaphore, #tpu.memory_space<semaphore_mem>>)
    %dma_start3A_290 = arith.constant 18 : i32
    %dma_start3A_291 = arith.constant 1 : i32
    %dma_start3A_292 = arith.constant 2 : i32
    %dma_start3A_293 = arith.constant 1 : i32
    %dma_start3A_294 = arith.constant 0 : i32
    %dma_start3A_295 = arith.constant 0 : i32
    %dma_start3A_296 = tpu.memref_slice %arg6[%dma_start3A_291, %dma_start3A_292, %dma_start3A_294, %dma_start3A_295] : memref<3x16x56x32xf32, #tpu.memory_space<vmem>> -> memref<1x1x56x32xf32, #tpu.memory_space<vmem>>
    %dma_start3A_297 = tpu.memref_squeeze %dma_start3A_296 : memref<1x1x56x32xf32, #tpu.memory_space<vmem>> -> memref<56x32xf32, #tpu.memory_space<vmem>>
    %dma_start3A_298 = arith.constant 0 : i32
    %dma_start3A_299 = tpu.memref_slice %arg5[%dma_start3A_290, %dma_start3A_298] : memref<512x56xi32, #tpu.memory_space<vmem>> -> memref<1x56xi32, #tpu.memory_space<vmem>>
    %dma_start3A_300 = tpu.memref_squeeze %dma_start3A_299 : memref<1x56xi32, #tpu.memory_space<vmem>> -> memref<56xi32, #tpu.memory_space<vmem>>
    %dma_start3A_301 = arith.constant 0 : i32
    %dma_start3A_302 = arith.constant 0 : i32
    %dma_start3A_303 = tpu.memref_slice %arg3[%dma_start3A_301, %dma_start3A_302] : memref<1000000x32xf32, #tpu.memory_space<hbm>> -> memref<1000000x32xf32, #tpu.memory_space<hbm>>
    %dma_start3A_304 = tpu.memref_slice %arg7[%dma_start3A_293] : memref<3x!tpu.dma_semaphore, #tpu.memory_space<semaphore_mem>> -> memref<1x!tpu.dma_semaphore, #tpu.memory_space<semaphore_mem>>
    %dma_start3A_305 = tpu.memref_squeeze %dma_start3A_304 : memref<1x!tpu.dma_semaphore, #tpu.memory_space<semaphore_mem>> -> memref<!tpu.dma_semaphore, #tpu.memory_space<semaphore_mem>>
    tpu.enqueue_indirect_dma source(%dma_start3A_303 : memref<1000000x32xf32, #tpu.memory_space<hbm>>) target(%dma_start3A_297 : memref<56x32xf32, #tpu.memory_space<vmem>>) offsets(%dma_start3A_300 : memref<56xi32, #tpu.memory_space<vmem>>) semaphore(%dma_start3A_305 : memref<!tpu.dma_semaphore, #tpu.memory_space<semaphore_mem>>)
    %dma_start3A_306 = arith.constant 19 : i32
    %dma_start3A_307 = arith.constant 1 : i32
    %dma_start3A_308 = arith.constant 3 : i32
    %dma_start3A_309 = arith.constant 1 : i32
    %dma_start3A_310 = arith.constant 0 : i32
    %dma_start3A_311 = arith.constant 0 : i32
    %dma_start3A_312 = tpu.memref_slice %arg6[%dma_start3A_307, %dma_start3A_308, %dma_start3A_310, %dma_start3A_311] : memref<3x16x56x32xf32, #tpu.memory_space<vmem>> -> memref<1x1x56x32xf32, #tpu.memory_space<vmem>>
    %dma_start3A_313 = tpu.memref_squeeze %dma_start3A_312 : memref<1x1x56x32xf32, #tpu.memory_space<vmem>> -> memref<56x32xf32, #tpu.memory_space<vmem>>
    %dma_start3A_314 = arith.constant 0 : i32
    %dma_start3A_315 = tpu.memref_slice %arg5[%dma_start3A_306, %dma_start3A_314] : memref<512x56xi32, #tpu.memory_space<vmem>> -> memref<1x56xi32, #tpu.memory_space<vmem>>
    %dma_start3A_316 = tpu.memref_squeeze %dma_start3A_315 : memref<1x56xi32, #tpu.memory_space<vmem>> -> memref<56xi32, #tpu.memory_space<vmem>>
    %dma_start3A_317 = arith.constant 0 : i32
    %dma_start3A_318 = arith.constant 0 : i32
    %dma_start3A_319 = tpu.memref_slice %arg3[%dma_start3A_317, %dma_start3A_318] : memref<1000000x32xf32, #tpu.memory_space<hbm>> -> memref<1000000x32xf32, #tpu.memory_space<hbm>>
    %dma_start3A_320 = tpu.memref_slice %arg7[%dma_start3A_309] : memref<3x!tpu.dma_semaphore, #tpu.memory_space<semaphore_mem>> -> memref<1x!tpu.dma_semaphore, #tpu.memory_space<semaphore_mem>>
    %dma_start3A_321 = tpu.memref_squeeze %dma_start3A_320 : memref<1x!tpu.dma_semaphore, #tpu.memory_space<semaphore_mem>> -> memref<!tpu.dma_semaphore, #tpu.memory_space<semaphore_mem>>
    tpu.enqueue_indirect_dma source(%dma_start3A_319 : memref<1000000x32xf32, #tpu.memory_space<hbm>>) target(%dma_start3A_313 : memref<56x32xf32, #tpu.memory_space<vmem>>) offsets(%dma_start3A_316 : memref<56xi32, #tpu.memory_space<vmem>>) semaphore(%dma_start3A_321 : memref<!tpu.dma_semaphore, #tpu.memory_space<semaphore_mem>>)
    %dma_start3A_322 = arith.constant 20 : i32
    %dma_start3A_323 = arith.constant 1 : i32
    %dma_start3A_324 = arith.constant 4 : i32
    %dma_start3A_325 = arith.constant 1 : i32
    %dma_start3A_326 = arith.constant 0 : i32
    %dma_start3A_327 = arith.constant 0 : i32
    %dma_start3A_328 = tpu.memref_slice %arg6[%dma_start3A_323, %dma_start3A_324, %dma_start3A_326, %dma_start3A_327] : memref<3x16x56x32xf32, #tpu.memory_space<vmem>> -> memref<1x1x56x32xf32, #tpu.memory_space<vmem>>
    %dma_start3A_329 = tpu.memref_squeeze %dma_start3A_328 : memref<1x1x56x32xf32, #tpu.memory_space<vmem>> -> memref<56x32xf32, #tpu.memory_space<vmem>>
    %dma_start3A_330 = arith.constant 0 : i32
    %dma_start3A_331 = tpu.memref_slice %arg5[%dma_start3A_322, %dma_start3A_330] : memref<512x56xi32, #tpu.memory_space<vmem>> -> memref<1x56xi32, #tpu.memory_space<vmem>>
    %dma_start3A_332 = tpu.memref_squeeze %dma_start3A_331 : memref<1x56xi32, #tpu.memory_space<vmem>> -> memref<56xi32, #tpu.memory_space<vmem>>
    %dma_start3A_333 = arith.constant 0 : i32
    %dma_start3A_334 = arith.constant 0 : i32
    %dma_start3A_335 = tpu.memref_slice %arg3[%dma_start3A_333, %dma_start3A_334] : memref<1000000x32xf32, #tpu.memory_space<hbm>> -> memref<1000000x32xf32, #tpu.memory_space<hbm>>
    %dma_start3A_336 = tpu.memref_slice %arg7[%dma_start3A_325] : memref<3x!tpu.dma_semaphore, #tpu.memory_space<semaphore_mem>> -> memref<1x!tpu.dma_semaphore, #tpu.memory_space<semaphore_mem>>
    %dma_start3A_337 = tpu.memref_squeeze %dma_start3A_336 : memref<1x!tpu.dma_semaphore, #tpu.memory_space<semaphore_mem>> -> memref<!tpu.dma_semaphore, #tpu.memory_space<semaphore_mem>>
    tpu.enqueue_indirect_dma source(%dma_start3A_335 : memref<1000000x32xf32, #tpu.memory_space<hbm>>) target(%dma_start3A_329 : memref<56x32xf32, #tpu.memory_space<vmem>>) offsets(%dma_start3A_332 : memref<56xi32, #tpu.memory_space<vmem>>) semaphore(%dma_start3A_337 : memref<!tpu.dma_semaphore, #tpu.memory_space<semaphore_mem>>)
    %dma_start3A_338 = arith.constant 21 : i32
    %dma_start3A_339 = arith.constant 1 : i32
    %dma_start3A_340 = arith.constant 5 : i32
    %dma_start3A_341 = arith.constant 1 : i32
    %dma_start3A_342 = arith.constant 0 : i32
    %dma_start3A_343 = arith.constant 0 : i32
    %dma_start3A_344 = tpu.memref_slice %arg6[%dma_start3A_339, %dma_start3A_340, %dma_start3A_342, %dma_start3A_343] : memref<3x16x56x32xf32, #tpu.memory_space<vmem>> -> memref<1x1x56x32xf32, #tpu.memory_space<vmem>>
    %dma_start3A_345 = tpu.memref_squeeze %dma_start3A_344 : memref<1x1x56x32xf32, #tpu.memory_space<vmem>> -> memref<56x32xf32, #tpu.memory_space<vmem>>
    %dma_start3A_346 = arith.constant 0 : i32
    %dma_start3A_347 = tpu.memref_slice %arg5[%dma_start3A_338, %dma_start3A_346] : memref<512x56xi32, #tpu.memory_space<vmem>> -> memref<1x56xi32, #tpu.memory_space<vmem>>
    %dma_start3A_348 = tpu.memref_squeeze %dma_start3A_347 : memref<1x56xi32, #tpu.memory_space<vmem>> -> memref<56xi32, #tpu.memory_space<vmem>>
    %dma_start3A_349 = arith.constant 0 : i32
    %dma_start3A_350 = arith.constant 0 : i32
    %dma_start3A_351 = tpu.memref_slice %arg3[%dma_start3A_349, %dma_start3A_350] : memref<1000000x32xf32, #tpu.memory_space<hbm>> -> memref<1000000x32xf32, #tpu.memory_space<hbm>>
    %dma_start3A_352 = tpu.memref_slice %arg7[%dma_start3A_341] : memref<3x!tpu.dma_semaphore, #tpu.memory_space<semaphore_mem>> -> memref<1x!tpu.dma_semaphore, #tpu.memory_space<semaphore_mem>>
    %dma_start3A_353 = tpu.memref_squeeze %dma_start3A_352 : memref<1x!tpu.dma_semaphore, #tpu.memory_space<semaphore_mem>> -> memref<!tpu.dma_semaphore, #tpu.memory_space<semaphore_mem>>
    tpu.enqueue_indirect_dma source(%dma_start3A_351 : memref<1000000x32xf32, #tpu.memory_space<hbm>>) target(%dma_start3A_345 : memref<56x32xf32, #tpu.memory_space<vmem>>) offsets(%dma_start3A_348 : memref<56xi32, #tpu.memory_space<vmem>>) semaphore(%dma_start3A_353 : memref<!tpu.dma_semaphore, #tpu.memory_space<semaphore_mem>>)
    %dma_start3A_354 = arith.constant 22 : i32
    %dma_start3A_355 = arith.constant 1 : i32
    %dma_start3A_356 = arith.constant 6 : i32
    %dma_start3A_357 = arith.constant 1 : i32
    %dma_start3A_358 = arith.constant 0 : i32
    %dma_start3A_359 = arith.constant 0 : i32
    %dma_start3A_360 = tpu.memref_slice %arg6[%dma_start3A_355, %dma_start3A_356, %dma_start3A_358, %dma_start3A_359] : memref<3x16x56x32xf32, #tpu.memory_space<vmem>> -> memref<1x1x56x32xf32, #tpu.memory_space<vmem>>
    %dma_start3A_361 = tpu.memref_squeeze %dma_start3A_360 : memref<1x1x56x32xf32, #tpu.memory_space<vmem>> -> memref<56x32xf32, #tpu.memory_space<vmem>>
    %dma_start3A_362 = arith.constant 0 : i32
    %dma_start3A_363 = tpu.memref_slice %arg5[%dma_start3A_354, %dma_start3A_362] : memref<512x56xi32, #tpu.memory_space<vmem>> -> memref<1x56xi32, #tpu.memory_space<vmem>>
    %dma_start3A_364 = tpu.memref_squeeze %dma_start3A_363 : memref<1x56xi32, #tpu.memory_space<vmem>> -> memref<56xi32, #tpu.memory_space<vmem>>
    %dma_start3A_365 = arith.constant 0 : i32
    %dma_start3A_366 = arith.constant 0 : i32
    %dma_start3A_367 = tpu.memref_slice %arg3[%dma_start3A_365, %dma_start3A_366] : memref<1000000x32xf32, #tpu.memory_space<hbm>> -> memref<1000000x32xf32, #tpu.memory_space<hbm>>
    %dma_start3A_368 = tpu.memref_slice %arg7[%dma_start3A_357] : memref<3x!tpu.dma_semaphore, #tpu.memory_space<semaphore_mem>> -> memref<1x!tpu.dma_semaphore, #tpu.memory_space<semaphore_mem>>
    %dma_start3A_369 = tpu.memref_squeeze %dma_start3A_368 : memref<1x!tpu.dma_semaphore, #tpu.memory_space<semaphore_mem>> -> memref<!tpu.dma_semaphore, #tpu.memory_space<semaphore_mem>>
    tpu.enqueue_indirect_dma source(%dma_start3A_367 : memref<1000000x32xf32, #tpu.memory_space<hbm>>) target(%dma_start3A_361 : memref<56x32xf32, #tpu.memory_space<vmem>>) offsets(%dma_start3A_364 : memref<56xi32, #tpu.memory_space<vmem>>) semaphore(%dma_start3A_369 : memref<!tpu.dma_semaphore, #tpu.memory_space<semaphore_mem>>)
    %dma_start3A_370 = arith.constant 23 : i32
    %dma_start3A_371 = arith.constant 1 : i32
    %dma_start3A_372 = arith.constant 7 : i32
    %dma_start3A_373 = arith.constant 1 : i32
    %dma_start3A_374 = arith.constant 0 : i32
    %dma_start3A_375 = arith.constant 0 : i32
    %dma_start3A_376 = tpu.memref_slice %arg6[%dma_start3A_371, %dma_start3A_372, %dma_start3A_374, %dma_start3A_375] : memref<3x16x56x32xf32, #tpu.memory_space<vmem>> -> memref<1x1x56x32xf32, #tpu.memory_space<vmem>>
    %dma_start3A_377 = tpu.memref_squeeze %dma_start3A_376 : memref<1x1x56x32xf32, #tpu.memory_space<vmem>> -> memref<56x32xf32, #tpu.memory_space<vmem>>
    %dma_start3A_378 = arith.constant 0 : i32
    %dma_start3A_379 = tpu.memref_slice %arg5[%dma_start3A_370, %dma_start3A_378] : memref<512x56xi32, #tpu.memory_space<vmem>> -> memref<1x56xi32, #tpu.memory_space<vmem>>
    %dma_start3A_380 = tpu.memref_squeeze %dma_start3A_379 : memref<1x56xi32, #tpu.memory_space<vmem>> -> memref<56xi32, #tpu.memory_space<vmem>>
    %dma_start3A_381 = arith.constant 0 : i32
    %dma_start3A_382 = arith.constant 0 : i32
    %dma_start3A_383 = tpu.memref_slice %arg3[%dma_start3A_381, %dma_start3A_382] : memref<1000000x32xf32, #tpu.memory_space<hbm>> -> memref<1000000x32xf32, #tpu.memory_space<hbm>>
    %dma_start3A_384 = tpu.memref_slice %arg7[%dma_start3A_373] : memref<3x!tpu.dma_semaphore, #tpu.memory_space<semaphore_mem>> -> memref<1x!tpu.dma_semaphore, #tpu.memory_space<semaphore_mem>>
    %dma_start3A_385 = tpu.memref_squeeze %dma_start3A_384 : memref<1x!tpu.dma_semaphore, #tpu.memory_space<semaphore_mem>> -> memref<!tpu.dma_semaphore, #tpu.memory_space<semaphore_mem>>
    tpu.enqueue_indirect_dma source(%dma_start3A_383 : memref<1000000x32xf32, #tpu.memory_space<hbm>>) target(%dma_start3A_377 : memref<56x32xf32, #tpu.memory_space<vmem>>) offsets(%dma_start3A_380 : memref<56xi32, #tpu.memory_space<vmem>>) semaphore(%dma_start3A_385 : memref<!tpu.dma_semaphore, #tpu.memory_space<semaphore_mem>>)
    %dma_start3A_386 = arith.constant 24 : i32
    %dma_start3A_387 = arith.constant 1 : i32
    %dma_start3A_388 = arith.constant 8 : i32
    %dma_start3A_389 = arith.constant 1 : i32
    %dma_start3A_390 = arith.constant 0 : i32
    %dma_start3A_391 = arith.constant 0 : i32
    %dma_start3A_392 = tpu.memref_slice %arg6[%dma_start3A_387, %dma_start3A_388, %dma_start3A_390, %dma_start3A_391] : memref<3x16x56x32xf32, #tpu.memory_space<vmem>> -> memref<1x1x56x32xf32, #tpu.memory_space<vmem>>
    %dma_start3A_393 = tpu.memref_squeeze %dma_start3A_392 : memref<1x1x56x32xf32, #tpu.memory_space<vmem>> -> memref<56x32xf32, #tpu.memory_space<vmem>>
    %dma_start3A_394 = arith.constant 0 : i32
    %dma_start3A_395 = tpu.memref_slice %arg5[%dma_start3A_386, %dma_start3A_394] : memref<512x56xi32, #tpu.memory_space<vmem>> -> memref<1x56xi32, #tpu.memory_space<vmem>>
    %dma_start3A_396 = tpu.memref_squeeze %dma_start3A_395 : memref<1x56xi32, #tpu.memory_space<vmem>> -> memref<56xi32, #tpu.memory_space<vmem>>
    %dma_start3A_397 = arith.constant 0 : i32
    %dma_start3A_398 = arith.constant 0 : i32
    %dma_start3A_399 = tpu.memref_slice %arg3[%dma_start3A_397, %dma_start3A_398] : memref<1000000x32xf32, #tpu.memory_space<hbm>> -> memref<1000000x32xf32, #tpu.memory_space<hbm>>
    %dma_start3A_400 = tpu.memref_slice %arg7[%dma_start3A_389] : memref<3x!tpu.dma_semaphore, #tpu.memory_space<semaphore_mem>> -> memref<1x!tpu.dma_semaphore, #tpu.memory_space<semaphore_mem>>
    %dma_start3A_401 = tpu.memref_squeeze %dma_start3A_400 : memref<1x!tpu.dma_semaphore, #tpu.memory_space<semaphore_mem>> -> memref<!tpu.dma_semaphore, #tpu.memory_space<semaphore_mem>>
    tpu.enqueue_indirect_dma source(%dma_start3A_399 : memref<1000000x32xf32, #tpu.memory_space<hbm>>) target(%dma_start3A_393 : memref<56x32xf32, #tpu.memory_space<vmem>>) offsets(%dma_start3A_396 : memref<56xi32, #tpu.memory_space<vmem>>) semaphore(%dma_start3A_401 : memref<!tpu.dma_semaphore, #tpu.memory_space<semaphore_mem>>)
    %dma_start3A_402 = arith.constant 25 : i32
    %dma_start3A_403 = arith.constant 1 : i32
    %dma_start3A_404 = arith.constant 9 : i32
    %dma_start3A_405 = arith.constant 1 : i32
    %dma_start3A_406 = arith.constant 0 : i32
    %dma_start3A_407 = arith.constant 0 : i32
    %dma_start3A_408 = tpu.memref_slice %arg6[%dma_start3A_403, %dma_start3A_404, %dma_start3A_406, %dma_start3A_407] : memref<3x16x56x32xf32, #tpu.memory_space<vmem>> -> memref<1x1x56x32xf32, #tpu.memory_space<vmem>>
    %dma_start3A_409 = tpu.memref_squeeze %dma_start3A_408 : memref<1x1x56x32xf32, #tpu.memory_space<vmem>> -> memref<56x32xf32, #tpu.memory_space<vmem>>
    %dma_start3A_410 = arith.constant 0 : i32
    %dma_start3A_411 = tpu.memref_slice %arg5[%dma_start3A_402, %dma_start3A_410] : memref<512x56xi32, #tpu.memory_space<vmem>> -> memref<1x56xi32, #tpu.memory_space<vmem>>
    %dma_start3A_412 = tpu.memref_squeeze %dma_start3A_411 : memref<1x56xi32, #tpu.memory_space<vmem>> -> memref<56xi32, #tpu.memory_space<vmem>>
    %dma_start3A_413 = arith.constant 0 : i32
    %dma_start3A_414 = arith.constant 0 : i32
    %dma_start3A_415 = tpu.memref_slice %arg3[%dma_start3A_413, %dma_start3A_414] : memref<1000000x32xf32, #tpu.memory_space<hbm>> -> memref<1000000x32xf32, #tpu.memory_space<hbm>>
    %dma_start3A_416 = tpu.memref_slice %arg7[%dma_start3A_405] : memref<3x!tpu.dma_semaphore, #tpu.memory_space<semaphore_mem>> -> memref<1x!tpu.dma_semaphore, #tpu.memory_space<semaphore_mem>>
    %dma_start3A_417 = tpu.memref_squeeze %dma_start3A_416 : memref<1x!tpu.dma_semaphore, #tpu.memory_space<semaphore_mem>> -> memref<!tpu.dma_semaphore, #tpu.memory_space<semaphore_mem>>
    tpu.enqueue_indirect_dma source(%dma_start3A_415 : memref<1000000x32xf32, #tpu.memory_space<hbm>>) target(%dma_start3A_409 : memref<56x32xf32, #tpu.memory_space<vmem>>) offsets(%dma_start3A_412 : memref<56xi32, #tpu.memory_space<vmem>>) semaphore(%dma_start3A_417 : memref<!tpu.dma_semaphore, #tpu.memory_space<semaphore_mem>>)
    %dma_start3A_418 = arith.constant 26 : i32
    %dma_start3A_419 = arith.constant 1 : i32
    %dma_start3A_420 = arith.constant 10 : i32
    %dma_start3A_421 = arith.constant 1 : i32
    %dma_start3A_422 = arith.constant 0 : i32
    %dma_start3A_423 = arith.constant 0 : i32
    %dma_start3A_424 = tpu.memref_slice %arg6[%dma_start3A_419, %dma_start3A_420, %dma_start3A_422, %dma_start3A_423] : memref<3x16x56x32xf32, #tpu.memory_space<vmem>> -> memref<1x1x56x32xf32, #tpu.memory_space<vmem>>
    %dma_start3A_425 = tpu.memref_squeeze %dma_start3A_424 : memref<1x1x56x32xf32, #tpu.memory_space<vmem>> -> memref<56x32xf32, #tpu.memory_space<vmem>>
    %dma_start3A_426 = arith.constant 0 : i32
    %dma_start3A_427 = tpu.memref_slice %arg5[%dma_start3A_418, %dma_start3A_426] : memref<512x56xi32, #tpu.memory_space<vmem>> -> memref<1x56xi32, #tpu.memory_space<vmem>>
    %dma_start3A_428 = tpu.memref_squeeze %dma_start3A_427 : memref<1x56xi32, #tpu.memory_space<vmem>> -> memref<56xi32, #tpu.memory_space<vmem>>
    %dma_start3A_429 = arith.constant 0 : i32
    %dma_start3A_430 = arith.constant 0 : i32
    %dma_start3A_431 = tpu.memref_slice %arg3[%dma_start3A_429, %dma_start3A_430] : memref<1000000x32xf32, #tpu.memory_space<hbm>> -> memref<1000000x32xf32, #tpu.memory_space<hbm>>
    %dma_start3A_432 = tpu.memref_slice %arg7[%dma_start3A_421] : memref<3x!tpu.dma_semaphore, #tpu.memory_space<semaphore_mem>> -> memref<1x!tpu.dma_semaphore, #tpu.memory_space<semaphore_mem>>
    %dma_start3A_433 = tpu.memref_squeeze %dma_start3A_432 : memref<1x!tpu.dma_semaphore, #tpu.memory_space<semaphore_mem>> -> memref<!tpu.dma_semaphore, #tpu.memory_space<semaphore_mem>>
    tpu.enqueue_indirect_dma source(%dma_start3A_431 : memref<1000000x32xf32, #tpu.memory_space<hbm>>) target(%dma_start3A_425 : memref<56x32xf32, #tpu.memory_space<vmem>>) offsets(%dma_start3A_428 : memref<56xi32, #tpu.memory_space<vmem>>) semaphore(%dma_start3A_433 : memref<!tpu.dma_semaphore, #tpu.memory_space<semaphore_mem>>)
    %dma_start3A_434 = arith.constant 27 : i32
    %dma_start3A_435 = arith.constant 1 : i32
    %dma_start3A_436 = arith.constant 11 : i32
    %dma_start3A_437 = arith.constant 1 : i32
    %dma_start3A_438 = arith.constant 0 : i32
    %dma_start3A_439 = arith.constant 0 : i32
    %dma_start3A_440 = tpu.memref_slice %arg6[%dma_start3A_435, %dma_start3A_436, %dma_start3A_438, %dma_start3A_439] : memref<3x16x56x32xf32, #tpu.memory_space<vmem>> -> memref<1x1x56x32xf32, #tpu.memory_space<vmem>>
    %dma_start3A_441 = tpu.memref_squeeze %dma_start3A_440 : memref<1x1x56x32xf32, #tpu.memory_space<vmem>> -> memref<56x32xf32, #tpu.memory_space<vmem>>
    %dma_start3A_442 = arith.constant 0 : i32
    %dma_start3A_443 = tpu.memref_slice %arg5[%dma_start3A_434, %dma_start3A_442] : memref<512x56xi32, #tpu.memory_space<vmem>> -> memref<1x56xi32, #tpu.memory_space<vmem>>
    %dma_start3A_444 = tpu.memref_squeeze %dma_start3A_443 : memref<1x56xi32, #tpu.memory_space<vmem>> -> memref<56xi32, #tpu.memory_space<vmem>>
    %dma_start3A_445 = arith.constant 0 : i32
    %dma_start3A_446 = arith.constant 0 : i32
    %dma_start3A_447 = tpu.memref_slice %arg3[%dma_start3A_445, %dma_start3A_446] : memref<1000000x32xf32, #tpu.memory_space<hbm>> -> memref<1000000x32xf32, #tpu.memory_space<hbm>>
    %dma_start3A_448 = tpu.memref_slice %arg7[%dma_start3A_437] : memref<3x!tpu.dma_semaphore, #tpu.memory_space<semaphore_mem>> -> memref<1x!tpu.dma_semaphore, #tpu.memory_space<semaphore_mem>>
    %dma_start3A_449 = tpu.memref_squeeze %dma_start3A_448 : memref<1x!tpu.dma_semaphore, #tpu.memory_space<semaphore_mem>> -> memref<!tpu.dma_semaphore, #tpu.memory_space<semaphore_mem>>
    tpu.enqueue_indirect_dma source(%dma_start3A_447 : memref<1000000x32xf32, #tpu.memory_space<hbm>>) target(%dma_start3A_441 : memref<56x32xf32, #tpu.memory_space<vmem>>) offsets(%dma_start3A_444 : memref<56xi32, #tpu.memory_space<vmem>>) semaphore(%dma_start3A_449 : memref<!tpu.dma_semaphore, #tpu.memory_space<semaphore_mem>>)
    %dma_start3A_450 = arith.constant 28 : i32
    %dma_start3A_451 = arith.constant 1 : i32
    %dma_start3A_452 = arith.constant 12 : i32
    %dma_start3A_453 = arith.constant 1 : i32
    %dma_start3A_454 = arith.constant 0 : i32
    %dma_start3A_455 = arith.constant 0 : i32
    %dma_start3A_456 = tpu.memref_slice %arg6[%dma_start3A_451, %dma_start3A_452, %dma_start3A_454, %dma_start3A_455] : memref<3x16x56x32xf32, #tpu.memory_space<vmem>> -> memref<1x1x56x32xf32, #tpu.memory_space<vmem>>
    %dma_start3A_457 = tpu.memref_squeeze %dma_start3A_456 : memref<1x1x56x32xf32, #tpu.memory_space<vmem>> -> memref<56x32xf32, #tpu.memory_space<vmem>>
    %dma_start3A_458 = arith.constant 0 : i32
    %dma_start3A_459 = tpu.memref_slice %arg5[%dma_start3A_450, %dma_start3A_458] : memref<512x56xi32, #tpu.memory_space<vmem>> -> memref<1x56xi32, #tpu.memory_space<vmem>>
    %dma_start3A_460 = tpu.memref_squeeze %dma_start3A_459 : memref<1x56xi32, #tpu.memory_space<vmem>> -> memref<56xi32, #tpu.memory_space<vmem>>
    %dma_start3A_461 = arith.constant 0 : i32
    %dma_start3A_462 = arith.constant 0 : i32
    %dma_start3A_463 = tpu.memref_slice %arg3[%dma_start3A_461, %dma_start3A_462] : memref<1000000x32xf32, #tpu.memory_space<hbm>> -> memref<1000000x32xf32, #tpu.memory_space<hbm>>
    %dma_start3A_464 = tpu.memref_slice %arg7[%dma_start3A_453] : memref<3x!tpu.dma_semaphore, #tpu.memory_space<semaphore_mem>> -> memref<1x!tpu.dma_semaphore, #tpu.memory_space<semaphore_mem>>
    %dma_start3A_465 = tpu.memref_squeeze %dma_start3A_464 : memref<1x!tpu.dma_semaphore, #tpu.memory_space<semaphore_mem>> -> memref<!tpu.dma_semaphore, #tpu.memory_space<semaphore_mem>>
    tpu.enqueue_indirect_dma source(%dma_start3A_463 : memref<1000000x32xf32, #tpu.memory_space<hbm>>) target(%dma_start3A_457 : memref<56x32xf32, #tpu.memory_space<vmem>>) offsets(%dma_start3A_460 : memref<56xi32, #tpu.memory_space<vmem>>) semaphore(%dma_start3A_465 : memref<!tpu.dma_semaphore, #tpu.memory_space<semaphore_mem>>)
    %dma_start3A_466 = arith.constant 29 : i32
    %dma_start3A_467 = arith.constant 1 : i32
    %dma_start3A_468 = arith.constant 13 : i32
    %dma_start3A_469 = arith.constant 1 : i32
    %dma_start3A_470 = arith.constant 0 : i32
    %dma_start3A_471 = arith.constant 0 : i32
    %dma_start3A_472 = tpu.memref_slice %arg6[%dma_start3A_467, %dma_start3A_468, %dma_start3A_470, %dma_start3A_471] : memref<3x16x56x32xf32, #tpu.memory_space<vmem>> -> memref<1x1x56x32xf32, #tpu.memory_space<vmem>>
    %dma_start3A_473 = tpu.memref_squeeze %dma_start3A_472 : memref<1x1x56x32xf32, #tpu.memory_space<vmem>> -> memref<56x32xf32, #tpu.memory_space<vmem>>
    %dma_start3A_474 = arith.constant 0 : i32
    %dma_start3A_475 = tpu.memref_slice %arg5[%dma_start3A_466, %dma_start3A_474] : memref<512x56xi32, #tpu.memory_space<vmem>> -> memref<1x56xi32, #tpu.memory_space<vmem>>
    %dma_start3A_476 = tpu.memref_squeeze %dma_start3A_475 : memref<1x56xi32, #tpu.memory_space<vmem>> -> memref<56xi32, #tpu.memory_space<vmem>>
    %dma_start3A_477 = arith.constant 0 : i32
    %dma_start3A_478 = arith.constant 0 : i32
    %dma_start3A_479 = tpu.memref_slice %arg3[%dma_start3A_477, %dma_start3A_478] : memref<1000000x32xf32, #tpu.memory_space<hbm>> -> memref<1000000x32xf32, #tpu.memory_space<hbm>>
    %dma_start3A_480 = tpu.memref_slice %arg7[%dma_start3A_469] : memref<3x!tpu.dma_semaphore, #tpu.memory_space<semaphore_mem>> -> memref<1x!tpu.dma_semaphore, #tpu.memory_space<semaphore_mem>>
    %dma_start3A_481 = tpu.memref_squeeze %dma_start3A_480 : memref<1x!tpu.dma_semaphore, #tpu.memory_space<semaphore_mem>> -> memref<!tpu.dma_semaphore, #tpu.memory_space<semaphore_mem>>
    tpu.enqueue_indirect_dma source(%dma_start3A_479 : memref<1000000x32xf32, #tpu.memory_space<hbm>>) target(%dma_start3A_473 : memref<56x32xf32, #tpu.memory_space<vmem>>) offsets(%dma_start3A_476 : memref<56xi32, #tpu.memory_space<vmem>>) semaphore(%dma_start3A_481 : memref<!tpu.dma_semaphore, #tpu.memory_space<semaphore_mem>>)
    %dma_start3A_482 = arith.constant 30 : i32
    %dma_start3A_483 = arith.constant 1 : i32
    %dma_start3A_484 = arith.constant 14 : i32
    %dma_start3A_485 = arith.constant 1 : i32
    %dma_start3A_486 = arith.constant 0 : i32
    %dma_start3A_487 = arith.constant 0 : i32
    %dma_start3A_488 = tpu.memref_slice %arg6[%dma_start3A_483, %dma_start3A_484, %dma_start3A_486, %dma_start3A_487] : memref<3x16x56x32xf32, #tpu.memory_space<vmem>> -> memref<1x1x56x32xf32, #tpu.memory_space<vmem>>
    %dma_start3A_489 = tpu.memref_squeeze %dma_start3A_488 : memref<1x1x56x32xf32, #tpu.memory_space<vmem>> -> memref<56x32xf32, #tpu.memory_space<vmem>>
    %dma_start3A_490 = arith.constant 0 : i32
    %dma_start3A_491 = tpu.memref_slice %arg5[%dma_start3A_482, %dma_start3A_490] : memref<512x56xi32, #tpu.memory_space<vmem>> -> memref<1x56xi32, #tpu.memory_space<vmem>>
    %dma_start3A_492 = tpu.memref_squeeze %dma_start3A_491 : memref<1x56xi32, #tpu.memory_space<vmem>> -> memref<56xi32, #tpu.memory_space<vmem>>
    %dma_start3A_493 = arith.constant 0 : i32
    %dma_start3A_494 = arith.constant 0 : i32
    %dma_start3A_495 = tpu.memref_slice %arg3[%dma_start3A_493, %dma_start3A_494] : memref<1000000x32xf32, #tpu.memory_space<hbm>> -> memref<1000000x32xf32, #tpu.memory_space<hbm>>
    %dma_start3A_496 = tpu.memref_slice %arg7[%dma_start3A_485] : memref<3x!tpu.dma_semaphore, #tpu.memory_space<semaphore_mem>> -> memref<1x!tpu.dma_semaphore, #tpu.memory_space<semaphore_mem>>
    %dma_start3A_497 = tpu.memref_squeeze %dma_start3A_496 : memref<1x!tpu.dma_semaphore, #tpu.memory_space<semaphore_mem>> -> memref<!tpu.dma_semaphore, #tpu.memory_space<semaphore_mem>>
    tpu.enqueue_indirect_dma source(%dma_start3A_495 : memref<1000000x32xf32, #tpu.memory_space<hbm>>) target(%dma_start3A_489 : memref<56x32xf32, #tpu.memory_space<vmem>>) offsets(%dma_start3A_492 : memref<56xi32, #tpu.memory_space<vmem>>) semaphore(%dma_start3A_497 : memref<!tpu.dma_semaphore, #tpu.memory_space<semaphore_mem>>)
    %dma_start3A_498 = arith.constant 31 : i32
    %dma_start3A_499 = arith.constant 1 : i32
    %dma_start3A_500 = arith.constant 15 : i32
    %dma_start3A_501 = arith.constant 1 : i32
    %dma_start3A_502 = arith.constant 0 : i32
    %dma_start3A_503 = arith.constant 0 : i32
    %dma_start3A_504 = tpu.memref_slice %arg6[%dma_start3A_499, %dma_start3A_500, %dma_start3A_502, %dma_start3A_503] : memref<3x16x56x32xf32, #tpu.memory_space<vmem>> -> memref<1x1x56x32xf32, #tpu.memory_space<vmem>>
    %dma_start3A_505 = tpu.memref_squeeze %dma_start3A_504 : memref<1x1x56x32xf32, #tpu.memory_space<vmem>> -> memref<56x32xf32, #tpu.memory_space<vmem>>
    %dma_start3A_506 = arith.constant 0 : i32
    %dma_start3A_507 = tpu.memref_slice %arg5[%dma_start3A_498, %dma_start3A_506] : memref<512x56xi32, #tpu.memory_space<vmem>> -> memref<1x56xi32, #tpu.memory_space<vmem>>
    %dma_start3A_508 = tpu.memref_squeeze %dma_start3A_507 : memref<1x56xi32, #tpu.memory_space<vmem>> -> memref<56xi32, #tpu.memory_space<vmem>>
    %dma_start3A_509 = arith.constant 0 : i32
    %dma_start3A_510 = arith.constant 0 : i32
    %dma_start3A_511 = tpu.memref_slice %arg3[%dma_start3A_509, %dma_start3A_510] : memref<1000000x32xf32, #tpu.memory_space<hbm>> -> memref<1000000x32xf32, #tpu.memory_space<hbm>>
    %dma_start3A_512 = tpu.memref_slice %arg7[%dma_start3A_501] : memref<3x!tpu.dma_semaphore, #tpu.memory_space<semaphore_mem>> -> memref<1x!tpu.dma_semaphore, #tpu.memory_space<semaphore_mem>>
    %dma_start3A_513 = tpu.memref_squeeze %dma_start3A_512 : memref<1x!tpu.dma_semaphore, #tpu.memory_space<semaphore_mem>> -> memref<!tpu.dma_semaphore, #tpu.memory_space<semaphore_mem>>
    tpu.enqueue_indirect_dma source(%dma_start3A_511 : memref<1000000x32xf32, #tpu.memory_space<hbm>>) target(%dma_start3A_505 : memref<56x32xf32, #tpu.memory_space<vmem>>) offsets(%dma_start3A_508 : memref<56xi32, #tpu.memory_space<vmem>>) semaphore(%dma_start3A_513 : memref<!tpu.dma_semaphore, #tpu.memory_space<semaphore_mem>>)
    %scan3A = arith.constant 0 : i32
    %scan3A_514 = arith.constant 0 : i32
    %scan3A_515 = arith.constant 32 : i32
    %scan3A_516 = arith.addi %scan3A_514, %scan3A_515 : i32
    %scan3A_517 = arith.constant 1 : i32
    %scan3A_518 = scf.for %scan3A_585 = %scan3A_514 to %scan3A_516 step %scan3A_517 iter_args(%scan3A_586 = %scan3A) -> (i32)  : i32 {
      %jit3A = arith.constant 3 : i32
      %eq3A = arith.constant 0 : i32
      %eq3A_587 = arith.cmpi eq, %jit3A, %eq3A : i32
      %jit3A_588 = arith.constant 1 : i32
      %select_n3A = arith.select %eq3A_587, %jit3A_588, %jit3A : i32
      %rem3A = arith.remsi %scan3A_585, %select_n3A : i32
      %ne3A = arith.constant 0 : i32
      %ne3A_589 = arith.cmpi ne, %rem3A, %ne3A : i32
      %lt3A = arith.constant 0 : i32
      %lt3A_590 = arith.cmpi slt, %rem3A, %lt3A : i32
      %lt3A_591 = arith.constant 0 : i32
      %lt3A_592 = arith.cmpi slt, %select_n3A, %lt3A_591 : i32
      %ne3A_593 = arith.xori %lt3A_590, %lt3A_592 : i1
      %and3A = arith.andi %ne3A_593, %ne3A_589 : i1
      %add3A_594 = arith.addi %rem3A, %select_n3A : i32
      %select_n3A_595 = arith.select %and3A, %add3A_594, %rem3A : i32
      %add3A_596 = arith.constant 2 : i32
      %add3A_597 = arith.addi %scan3A_585, %add3A_596 : i32
      %lt3A_598 = arith.constant 32 : i32
      %lt3A_599 = arith.cmpi slt, %add3A_597, %lt3A_598 : i32
      %convert_element_type3A = arith.extui %lt3A_599 : i1 to i32
      %cond3A = arith.constant 0 : i32
      %cond3A_600 = arith.cmpi ne, %convert_element_type3A, %cond3A : i32
      scf.if %cond3A_600 {
        %add3A_895 = arith.constant 2 : i32
        %add3A_896 = arith.addi %scan3A_585, %add3A_895 : i32
        %jit3A_897 = arith.constant 3 : i32
        %eq3A_898 = arith.constant 0 : i32
        %eq3A_899 = arith.cmpi eq, %jit3A_897, %eq3A_898 : i32
        %jit3A_900 = arith.constant 1 : i32
        %select_n3A_901 = arith.select %eq3A_899, %jit3A_900, %jit3A_897 : i32
        %rem3A_902 = arith.remsi %add3A_896, %select_n3A_901 : i32
        %ne3A_903 = arith.constant 0 : i32
        %ne3A_904 = arith.cmpi ne, %rem3A_902, %ne3A_903 : i32
        %lt3A_905 = arith.constant 0 : i32
        %lt3A_906 = arith.cmpi slt, %rem3A_902, %lt3A_905 : i32
        %lt3A_907 = arith.constant 0 : i32
        %lt3A_908 = arith.cmpi slt, %select_n3A_901, %lt3A_907 : i32
        %ne3A_909 = arith.xori %lt3A_906, %lt3A_908 : i1
        %and3A_910 = arith.andi %ne3A_909, %ne3A_904 : i1
        %add3A_911 = arith.addi %rem3A_902, %select_n3A_901 : i32
        %select_n3A_912 = arith.select %and3A_910, %add3A_911, %rem3A_902 : i32
        %ge3A = arith.constant 1 : i32
        %ge3A_913 = arith.cmpi sge, %scan3A_585, %ge3A : i32
        %convert_element_type3A_914 = arith.extui %ge3A_913 : i1 to i32
        %cond3A_915 = arith.constant 0 : i32
        %cond3A_916 = arith.cmpi ne, %convert_element_type3A_914, %cond3A_915 : i32
        scf.if %cond3A_916 {
          %sub3A = arith.constant 1 : i32
          %sub3A_1191 = arith.subi %scan3A_585, %sub3A : i32
          %mul3A_1192 = arith.constant 16 : i32
          %mul3A_1193 = arith.muli %sub3A_1191, %mul3A_1192 : i32
          %add3A_1194 = arith.addi %mul3A_2, %mul3A_1193 : i32
          %dma_wait3A_1195 = arith.constant 0 : i32
          %dma_wait3A_1196 = arith.constant 0 : i32
          %dma_wait3A_1197 = arith.constant 0 : i32
          %dma_wait3A_1198 = tpu.memref_slice %arg6[%select_n3A_912, %dma_wait3A_1195, %dma_wait3A_1196, %dma_wait3A_1197] : memref<3x16x56x32xf32, #tpu.memory_space<vmem>> -> memref<1x16x50x32xf32, #tpu.memory_space<vmem>>
          %dma_wait3A_1199 = tpu.memref_squeeze %dma_wait3A_1198 : memref<1x16x50x32xf32, #tpu.memory_space<vmem>> -> memref<16x50x32xf32, #tpu.memory_space<vmem>>
          %dma_wait3A_1200 = arith.constant 0 : i32
          %dma_wait3A_1201 = arith.constant 0 : i32
          %dma_wait3A_1202 = tpu.memref_slice %arg4[%add3A_1194, %dma_wait3A_1200, %dma_wait3A_1201] : memref<16384x50x32xf32, #tpu.memory_space<hbm>> -> memref<16x50x32xf32, #tpu.memory_space<hbm>>
          %dma_wait3A_1203 = tpu.memref_slice %arg8[%select_n3A_912] : memref<3x!tpu.dma_semaphore, #tpu.memory_space<semaphore_mem>> -> memref<1x!tpu.dma_semaphore, #tpu.memory_space<semaphore_mem>>
          %dma_wait3A_1204 = tpu.memref_squeeze %dma_wait3A_1203 : memref<1x!tpu.dma_semaphore, #tpu.memory_space<semaphore_mem>> -> memref<!tpu.dma_semaphore, #tpu.memory_space<semaphore_mem>>
          %dma_wait3A_1205 = arith.constant 0 : i32
          %dma_wait3A_1206 = arith.constant 0 : i32
          %dma_wait3A_1207 = tpu.memref_slice %arg4[%add3A_1194, %dma_wait3A_1205, %dma_wait3A_1206] : memref<16384x50x32xf32, #tpu.memory_space<hbm>> -> memref<16x50x32xf32, #tpu.memory_space<hbm>>
          %dma_wait3A_1208 = arith.constant 0 : i32
          %dma_wait3A_1209 = arith.constant 0 : i32
          %dma_wait3A_1210 = arith.constant 0 : i32
          %dma_wait3A_1211 = tpu.memref_slice %arg6[%select_n3A_912, %dma_wait3A_1208, %dma_wait3A_1209, %dma_wait3A_1210] : memref<3x16x56x32xf32, #tpu.memory_space<vmem>> -> memref<1x16x50x32xf32, #tpu.memory_space<vmem>>
          %dma_wait3A_1212 = tpu.memref_squeeze %dma_wait3A_1211 : memref<1x16x50x32xf32, #tpu.memory_space<vmem>> -> memref<16x50x32xf32, #tpu.memory_space<vmem>>
          tpu.wait_dma2 semaphore(%dma_wait3A_1204 : memref<!tpu.dma_semaphore, #tpu.memory_space<semaphore_mem>>) src(%dma_wait3A_1212 : memref<16x50x32xf32, #tpu.memory_space<vmem>>) dst(%dma_wait3A_1207 : memref<16x50x32xf32, #tpu.memory_space<hbm>>)
        } else {
        }
        %add3A_917 = arith.constant 2 : i32
        %add3A_918 = arith.addi %scan3A_585, %add3A_917 : i32
        %mul3A_919 = arith.constant 16 : i32
        %mul3A_920 = arith.muli %add3A_918, %mul3A_919 : i32
        %add3A_921 = arith.constant 0 : i32
        %add3A_922 = arith.addi %mul3A_920, %add3A_921 : i32
        %dma_start3A_923 = arith.constant 0 : i32
        %dma_start3A_924 = arith.constant 0 : i32
        %dma_start3A_925 = arith.constant 0 : i32
        %dma_start3A_926 = tpu.memref_slice %arg6[%select_n3A_912, %dma_start3A_923, %dma_start3A_924, %dma_start3A_925] : memref<3x16x56x32xf32, #tpu.memory_space<vmem>> -> memref<1x1x56x32xf32, #tpu.memory_space<vmem>>
        %dma_start3A_927 = tpu.memref_squeeze %dma_start3A_926 : memref<1x1x56x32xf32, #tpu.memory_space<vmem>> -> memref<56x32xf32, #tpu.memory_space<vmem>>
        %dma_start3A_928 = arith.constant 0 : i32
        %dma_start3A_929 = tpu.memref_slice %arg5[%add3A_922, %dma_start3A_928] : memref<512x56xi32, #tpu.memory_space<vmem>> -> memref<1x56xi32, #tpu.memory_space<vmem>>
        %dma_start3A_930 = tpu.memref_squeeze %dma_start3A_929 : memref<1x56xi32, #tpu.memory_space<vmem>> -> memref<56xi32, #tpu.memory_space<vmem>>
        %dma_start3A_931 = arith.constant 0 : i32
        %dma_start3A_932 = arith.constant 0 : i32
        %dma_start3A_933 = tpu.memref_slice %arg3[%dma_start3A_931, %dma_start3A_932] : memref<1000000x32xf32, #tpu.memory_space<hbm>> -> memref<1000000x32xf32, #tpu.memory_space<hbm>>
        %dma_start3A_934 = tpu.memref_slice %arg7[%select_n3A_912] : memref<3x!tpu.dma_semaphore, #tpu.memory_space<semaphore_mem>> -> memref<1x!tpu.dma_semaphore, #tpu.memory_space<semaphore_mem>>
        %dma_start3A_935 = tpu.memref_squeeze %dma_start3A_934 : memref<1x!tpu.dma_semaphore, #tpu.memory_space<semaphore_mem>> -> memref<!tpu.dma_semaphore, #tpu.memory_space<semaphore_mem>>
        tpu.enqueue_indirect_dma source(%dma_start3A_933 : memref<1000000x32xf32, #tpu.memory_space<hbm>>) target(%dma_start3A_927 : memref<56x32xf32, #tpu.memory_space<vmem>>) offsets(%dma_start3A_930 : memref<56xi32, #tpu.memory_space<vmem>>) semaphore(%dma_start3A_935 : memref<!tpu.dma_semaphore, #tpu.memory_space<semaphore_mem>>)
        %mul3A_936 = arith.constant 16 : i32
        %mul3A_937 = arith.muli %add3A_918, %mul3A_936 : i32
        %add3A_938 = arith.constant 1 : i32
        %add3A_939 = arith.addi %mul3A_937, %add3A_938 : i32
        %dma_start3A_940 = arith.constant 1 : i32
        %dma_start3A_941 = arith.constant 0 : i32
        %dma_start3A_942 = arith.constant 0 : i32
        %dma_start3A_943 = tpu.memref_slice %arg6[%select_n3A_912, %dma_start3A_940, %dma_start3A_941, %dma_start3A_942] : memref<3x16x56x32xf32, #tpu.memory_space<vmem>> -> memref<1x1x56x32xf32, #tpu.memory_space<vmem>>
        %dma_start3A_944 = tpu.memref_squeeze %dma_start3A_943 : memref<1x1x56x32xf32, #tpu.memory_space<vmem>> -> memref<56x32xf32, #tpu.memory_space<vmem>>
        %dma_start3A_945 = arith.constant 0 : i32
        %dma_start3A_946 = tpu.memref_slice %arg5[%add3A_939, %dma_start3A_945] : memref<512x56xi32, #tpu.memory_space<vmem>> -> memref<1x56xi32, #tpu.memory_space<vmem>>
        %dma_start3A_947 = tpu.memref_squeeze %dma_start3A_946 : memref<1x56xi32, #tpu.memory_space<vmem>> -> memref<56xi32, #tpu.memory_space<vmem>>
        %dma_start3A_948 = arith.constant 0 : i32
        %dma_start3A_949 = arith.constant 0 : i32
        %dma_start3A_950 = tpu.memref_slice %arg3[%dma_start3A_948, %dma_start3A_949] : memref<1000000x32xf32, #tpu.memory_space<hbm>> -> memref<1000000x32xf32, #tpu.memory_space<hbm>>
        %dma_start3A_951 = tpu.memref_slice %arg7[%select_n3A_912] : memref<3x!tpu.dma_semaphore, #tpu.memory_space<semaphore_mem>> -> memref<1x!tpu.dma_semaphore, #tpu.memory_space<semaphore_mem>>
        %dma_start3A_952 = tpu.memref_squeeze %dma_start3A_951 : memref<1x!tpu.dma_semaphore, #tpu.memory_space<semaphore_mem>> -> memref<!tpu.dma_semaphore, #tpu.memory_space<semaphore_mem>>
        tpu.enqueue_indirect_dma source(%dma_start3A_950 : memref<1000000x32xf32, #tpu.memory_space<hbm>>) target(%dma_start3A_944 : memref<56x32xf32, #tpu.memory_space<vmem>>) offsets(%dma_start3A_947 : memref<56xi32, #tpu.memory_space<vmem>>) semaphore(%dma_start3A_952 : memref<!tpu.dma_semaphore, #tpu.memory_space<semaphore_mem>>)
        %mul3A_953 = arith.constant 16 : i32
        %mul3A_954 = arith.muli %add3A_918, %mul3A_953 : i32
        %add3A_955 = arith.constant 2 : i32
        %add3A_956 = arith.addi %mul3A_954, %add3A_955 : i32
        %dma_start3A_957 = arith.constant 2 : i32
        %dma_start3A_958 = arith.constant 0 : i32
        %dma_start3A_959 = arith.constant 0 : i32
        %dma_start3A_960 = tpu.memref_slice %arg6[%select_n3A_912, %dma_start3A_957, %dma_start3A_958, %dma_start3A_959] : memref<3x16x56x32xf32, #tpu.memory_space<vmem>> -> memref<1x1x56x32xf32, #tpu.memory_space<vmem>>
        %dma_start3A_961 = tpu.memref_squeeze %dma_start3A_960 : memref<1x1x56x32xf32, #tpu.memory_space<vmem>> -> memref<56x32xf32, #tpu.memory_space<vmem>>
        %dma_start3A_962 = arith.constant 0 : i32
        %dma_start3A_963 = tpu.memref_slice %arg5[%add3A_956, %dma_start3A_962] : memref<512x56xi32, #tpu.memory_space<vmem>> -> memref<1x56xi32, #tpu.memory_space<vmem>>
        %dma_start3A_964 = tpu.memref_squeeze %dma_start3A_963 : memref<1x56xi32, #tpu.memory_space<vmem>> -> memref<56xi32, #tpu.memory_space<vmem>>
        %dma_start3A_965 = arith.constant 0 : i32
        %dma_start3A_966 = arith.constant 0 : i32
        %dma_start3A_967 = tpu.memref_slice %arg3[%dma_start3A_965, %dma_start3A_966] : memref<1000000x32xf32, #tpu.memory_space<hbm>> -> memref<1000000x32xf32, #tpu.memory_space<hbm>>
        %dma_start3A_968 = tpu.memref_slice %arg7[%select_n3A_912] : memref<3x!tpu.dma_semaphore, #tpu.memory_space<semaphore_mem>> -> memref<1x!tpu.dma_semaphore, #tpu.memory_space<semaphore_mem>>
        %dma_start3A_969 = tpu.memref_squeeze %dma_start3A_968 : memref<1x!tpu.dma_semaphore, #tpu.memory_space<semaphore_mem>> -> memref<!tpu.dma_semaphore, #tpu.memory_space<semaphore_mem>>
        tpu.enqueue_indirect_dma source(%dma_start3A_967 : memref<1000000x32xf32, #tpu.memory_space<hbm>>) target(%dma_start3A_961 : memref<56x32xf32, #tpu.memory_space<vmem>>) offsets(%dma_start3A_964 : memref<56xi32, #tpu.memory_space<vmem>>) semaphore(%dma_start3A_969 : memref<!tpu.dma_semaphore, #tpu.memory_space<semaphore_mem>>)
        %mul3A_970 = arith.constant 16 : i32
        %mul3A_971 = arith.muli %add3A_918, %mul3A_970 : i32
        %add3A_972 = arith.constant 3 : i32
        %add3A_973 = arith.addi %mul3A_971, %add3A_972 : i32
        %dma_start3A_974 = arith.constant 3 : i32
        %dma_start3A_975 = arith.constant 0 : i32
        %dma_start3A_976 = arith.constant 0 : i32
        %dma_start3A_977 = tpu.memref_slice %arg6[%select_n3A_912, %dma_start3A_974, %dma_start3A_975, %dma_start3A_976] : memref<3x16x56x32xf32, #tpu.memory_space<vmem>> -> memref<1x1x56x32xf32, #tpu.memory_space<vmem>>
        %dma_start3A_978 = tpu.memref_squeeze %dma_start3A_977 : memref<1x1x56x32xf32, #tpu.memory_space<vmem>> -> memref<56x32xf32, #tpu.memory_space<vmem>>
        %dma_start3A_979 = arith.constant 0 : i32
        %dma_start3A_980 = tpu.memref_slice %arg5[%add3A_973, %dma_start3A_979] : memref<512x56xi32, #tpu.memory_space<vmem>> -> memref<1x56xi32, #tpu.memory_space<vmem>>
        %dma_start3A_981 = tpu.memref_squeeze %dma_start3A_980 : memref<1x56xi32, #tpu.memory_space<vmem>> -> memref<56xi32, #tpu.memory_space<vmem>>
        %dma_start3A_982 = arith.constant 0 : i32
        %dma_start3A_983 = arith.constant 0 : i32
        %dma_start3A_984 = tpu.memref_slice %arg3[%dma_start3A_982, %dma_start3A_983] : memref<1000000x32xf32, #tpu.memory_space<hbm>> -> memref<1000000x32xf32, #tpu.memory_space<hbm>>
        %dma_start3A_985 = tpu.memref_slice %arg7[%select_n3A_912] : memref<3x!tpu.dma_semaphore, #tpu.memory_space<semaphore_mem>> -> memref<1x!tpu.dma_semaphore, #tpu.memory_space<semaphore_mem>>
        %dma_start3A_986 = tpu.memref_squeeze %dma_start3A_985 : memref<1x!tpu.dma_semaphore, #tpu.memory_space<semaphore_mem>> -> memref<!tpu.dma_semaphore, #tpu.memory_space<semaphore_mem>>
        tpu.enqueue_indirect_dma source(%dma_start3A_984 : memref<1000000x32xf32, #tpu.memory_space<hbm>>) target(%dma_start3A_978 : memref<56x32xf32, #tpu.memory_space<vmem>>) offsets(%dma_start3A_981 : memref<56xi32, #tpu.memory_space<vmem>>) semaphore(%dma_start3A_986 : memref<!tpu.dma_semaphore, #tpu.memory_space<semaphore_mem>>)
        %mul3A_987 = arith.constant 16 : i32
        %mul3A_988 = arith.muli %add3A_918, %mul3A_987 : i32
        %add3A_989 = arith.constant 4 : i32
        %add3A_990 = arith.addi %mul3A_988, %add3A_989 : i32
        %dma_start3A_991 = arith.constant 4 : i32
        %dma_start3A_992 = arith.constant 0 : i32
        %dma_start3A_993 = arith.constant 0 : i32
        %dma_start3A_994 = tpu.memref_slice %arg6[%select_n3A_912, %dma_start3A_991, %dma_start3A_992, %dma_start3A_993] : memref<3x16x56x32xf32, #tpu.memory_space<vmem>> -> memref<1x1x56x32xf32, #tpu.memory_space<vmem>>
        %dma_start3A_995 = tpu.memref_squeeze %dma_start3A_994 : memref<1x1x56x32xf32, #tpu.memory_space<vmem>> -> memref<56x32xf32, #tpu.memory_space<vmem>>
        %dma_start3A_996 = arith.constant 0 : i32
        %dma_start3A_997 = tpu.memref_slice %arg5[%add3A_990, %dma_start3A_996] : memref<512x56xi32, #tpu.memory_space<vmem>> -> memref<1x56xi32, #tpu.memory_space<vmem>>
        %dma_start3A_998 = tpu.memref_squeeze %dma_start3A_997 : memref<1x56xi32, #tpu.memory_space<vmem>> -> memref<56xi32, #tpu.memory_space<vmem>>
        %dma_start3A_999 = arith.constant 0 : i32
        %dma_start3A_1000 = arith.constant 0 : i32
        %dma_start3A_1001 = tpu.memref_slice %arg3[%dma_start3A_999, %dma_start3A_1000] : memref<1000000x32xf32, #tpu.memory_space<hbm>> -> memref<1000000x32xf32, #tpu.memory_space<hbm>>
        %dma_start3A_1002 = tpu.memref_slice %arg7[%select_n3A_912] : memref<3x!tpu.dma_semaphore, #tpu.memory_space<semaphore_mem>> -> memref<1x!tpu.dma_semaphore, #tpu.memory_space<semaphore_mem>>
        %dma_start3A_1003 = tpu.memref_squeeze %dma_start3A_1002 : memref<1x!tpu.dma_semaphore, #tpu.memory_space<semaphore_mem>> -> memref<!tpu.dma_semaphore, #tpu.memory_space<semaphore_mem>>
        tpu.enqueue_indirect_dma source(%dma_start3A_1001 : memref<1000000x32xf32, #tpu.memory_space<hbm>>) target(%dma_start3A_995 : memref<56x32xf32, #tpu.memory_space<vmem>>) offsets(%dma_start3A_998 : memref<56xi32, #tpu.memory_space<vmem>>) semaphore(%dma_start3A_1003 : memref<!tpu.dma_semaphore, #tpu.memory_space<semaphore_mem>>)
        %mul3A_1004 = arith.constant 16 : i32
        %mul3A_1005 = arith.muli %add3A_918, %mul3A_1004 : i32
        %add3A_1006 = arith.constant 5 : i32
        %add3A_1007 = arith.addi %mul3A_1005, %add3A_1006 : i32
        %dma_start3A_1008 = arith.constant 5 : i32
        %dma_start3A_1009 = arith.constant 0 : i32
        %dma_start3A_1010 = arith.constant 0 : i32
        %dma_start3A_1011 = tpu.memref_slice %arg6[%select_n3A_912, %dma_start3A_1008, %dma_start3A_1009, %dma_start3A_1010] : memref<3x16x56x32xf32, #tpu.memory_space<vmem>> -> memref<1x1x56x32xf32, #tpu.memory_space<vmem>>
        %dma_start3A_1012 = tpu.memref_squeeze %dma_start3A_1011 : memref<1x1x56x32xf32, #tpu.memory_space<vmem>> -> memref<56x32xf32, #tpu.memory_space<vmem>>
        %dma_start3A_1013 = arith.constant 0 : i32
        %dma_start3A_1014 = tpu.memref_slice %arg5[%add3A_1007, %dma_start3A_1013] : memref<512x56xi32, #tpu.memory_space<vmem>> -> memref<1x56xi32, #tpu.memory_space<vmem>>
        %dma_start3A_1015 = tpu.memref_squeeze %dma_start3A_1014 : memref<1x56xi32, #tpu.memory_space<vmem>> -> memref<56xi32, #tpu.memory_space<vmem>>
        %dma_start3A_1016 = arith.constant 0 : i32
        %dma_start3A_1017 = arith.constant 0 : i32
        %dma_start3A_1018 = tpu.memref_slice %arg3[%dma_start3A_1016, %dma_start3A_1017] : memref<1000000x32xf32, #tpu.memory_space<hbm>> -> memref<1000000x32xf32, #tpu.memory_space<hbm>>
        %dma_start3A_1019 = tpu.memref_slice %arg7[%select_n3A_912] : memref<3x!tpu.dma_semaphore, #tpu.memory_space<semaphore_mem>> -> memref<1x!tpu.dma_semaphore, #tpu.memory_space<semaphore_mem>>
        %dma_start3A_1020 = tpu.memref_squeeze %dma_start3A_1019 : memref<1x!tpu.dma_semaphore, #tpu.memory_space<semaphore_mem>> -> memref<!tpu.dma_semaphore, #tpu.memory_space<semaphore_mem>>
        tpu.enqueue_indirect_dma source(%dma_start3A_1018 : memref<1000000x32xf32, #tpu.memory_space<hbm>>) target(%dma_start3A_1012 : memref<56x32xf32, #tpu.memory_space<vmem>>) offsets(%dma_start3A_1015 : memref<56xi32, #tpu.memory_space<vmem>>) semaphore(%dma_start3A_1020 : memref<!tpu.dma_semaphore, #tpu.memory_space<semaphore_mem>>)
        %mul3A_1021 = arith.constant 16 : i32
        %mul3A_1022 = arith.muli %add3A_918, %mul3A_1021 : i32
        %add3A_1023 = arith.constant 6 : i32
        %add3A_1024 = arith.addi %mul3A_1022, %add3A_1023 : i32
        %dma_start3A_1025 = arith.constant 6 : i32
        %dma_start3A_1026 = arith.constant 0 : i32
        %dma_start3A_1027 = arith.constant 0 : i32
        %dma_start3A_1028 = tpu.memref_slice %arg6[%select_n3A_912, %dma_start3A_1025, %dma_start3A_1026, %dma_start3A_1027] : memref<3x16x56x32xf32, #tpu.memory_space<vmem>> -> memref<1x1x56x32xf32, #tpu.memory_space<vmem>>
        %dma_start3A_1029 = tpu.memref_squeeze %dma_start3A_1028 : memref<1x1x56x32xf32, #tpu.memory_space<vmem>> -> memref<56x32xf32, #tpu.memory_space<vmem>>
        %dma_start3A_1030 = arith.constant 0 : i32
        %dma_start3A_1031 = tpu.memref_slice %arg5[%add3A_1024, %dma_start3A_1030] : memref<512x56xi32, #tpu.memory_space<vmem>> -> memref<1x56xi32, #tpu.memory_space<vmem>>
        %dma_start3A_1032 = tpu.memref_squeeze %dma_start3A_1031 : memref<1x56xi32, #tpu.memory_space<vmem>> -> memref<56xi32, #tpu.memory_space<vmem>>
        %dma_start3A_1033 = arith.constant 0 : i32
        %dma_start3A_1034 = arith.constant 0 : i32
        %dma_start3A_1035 = tpu.memref_slice %arg3[%dma_start3A_1033, %dma_start3A_1034] : memref<1000000x32xf32, #tpu.memory_space<hbm>> -> memref<1000000x32xf32, #tpu.memory_space<hbm>>
        %dma_start3A_1036 = tpu.memref_slice %arg7[%select_n3A_912] : memref<3x!tpu.dma_semaphore, #tpu.memory_space<semaphore_mem>> -> memref<1x!tpu.dma_semaphore, #tpu.memory_space<semaphore_mem>>
        %dma_start3A_1037 = tpu.memref_squeeze %dma_start3A_1036 : memref<1x!tpu.dma_semaphore, #tpu.memory_space<semaphore_mem>> -> memref<!tpu.dma_semaphore, #tpu.memory_space<semaphore_mem>>
        tpu.enqueue_indirect_dma source(%dma_start3A_1035 : memref<1000000x32xf32, #tpu.memory_space<hbm>>) target(%dma_start3A_1029 : memref<56x32xf32, #tpu.memory_space<vmem>>) offsets(%dma_start3A_1032 : memref<56xi32, #tpu.memory_space<vmem>>) semaphore(%dma_start3A_1037 : memref<!tpu.dma_semaphore, #tpu.memory_space<semaphore_mem>>)
        %mul3A_1038 = arith.constant 16 : i32
        %mul3A_1039 = arith.muli %add3A_918, %mul3A_1038 : i32
        %add3A_1040 = arith.constant 7 : i32
        %add3A_1041 = arith.addi %mul3A_1039, %add3A_1040 : i32
        %dma_start3A_1042 = arith.constant 7 : i32
        %dma_start3A_1043 = arith.constant 0 : i32
        %dma_start3A_1044 = arith.constant 0 : i32
        %dma_start3A_1045 = tpu.memref_slice %arg6[%select_n3A_912, %dma_start3A_1042, %dma_start3A_1043, %dma_start3A_1044] : memref<3x16x56x32xf32, #tpu.memory_space<vmem>> -> memref<1x1x56x32xf32, #tpu.memory_space<vmem>>
        %dma_start3A_1046 = tpu.memref_squeeze %dma_start3A_1045 : memref<1x1x56x32xf32, #tpu.memory_space<vmem>> -> memref<56x32xf32, #tpu.memory_space<vmem>>
        %dma_start3A_1047 = arith.constant 0 : i32
        %dma_start3A_1048 = tpu.memref_slice %arg5[%add3A_1041, %dma_start3A_1047] : memref<512x56xi32, #tpu.memory_space<vmem>> -> memref<1x56xi32, #tpu.memory_space<vmem>>
        %dma_start3A_1049 = tpu.memref_squeeze %dma_start3A_1048 : memref<1x56xi32, #tpu.memory_space<vmem>> -> memref<56xi32, #tpu.memory_space<vmem>>
        %dma_start3A_1050 = arith.constant 0 : i32
        %dma_start3A_1051 = arith.constant 0 : i32
        %dma_start3A_1052 = tpu.memref_slice %arg3[%dma_start3A_1050, %dma_start3A_1051] : memref<1000000x32xf32, #tpu.memory_space<hbm>> -> memref<1000000x32xf32, #tpu.memory_space<hbm>>
        %dma_start3A_1053 = tpu.memref_slice %arg7[%select_n3A_912] : memref<3x!tpu.dma_semaphore, #tpu.memory_space<semaphore_mem>> -> memref<1x!tpu.dma_semaphore, #tpu.memory_space<semaphore_mem>>
        %dma_start3A_1054 = tpu.memref_squeeze %dma_start3A_1053 : memref<1x!tpu.dma_semaphore, #tpu.memory_space<semaphore_mem>> -> memref<!tpu.dma_semaphore, #tpu.memory_space<semaphore_mem>>
        tpu.enqueue_indirect_dma source(%dma_start3A_1052 : memref<1000000x32xf32, #tpu.memory_space<hbm>>) target(%dma_start3A_1046 : memref<56x32xf32, #tpu.memory_space<vmem>>) offsets(%dma_start3A_1049 : memref<56xi32, #tpu.memory_space<vmem>>) semaphore(%dma_start3A_1054 : memref<!tpu.dma_semaphore, #tpu.memory_space<semaphore_mem>>)
        %mul3A_1055 = arith.constant 16 : i32
        %mul3A_1056 = arith.muli %add3A_918, %mul3A_1055 : i32
        %add3A_1057 = arith.constant 8 : i32
        %add3A_1058 = arith.addi %mul3A_1056, %add3A_1057 : i32
        %dma_start3A_1059 = arith.constant 8 : i32
        %dma_start3A_1060 = arith.constant 0 : i32
        %dma_start3A_1061 = arith.constant 0 : i32
        %dma_start3A_1062 = tpu.memref_slice %arg6[%select_n3A_912, %dma_start3A_1059, %dma_start3A_1060, %dma_start3A_1061] : memref<3x16x56x32xf32, #tpu.memory_space<vmem>> -> memref<1x1x56x32xf32, #tpu.memory_space<vmem>>
        %dma_start3A_1063 = tpu.memref_squeeze %dma_start3A_1062 : memref<1x1x56x32xf32, #tpu.memory_space<vmem>> -> memref<56x32xf32, #tpu.memory_space<vmem>>
        %dma_start3A_1064 = arith.constant 0 : i32
        %dma_start3A_1065 = tpu.memref_slice %arg5[%add3A_1058, %dma_start3A_1064] : memref<512x56xi32, #tpu.memory_space<vmem>> -> memref<1x56xi32, #tpu.memory_space<vmem>>
        %dma_start3A_1066 = tpu.memref_squeeze %dma_start3A_1065 : memref<1x56xi32, #tpu.memory_space<vmem>> -> memref<56xi32, #tpu.memory_space<vmem>>
        %dma_start3A_1067 = arith.constant 0 : i32
        %dma_start3A_1068 = arith.constant 0 : i32
        %dma_start3A_1069 = tpu.memref_slice %arg3[%dma_start3A_1067, %dma_start3A_1068] : memref<1000000x32xf32, #tpu.memory_space<hbm>> -> memref<1000000x32xf32, #tpu.memory_space<hbm>>
        %dma_start3A_1070 = tpu.memref_slice %arg7[%select_n3A_912] : memref<3x!tpu.dma_semaphore, #tpu.memory_space<semaphore_mem>> -> memref<1x!tpu.dma_semaphore, #tpu.memory_space<semaphore_mem>>
        %dma_start3A_1071 = tpu.memref_squeeze %dma_start3A_1070 : memref<1x!tpu.dma_semaphore, #tpu.memory_space<semaphore_mem>> -> memref<!tpu.dma_semaphore, #tpu.memory_space<semaphore_mem>>
        tpu.enqueue_indirect_dma source(%dma_start3A_1069 : memref<1000000x32xf32, #tpu.memory_space<hbm>>) target(%dma_start3A_1063 : memref<56x32xf32, #tpu.memory_space<vmem>>) offsets(%dma_start3A_1066 : memref<56xi32, #tpu.memory_space<vmem>>) semaphore(%dma_start3A_1071 : memref<!tpu.dma_semaphore, #tpu.memory_space<semaphore_mem>>)
        %mul3A_1072 = arith.constant 16 : i32
        %mul3A_1073 = arith.muli %add3A_918, %mul3A_1072 : i32
        %add3A_1074 = arith.constant 9 : i32
        %add3A_1075 = arith.addi %mul3A_1073, %add3A_1074 : i32
        %dma_start3A_1076 = arith.constant 9 : i32
        %dma_start3A_1077 = arith.constant 0 : i32
        %dma_start3A_1078 = arith.constant 0 : i32
        %dma_start3A_1079 = tpu.memref_slice %arg6[%select_n3A_912, %dma_start3A_1076, %dma_start3A_1077, %dma_start3A_1078] : memref<3x16x56x32xf32, #tpu.memory_space<vmem>> -> memref<1x1x56x32xf32, #tpu.memory_space<vmem>>
        %dma_start3A_1080 = tpu.memref_squeeze %dma_start3A_1079 : memref<1x1x56x32xf32, #tpu.memory_space<vmem>> -> memref<56x32xf32, #tpu.memory_space<vmem>>
        %dma_start3A_1081 = arith.constant 0 : i32
        %dma_start3A_1082 = tpu.memref_slice %arg5[%add3A_1075, %dma_start3A_1081] : memref<512x56xi32, #tpu.memory_space<vmem>> -> memref<1x56xi32, #tpu.memory_space<vmem>>
        %dma_start3A_1083 = tpu.memref_squeeze %dma_start3A_1082 : memref<1x56xi32, #tpu.memory_space<vmem>> -> memref<56xi32, #tpu.memory_space<vmem>>
        %dma_start3A_1084 = arith.constant 0 : i32
        %dma_start3A_1085 = arith.constant 0 : i32
        %dma_start3A_1086 = tpu.memref_slice %arg3[%dma_start3A_1084, %dma_start3A_1085] : memref<1000000x32xf32, #tpu.memory_space<hbm>> -> memref<1000000x32xf32, #tpu.memory_space<hbm>>
        %dma_start3A_1087 = tpu.memref_slice %arg7[%select_n3A_912] : memref<3x!tpu.dma_semaphore, #tpu.memory_space<semaphore_mem>> -> memref<1x!tpu.dma_semaphore, #tpu.memory_space<semaphore_mem>>
        %dma_start3A_1088 = tpu.memref_squeeze %dma_start3A_1087 : memref<1x!tpu.dma_semaphore, #tpu.memory_space<semaphore_mem>> -> memref<!tpu.dma_semaphore, #tpu.memory_space<semaphore_mem>>
        tpu.enqueue_indirect_dma source(%dma_start3A_1086 : memref<1000000x32xf32, #tpu.memory_space<hbm>>) target(%dma_start3A_1080 : memref<56x32xf32, #tpu.memory_space<vmem>>) offsets(%dma_start3A_1083 : memref<56xi32, #tpu.memory_space<vmem>>) semaphore(%dma_start3A_1088 : memref<!tpu.dma_semaphore, #tpu.memory_space<semaphore_mem>>)
        %mul3A_1089 = arith.constant 16 : i32
        %mul3A_1090 = arith.muli %add3A_918, %mul3A_1089 : i32
        %add3A_1091 = arith.constant 10 : i32
        %add3A_1092 = arith.addi %mul3A_1090, %add3A_1091 : i32
        %dma_start3A_1093 = arith.constant 10 : i32
        %dma_start3A_1094 = arith.constant 0 : i32
        %dma_start3A_1095 = arith.constant 0 : i32
        %dma_start3A_1096 = tpu.memref_slice %arg6[%select_n3A_912, %dma_start3A_1093, %dma_start3A_1094, %dma_start3A_1095] : memref<3x16x56x32xf32, #tpu.memory_space<vmem>> -> memref<1x1x56x32xf32, #tpu.memory_space<vmem>>
        %dma_start3A_1097 = tpu.memref_squeeze %dma_start3A_1096 : memref<1x1x56x32xf32, #tpu.memory_space<vmem>> -> memref<56x32xf32, #tpu.memory_space<vmem>>
        %dma_start3A_1098 = arith.constant 0 : i32
        %dma_start3A_1099 = tpu.memref_slice %arg5[%add3A_1092, %dma_start3A_1098] : memref<512x56xi32, #tpu.memory_space<vmem>> -> memref<1x56xi32, #tpu.memory_space<vmem>>
        %dma_start3A_1100 = tpu.memref_squeeze %dma_start3A_1099 : memref<1x56xi32, #tpu.memory_space<vmem>> -> memref<56xi32, #tpu.memory_space<vmem>>
        %dma_start3A_1101 = arith.constant 0 : i32
        %dma_start3A_1102 = arith.constant 0 : i32
        %dma_start3A_1103 = tpu.memref_slice %arg3[%dma_start3A_1101, %dma_start3A_1102] : memref<1000000x32xf32, #tpu.memory_space<hbm>> -> memref<1000000x32xf32, #tpu.memory_space<hbm>>
        %dma_start3A_1104 = tpu.memref_slice %arg7[%select_n3A_912] : memref<3x!tpu.dma_semaphore, #tpu.memory_space<semaphore_mem>> -> memref<1x!tpu.dma_semaphore, #tpu.memory_space<semaphore_mem>>
        %dma_start3A_1105 = tpu.memref_squeeze %dma_start3A_1104 : memref<1x!tpu.dma_semaphore, #tpu.memory_space<semaphore_mem>> -> memref<!tpu.dma_semaphore, #tpu.memory_space<semaphore_mem>>
        tpu.enqueue_indirect_dma source(%dma_start3A_1103 : memref<1000000x32xf32, #tpu.memory_space<hbm>>) target(%dma_start3A_1097 : memref<56x32xf32, #tpu.memory_space<vmem>>) offsets(%dma_start3A_1100 : memref<56xi32, #tpu.memory_space<vmem>>) semaphore(%dma_start3A_1105 : memref<!tpu.dma_semaphore, #tpu.memory_space<semaphore_mem>>)
        %mul3A_1106 = arith.constant 16 : i32
        %mul3A_1107 = arith.muli %add3A_918, %mul3A_1106 : i32
        %add3A_1108 = arith.constant 11 : i32
        %add3A_1109 = arith.addi %mul3A_1107, %add3A_1108 : i32
        %dma_start3A_1110 = arith.constant 11 : i32
        %dma_start3A_1111 = arith.constant 0 : i32
        %dma_start3A_1112 = arith.constant 0 : i32
        %dma_start3A_1113 = tpu.memref_slice %arg6[%select_n3A_912, %dma_start3A_1110, %dma_start3A_1111, %dma_start3A_1112] : memref<3x16x56x32xf32, #tpu.memory_space<vmem>> -> memref<1x1x56x32xf32, #tpu.memory_space<vmem>>
        %dma_start3A_1114 = tpu.memref_squeeze %dma_start3A_1113 : memref<1x1x56x32xf32, #tpu.memory_space<vmem>> -> memref<56x32xf32, #tpu.memory_space<vmem>>
        %dma_start3A_1115 = arith.constant 0 : i32
        %dma_start3A_1116 = tpu.memref_slice %arg5[%add3A_1109, %dma_start3A_1115] : memref<512x56xi32, #tpu.memory_space<vmem>> -> memref<1x56xi32, #tpu.memory_space<vmem>>
        %dma_start3A_1117 = tpu.memref_squeeze %dma_start3A_1116 : memref<1x56xi32, #tpu.memory_space<vmem>> -> memref<56xi32, #tpu.memory_space<vmem>>
        %dma_start3A_1118 = arith.constant 0 : i32
        %dma_start3A_1119 = arith.constant 0 : i32
        %dma_start3A_1120 = tpu.memref_slice %arg3[%dma_start3A_1118, %dma_start3A_1119] : memref<1000000x32xf32, #tpu.memory_space<hbm>> -> memref<1000000x32xf32, #tpu.memory_space<hbm>>
        %dma_start3A_1121 = tpu.memref_slice %arg7[%select_n3A_912] : memref<3x!tpu.dma_semaphore, #tpu.memory_space<semaphore_mem>> -> memref<1x!tpu.dma_semaphore, #tpu.memory_space<semaphore_mem>>
        %dma_start3A_1122 = tpu.memref_squeeze %dma_start3A_1121 : memref<1x!tpu.dma_semaphore, #tpu.memory_space<semaphore_mem>> -> memref<!tpu.dma_semaphore, #tpu.memory_space<semaphore_mem>>
        tpu.enqueue_indirect_dma source(%dma_start3A_1120 : memref<1000000x32xf32, #tpu.memory_space<hbm>>) target(%dma_start3A_1114 : memref<56x32xf32, #tpu.memory_space<vmem>>) offsets(%dma_start3A_1117 : memref<56xi32, #tpu.memory_space<vmem>>) semaphore(%dma_start3A_1122 : memref<!tpu.dma_semaphore, #tpu.memory_space<semaphore_mem>>)
        %mul3A_1123 = arith.constant 16 : i32
        %mul3A_1124 = arith.muli %add3A_918, %mul3A_1123 : i32
        %add3A_1125 = arith.constant 12 : i32
        %add3A_1126 = arith.addi %mul3A_1124, %add3A_1125 : i32
        %dma_start3A_1127 = arith.constant 12 : i32
        %dma_start3A_1128 = arith.constant 0 : i32
        %dma_start3A_1129 = arith.constant 0 : i32
        %dma_start3A_1130 = tpu.memref_slice %arg6[%select_n3A_912, %dma_start3A_1127, %dma_start3A_1128, %dma_start3A_1129] : memref<3x16x56x32xf32, #tpu.memory_space<vmem>> -> memref<1x1x56x32xf32, #tpu.memory_space<vmem>>
        %dma_start3A_1131 = tpu.memref_squeeze %dma_start3A_1130 : memref<1x1x56x32xf32, #tpu.memory_space<vmem>> -> memref<56x32xf32, #tpu.memory_space<vmem>>
        %dma_start3A_1132 = arith.constant 0 : i32
        %dma_start3A_1133 = tpu.memref_slice %arg5[%add3A_1126, %dma_start3A_1132] : memref<512x56xi32, #tpu.memory_space<vmem>> -> memref<1x56xi32, #tpu.memory_space<vmem>>
        %dma_start3A_1134 = tpu.memref_squeeze %dma_start3A_1133 : memref<1x56xi32, #tpu.memory_space<vmem>> -> memref<56xi32, #tpu.memory_space<vmem>>
        %dma_start3A_1135 = arith.constant 0 : i32
        %dma_start3A_1136 = arith.constant 0 : i32
        %dma_start3A_1137 = tpu.memref_slice %arg3[%dma_start3A_1135, %dma_start3A_1136] : memref<1000000x32xf32, #tpu.memory_space<hbm>> -> memref<1000000x32xf32, #tpu.memory_space<hbm>>
        %dma_start3A_1138 = tpu.memref_slice %arg7[%select_n3A_912] : memref<3x!tpu.dma_semaphore, #tpu.memory_space<semaphore_mem>> -> memref<1x!tpu.dma_semaphore, #tpu.memory_space<semaphore_mem>>
        %dma_start3A_1139 = tpu.memref_squeeze %dma_start3A_1138 : memref<1x!tpu.dma_semaphore, #tpu.memory_space<semaphore_mem>> -> memref<!tpu.dma_semaphore, #tpu.memory_space<semaphore_mem>>
        tpu.enqueue_indirect_dma source(%dma_start3A_1137 : memref<1000000x32xf32, #tpu.memory_space<hbm>>) target(%dma_start3A_1131 : memref<56x32xf32, #tpu.memory_space<vmem>>) offsets(%dma_start3A_1134 : memref<56xi32, #tpu.memory_space<vmem>>) semaphore(%dma_start3A_1139 : memref<!tpu.dma_semaphore, #tpu.memory_space<semaphore_mem>>)
        %mul3A_1140 = arith.constant 16 : i32
        %mul3A_1141 = arith.muli %add3A_918, %mul3A_1140 : i32
        %add3A_1142 = arith.constant 13 : i32
        %add3A_1143 = arith.addi %mul3A_1141, %add3A_1142 : i32
        %dma_start3A_1144 = arith.constant 13 : i32
        %dma_start3A_1145 = arith.constant 0 : i32
        %dma_start3A_1146 = arith.constant 0 : i32
        %dma_start3A_1147 = tpu.memref_slice %arg6[%select_n3A_912, %dma_start3A_1144, %dma_start3A_1145, %dma_start3A_1146] : memref<3x16x56x32xf32, #tpu.memory_space<vmem>> -> memref<1x1x56x32xf32, #tpu.memory_space<vmem>>
        %dma_start3A_1148 = tpu.memref_squeeze %dma_start3A_1147 : memref<1x1x56x32xf32, #tpu.memory_space<vmem>> -> memref<56x32xf32, #tpu.memory_space<vmem>>
        %dma_start3A_1149 = arith.constant 0 : i32
        %dma_start3A_1150 = tpu.memref_slice %arg5[%add3A_1143, %dma_start3A_1149] : memref<512x56xi32, #tpu.memory_space<vmem>> -> memref<1x56xi32, #tpu.memory_space<vmem>>
        %dma_start3A_1151 = tpu.memref_squeeze %dma_start3A_1150 : memref<1x56xi32, #tpu.memory_space<vmem>> -> memref<56xi32, #tpu.memory_space<vmem>>
        %dma_start3A_1152 = arith.constant 0 : i32
        %dma_start3A_1153 = arith.constant 0 : i32
        %dma_start3A_1154 = tpu.memref_slice %arg3[%dma_start3A_1152, %dma_start3A_1153] : memref<1000000x32xf32, #tpu.memory_space<hbm>> -> memref<1000000x32xf32, #tpu.memory_space<hbm>>
        %dma_start3A_1155 = tpu.memref_slice %arg7[%select_n3A_912] : memref<3x!tpu.dma_semaphore, #tpu.memory_space<semaphore_mem>> -> memref<1x!tpu.dma_semaphore, #tpu.memory_space<semaphore_mem>>
        %dma_start3A_1156 = tpu.memref_squeeze %dma_start3A_1155 : memref<1x!tpu.dma_semaphore, #tpu.memory_space<semaphore_mem>> -> memref<!tpu.dma_semaphore, #tpu.memory_space<semaphore_mem>>
        tpu.enqueue_indirect_dma source(%dma_start3A_1154 : memref<1000000x32xf32, #tpu.memory_space<hbm>>) target(%dma_start3A_1148 : memref<56x32xf32, #tpu.memory_space<vmem>>) offsets(%dma_start3A_1151 : memref<56xi32, #tpu.memory_space<vmem>>) semaphore(%dma_start3A_1156 : memref<!tpu.dma_semaphore, #tpu.memory_space<semaphore_mem>>)
        %mul3A_1157 = arith.constant 16 : i32
        %mul3A_1158 = arith.muli %add3A_918, %mul3A_1157 : i32
        %add3A_1159 = arith.constant 14 : i32
        %add3A_1160 = arith.addi %mul3A_1158, %add3A_1159 : i32
        %dma_start3A_1161 = arith.constant 14 : i32
        %dma_start3A_1162 = arith.constant 0 : i32
        %dma_start3A_1163 = arith.constant 0 : i32
        %dma_start3A_1164 = tpu.memref_slice %arg6[%select_n3A_912, %dma_start3A_1161, %dma_start3A_1162, %dma_start3A_1163] : memref<3x16x56x32xf32, #tpu.memory_space<vmem>> -> memref<1x1x56x32xf32, #tpu.memory_space<vmem>>
        %dma_start3A_1165 = tpu.memref_squeeze %dma_start3A_1164 : memref<1x1x56x32xf32, #tpu.memory_space<vmem>> -> memref<56x32xf32, #tpu.memory_space<vmem>>
        %dma_start3A_1166 = arith.constant 0 : i32
        %dma_start3A_1167 = tpu.memref_slice %arg5[%add3A_1160, %dma_start3A_1166] : memref<512x56xi32, #tpu.memory_space<vmem>> -> memref<1x56xi32, #tpu.memory_space<vmem>>
        %dma_start3A_1168 = tpu.memref_squeeze %dma_start3A_1167 : memref<1x56xi32, #tpu.memory_space<vmem>> -> memref<56xi32, #tpu.memory_space<vmem>>
        %dma_start3A_1169 = arith.constant 0 : i32
        %dma_start3A_1170 = arith.constant 0 : i32
        %dma_start3A_1171 = tpu.memref_slice %arg3[%dma_start3A_1169, %dma_start3A_1170] : memref<1000000x32xf32, #tpu.memory_space<hbm>> -> memref<1000000x32xf32, #tpu.memory_space<hbm>>
        %dma_start3A_1172 = tpu.memref_slice %arg7[%select_n3A_912] : memref<3x!tpu.dma_semaphore, #tpu.memory_space<semaphore_mem>> -> memref<1x!tpu.dma_semaphore, #tpu.memory_space<semaphore_mem>>
        %dma_start3A_1173 = tpu.memref_squeeze %dma_start3A_1172 : memref<1x!tpu.dma_semaphore, #tpu.memory_space<semaphore_mem>> -> memref<!tpu.dma_semaphore, #tpu.memory_space<semaphore_mem>>
        tpu.enqueue_indirect_dma source(%dma_start3A_1171 : memref<1000000x32xf32, #tpu.memory_space<hbm>>) target(%dma_start3A_1165 : memref<56x32xf32, #tpu.memory_space<vmem>>) offsets(%dma_start3A_1168 : memref<56xi32, #tpu.memory_space<vmem>>) semaphore(%dma_start3A_1173 : memref<!tpu.dma_semaphore, #tpu.memory_space<semaphore_mem>>)
        %mul3A_1174 = arith.constant 16 : i32
        %mul3A_1175 = arith.muli %add3A_918, %mul3A_1174 : i32
        %add3A_1176 = arith.constant 15 : i32
        %add3A_1177 = arith.addi %mul3A_1175, %add3A_1176 : i32
        %dma_start3A_1178 = arith.constant 15 : i32
        %dma_start3A_1179 = arith.constant 0 : i32
        %dma_start3A_1180 = arith.constant 0 : i32
        %dma_start3A_1181 = tpu.memref_slice %arg6[%select_n3A_912, %dma_start3A_1178, %dma_start3A_1179, %dma_start3A_1180] : memref<3x16x56x32xf32, #tpu.memory_space<vmem>> -> memref<1x1x56x32xf32, #tpu.memory_space<vmem>>
        %dma_start3A_1182 = tpu.memref_squeeze %dma_start3A_1181 : memref<1x1x56x32xf32, #tpu.memory_space<vmem>> -> memref<56x32xf32, #tpu.memory_space<vmem>>
        %dma_start3A_1183 = arith.constant 0 : i32
        %dma_start3A_1184 = tpu.memref_slice %arg5[%add3A_1177, %dma_start3A_1183] : memref<512x56xi32, #tpu.memory_space<vmem>> -> memref<1x56xi32, #tpu.memory_space<vmem>>
        %dma_start3A_1185 = tpu.memref_squeeze %dma_start3A_1184 : memref<1x56xi32, #tpu.memory_space<vmem>> -> memref<56xi32, #tpu.memory_space<vmem>>
        %dma_start3A_1186 = arith.constant 0 : i32
        %dma_start3A_1187 = arith.constant 0 : i32
        %dma_start3A_1188 = tpu.memref_slice %arg3[%dma_start3A_1186, %dma_start3A_1187] : memref<1000000x32xf32, #tpu.memory_space<hbm>> -> memref<1000000x32xf32, #tpu.memory_space<hbm>>
        %dma_start3A_1189 = tpu.memref_slice %arg7[%select_n3A_912] : memref<3x!tpu.dma_semaphore, #tpu.memory_space<semaphore_mem>> -> memref<1x!tpu.dma_semaphore, #tpu.memory_space<semaphore_mem>>
        %dma_start3A_1190 = tpu.memref_squeeze %dma_start3A_1189 : memref<1x!tpu.dma_semaphore, #tpu.memory_space<semaphore_mem>> -> memref<!tpu.dma_semaphore, #tpu.memory_space<semaphore_mem>>
        tpu.enqueue_indirect_dma source(%dma_start3A_1188 : memref<1000000x32xf32, #tpu.memory_space<hbm>>) target(%dma_start3A_1182 : memref<56x32xf32, #tpu.memory_space<vmem>>) offsets(%dma_start3A_1185 : memref<56xi32, #tpu.memory_space<vmem>>) semaphore(%dma_start3A_1190 : memref<!tpu.dma_semaphore, #tpu.memory_space<semaphore_mem>>)
      } else {
      }
      %dma_wait3A_601 = arith.constant 0 : i32
      %dma_wait3A_602 = arith.constant 0 : i32
      %dma_wait3A_603 = arith.constant 0 : i32
      %dma_wait3A_604 = tpu.memref_slice %arg6[%select_n3A_595, %dma_wait3A_601, %dma_wait3A_602, %dma_wait3A_603] : memref<3x16x56x32xf32, #tpu.memory_space<vmem>> -> memref<1x1x56x32xf32, #tpu.memory_space<vmem>>
      %dma_wait3A_605 = tpu.memref_squeeze %dma_wait3A_604 : memref<1x1x56x32xf32, #tpu.memory_space<vmem>> -> memref<56x32xf32, #tpu.memory_space<vmem>>
      %dma_wait3A_606 = arith.constant 0 : i32
      %dma_wait3A_607 = arith.constant 0 : i32
      %dma_wait3A_608 = tpu.memref_slice %arg3[%dma_wait3A_606, %dma_wait3A_607] : memref<1000000x32xf32, #tpu.memory_space<hbm>> -> memref<56x32xf32, #tpu.memory_space<hbm>>
      %dma_wait3A_609 = tpu.memref_slice %arg7[%select_n3A_595] : memref<3x!tpu.dma_semaphore, #tpu.memory_space<semaphore_mem>> -> memref<1x!tpu.dma_semaphore, #tpu.memory_space<semaphore_mem>>
      %dma_wait3A_610 = tpu.memref_squeeze %dma_wait3A_609 : memref<1x!tpu.dma_semaphore, #tpu.memory_space<semaphore_mem>> -> memref<!tpu.dma_semaphore, #tpu.memory_space<semaphore_mem>>
      %dma_wait3A_611 = arith.constant 0 : i32
      %dma_wait3A_612 = arith.constant 0 : i32
      %dma_wait3A_613 = tpu.memref_slice %arg6[%select_n3A_595, %dma_wait3A_601, %dma_wait3A_611, %dma_wait3A_612] : memref<3x16x56x32xf32, #tpu.memory_space<vmem>> -> memref<1x1x56x32xf32, #tpu.memory_space<vmem>>
      %dma_wait3A_614 = tpu.memref_squeeze %dma_wait3A_613 : memref<1x1x56x32xf32, #tpu.memory_space<vmem>> -> memref<56x32xf32, #tpu.memory_space<vmem>>
      %dma_wait3A_615 = arith.constant 0 : i32
      %dma_wait3A_616 = arith.constant 0 : i32
      %dma_wait3A_617 = tpu.memref_slice %arg3[%dma_wait3A_615, %dma_wait3A_616] : memref<1000000x32xf32, #tpu.memory_space<hbm>> -> memref<56x32xf32, #tpu.memory_space<hbm>>
      tpu.wait_dma2 semaphore(%dma_wait3A_610 : memref<!tpu.dma_semaphore, #tpu.memory_space<semaphore_mem>>) src(%dma_wait3A_617 : memref<56x32xf32, #tpu.memory_space<hbm>>) dst(%dma_wait3A_614 : memref<56x32xf32, #tpu.memory_space<vmem>>)
      %dma_wait3A_618 = arith.constant 1 : i32
      %dma_wait3A_619 = arith.constant 0 : i32
      %dma_wait3A_620 = arith.constant 0 : i32
      %dma_wait3A_621 = tpu.memref_slice %arg6[%select_n3A_595, %dma_wait3A_618, %dma_wait3A_619, %dma_wait3A_620] : memref<3x16x56x32xf32, #tpu.memory_space<vmem>> -> memref<1x1x56x32xf32, #tpu.memory_space<vmem>>
      %dma_wait3A_622 = tpu.memref_squeeze %dma_wait3A_621 : memref<1x1x56x32xf32, #tpu.memory_space<vmem>> -> memref<56x32xf32, #tpu.memory_space<vmem>>
      %dma_wait3A_623 = arith.constant 0 : i32
      %dma_wait3A_624 = arith.constant 0 : i32
      %dma_wait3A_625 = tpu.memref_slice %arg3[%dma_wait3A_623, %dma_wait3A_624] : memref<1000000x32xf32, #tpu.memory_space<hbm>> -> memref<56x32xf32, #tpu.memory_space<hbm>>
      %dma_wait3A_626 = tpu.memref_slice %arg7[%select_n3A_595] : memref<3x!tpu.dma_semaphore, #tpu.memory_space<semaphore_mem>> -> memref<1x!tpu.dma_semaphore, #tpu.memory_space<semaphore_mem>>
      %dma_wait3A_627 = tpu.memref_squeeze %dma_wait3A_626 : memref<1x!tpu.dma_semaphore, #tpu.memory_space<semaphore_mem>> -> memref<!tpu.dma_semaphore, #tpu.memory_space<semaphore_mem>>
      %dma_wait3A_628 = arith.constant 0 : i32
      %dma_wait3A_629 = arith.constant 0 : i32
      %dma_wait3A_630 = tpu.memref_slice %arg6[%select_n3A_595, %dma_wait3A_618, %dma_wait3A_628, %dma_wait3A_629] : memref<3x16x56x32xf32, #tpu.memory_space<vmem>> -> memref<1x1x56x32xf32, #tpu.memory_space<vmem>>
      %dma_wait3A_631 = tpu.memref_squeeze %dma_wait3A_630 : memref<1x1x56x32xf32, #tpu.memory_space<vmem>> -> memref<56x32xf32, #tpu.memory_space<vmem>>
      %dma_wait3A_632 = arith.constant 0 : i32
      %dma_wait3A_633 = arith.constant 0 : i32
      %dma_wait3A_634 = tpu.memref_slice %arg3[%dma_wait3A_632, %dma_wait3A_633] : memref<1000000x32xf32, #tpu.memory_space<hbm>> -> memref<56x32xf32, #tpu.memory_space<hbm>>
      tpu.wait_dma2 semaphore(%dma_wait3A_627 : memref<!tpu.dma_semaphore, #tpu.memory_space<semaphore_mem>>) src(%dma_wait3A_634 : memref<56x32xf32, #tpu.memory_space<hbm>>) dst(%dma_wait3A_631 : memref<56x32xf32, #tpu.memory_space<vmem>>)
      %dma_wait3A_635 = arith.constant 2 : i32
      %dma_wait3A_636 = arith.constant 0 : i32
      %dma_wait3A_637 = arith.constant 0 : i32
      %dma_wait3A_638 = tpu.memref_slice %arg6[%select_n3A_595, %dma_wait3A_635, %dma_wait3A_636, %dma_wait3A_637] : memref<3x16x56x32xf32, #tpu.memory_space<vmem>> -> memref<1x1x56x32xf32, #tpu.memory_space<vmem>>
      %dma_wait3A_639 = tpu.memref_squeeze %dma_wait3A_638 : memref<1x1x56x32xf32, #tpu.memory_space<vmem>> -> memref<56x32xf32, #tpu.memory_space<vmem>>
      %dma_wait3A_640 = arith.constant 0 : i32
      %dma_wait3A_641 = arith.constant 0 : i32
      %dma_wait3A_642 = tpu.memref_slice %arg3[%dma_wait3A_640, %dma_wait3A_641] : memref<1000000x32xf32, #tpu.memory_space<hbm>> -> memref<56x32xf32, #tpu.memory_space<hbm>>
      %dma_wait3A_643 = tpu.memref_slice %arg7[%select_n3A_595] : memref<3x!tpu.dma_semaphore, #tpu.memory_space<semaphore_mem>> -> memref<1x!tpu.dma_semaphore, #tpu.memory_space<semaphore_mem>>
      %dma_wait3A_644 = tpu.memref_squeeze %dma_wait3A_643 : memref<1x!tpu.dma_semaphore, #tpu.memory_space<semaphore_mem>> -> memref<!tpu.dma_semaphore, #tpu.memory_space<semaphore_mem>>
      %dma_wait3A_645 = arith.constant 0 : i32
      %dma_wait3A_646 = arith.constant 0 : i32
      %dma_wait3A_647 = tpu.memref_slice %arg6[%select_n3A_595, %dma_wait3A_635, %dma_wait3A_645, %dma_wait3A_646] : memref<3x16x56x32xf32, #tpu.memory_space<vmem>> -> memref<1x1x56x32xf32, #tpu.memory_space<vmem>>
      %dma_wait3A_648 = tpu.memref_squeeze %dma_wait3A_647 : memref<1x1x56x32xf32, #tpu.memory_space<vmem>> -> memref<56x32xf32, #tpu.memory_space<vmem>>
      %dma_wait3A_649 = arith.constant 0 : i32
      %dma_wait3A_650 = arith.constant 0 : i32
      %dma_wait3A_651 = tpu.memref_slice %arg3[%dma_wait3A_649, %dma_wait3A_650] : memref<1000000x32xf32, #tpu.memory_space<hbm>> -> memref<56x32xf32, #tpu.memory_space<hbm>>
      tpu.wait_dma2 semaphore(%dma_wait3A_644 : memref<!tpu.dma_semaphore, #tpu.memory_space<semaphore_mem>>) src(%dma_wait3A_651 : memref<56x32xf32, #tpu.memory_space<hbm>>) dst(%dma_wait3A_648 : memref<56x32xf32, #tpu.memory_space<vmem>>)
      %dma_wait3A_652 = arith.constant 3 : i32
      %dma_wait3A_653 = arith.constant 0 : i32
      %dma_wait3A_654 = arith.constant 0 : i32
      %dma_wait3A_655 = tpu.memref_slice %arg6[%select_n3A_595, %dma_wait3A_652, %dma_wait3A_653, %dma_wait3A_654] : memref<3x16x56x32xf32, #tpu.memory_space<vmem>> -> memref<1x1x56x32xf32, #tpu.memory_space<vmem>>
      %dma_wait3A_656 = tpu.memref_squeeze %dma_wait3A_655 : memref<1x1x56x32xf32, #tpu.memory_space<vmem>> -> memref<56x32xf32, #tpu.memory_space<vmem>>
      %dma_wait3A_657 = arith.constant 0 : i32
      %dma_wait3A_658 = arith.constant 0 : i32
      %dma_wait3A_659 = tpu.memref_slice %arg3[%dma_wait3A_657, %dma_wait3A_658] : memref<1000000x32xf32, #tpu.memory_space<hbm>> -> memref<56x32xf32, #tpu.memory_space<hbm>>
      %dma_wait3A_660 = tpu.memref_slice %arg7[%select_n3A_595] : memref<3x!tpu.dma_semaphore, #tpu.memory_space<semaphore_mem>> -> memref<1x!tpu.dma_semaphore, #tpu.memory_space<semaphore_mem>>
      %dma_wait3A_661 = tpu.memref_squeeze %dma_wait3A_660 : memref<1x!tpu.dma_semaphore, #tpu.memory_space<semaphore_mem>> -> memref<!tpu.dma_semaphore, #tpu.memory_space<semaphore_mem>>
      %dma_wait3A_662 = arith.constant 0 : i32
      %dma_wait3A_663 = arith.constant 0 : i32
      %dma_wait3A_664 = tpu.memref_slice %arg6[%select_n3A_595, %dma_wait3A_652, %dma_wait3A_662, %dma_wait3A_663] : memref<3x16x56x32xf32, #tpu.memory_space<vmem>> -> memref<1x1x56x32xf32, #tpu.memory_space<vmem>>
      %dma_wait3A_665 = tpu.memref_squeeze %dma_wait3A_664 : memref<1x1x56x32xf32, #tpu.memory_space<vmem>> -> memref<56x32xf32, #tpu.memory_space<vmem>>
      %dma_wait3A_666 = arith.constant 0 : i32
      %dma_wait3A_667 = arith.constant 0 : i32
      %dma_wait3A_668 = tpu.memref_slice %arg3[%dma_wait3A_666, %dma_wait3A_667] : memref<1000000x32xf32, #tpu.memory_space<hbm>> -> memref<56x32xf32, #tpu.memory_space<hbm>>
      tpu.wait_dma2 semaphore(%dma_wait3A_661 : memref<!tpu.dma_semaphore, #tpu.memory_space<semaphore_mem>>) src(%dma_wait3A_668 : memref<56x32xf32, #tpu.memory_space<hbm>>) dst(%dma_wait3A_665 : memref<56x32xf32, #tpu.memory_space<vmem>>)
      %dma_wait3A_669 = arith.constant 4 : i32
      %dma_wait3A_670 = arith.constant 0 : i32
      %dma_wait3A_671 = arith.constant 0 : i32
      %dma_wait3A_672 = tpu.memref_slice %arg6[%select_n3A_595, %dma_wait3A_669, %dma_wait3A_670, %dma_wait3A_671] : memref<3x16x56x32xf32, #tpu.memory_space<vmem>> -> memref<1x1x56x32xf32, #tpu.memory_space<vmem>>
      %dma_wait3A_673 = tpu.memref_squeeze %dma_wait3A_672 : memref<1x1x56x32xf32, #tpu.memory_space<vmem>> -> memref<56x32xf32, #tpu.memory_space<vmem>>
      %dma_wait3A_674 = arith.constant 0 : i32
      %dma_wait3A_675 = arith.constant 0 : i32
      %dma_wait3A_676 = tpu.memref_slice %arg3[%dma_wait3A_674, %dma_wait3A_675] : memref<1000000x32xf32, #tpu.memory_space<hbm>> -> memref<56x32xf32, #tpu.memory_space<hbm>>
      %dma_wait3A_677 = tpu.memref_slice %arg7[%select_n3A_595] : memref<3x!tpu.dma_semaphore, #tpu.memory_space<semaphore_mem>> -> memref<1x!tpu.dma_semaphore, #tpu.memory_space<semaphore_mem>>
      %dma_wait3A_678 = tpu.memref_squeeze %dma_wait3A_677 : memref<1x!tpu.dma_semaphore, #tpu.memory_space<semaphore_mem>> -> memref<!tpu.dma_semaphore, #tpu.memory_space<semaphore_mem>>
      %dma_wait3A_679 = arith.constant 0 : i32
      %dma_wait3A_680 = arith.constant 0 : i32
      %dma_wait3A_681 = tpu.memref_slice %arg6[%select_n3A_595, %dma_wait3A_669, %dma_wait3A_679, %dma_wait3A_680] : memref<3x16x56x32xf32, #tpu.memory_space<vmem>> -> memref<1x1x56x32xf32, #tpu.memory_space<vmem>>
      %dma_wait3A_682 = tpu.memref_squeeze %dma_wait3A_681 : memref<1x1x56x32xf32, #tpu.memory_space<vmem>> -> memref<56x32xf32, #tpu.memory_space<vmem>>
      %dma_wait3A_683 = arith.constant 0 : i32
      %dma_wait3A_684 = arith.constant 0 : i32
      %dma_wait3A_685 = tpu.memref_slice %arg3[%dma_wait3A_683, %dma_wait3A_684] : memref<1000000x32xf32, #tpu.memory_space<hbm>> -> memref<56x32xf32, #tpu.memory_space<hbm>>
      tpu.wait_dma2 semaphore(%dma_wait3A_678 : memref<!tpu.dma_semaphore, #tpu.memory_space<semaphore_mem>>) src(%dma_wait3A_685 : memref<56x32xf32, #tpu.memory_space<hbm>>) dst(%dma_wait3A_682 : memref<56x32xf32, #tpu.memory_space<vmem>>)
      %dma_wait3A_686 = arith.constant 5 : i32
      %dma_wait3A_687 = arith.constant 0 : i32
      %dma_wait3A_688 = arith.constant 0 : i32
      %dma_wait3A_689 = tpu.memref_slice %arg6[%select_n3A_595, %dma_wait3A_686, %dma_wait3A_687, %dma_wait3A_688] : memref<3x16x56x32xf32, #tpu.memory_space<vmem>> -> memref<1x1x56x32xf32, #tpu.memory_space<vmem>>
      %dma_wait3A_690 = tpu.memref_squeeze %dma_wait3A_689 : memref<1x1x56x32xf32, #tpu.memory_space<vmem>> -> memref<56x32xf32, #tpu.memory_space<vmem>>
      %dma_wait3A_691 = arith.constant 0 : i32
      %dma_wait3A_692 = arith.constant 0 : i32
      %dma_wait3A_693 = tpu.memref_slice %arg3[%dma_wait3A_691, %dma_wait3A_692] : memref<1000000x32xf32, #tpu.memory_space<hbm>> -> memref<56x32xf32, #tpu.memory_space<hbm>>
      %dma_wait3A_694 = tpu.memref_slice %arg7[%select_n3A_595] : memref<3x!tpu.dma_semaphore, #tpu.memory_space<semaphore_mem>> -> memref<1x!tpu.dma_semaphore, #tpu.memory_space<semaphore_mem>>
      %dma_wait3A_695 = tpu.memref_squeeze %dma_wait3A_694 : memref<1x!tpu.dma_semaphore, #tpu.memory_space<semaphore_mem>> -> memref<!tpu.dma_semaphore, #tpu.memory_space<semaphore_mem>>
      %dma_wait3A_696 = arith.constant 0 : i32
      %dma_wait3A_697 = arith.constant 0 : i32
      %dma_wait3A_698 = tpu.memref_slice %arg6[%select_n3A_595, %dma_wait3A_686, %dma_wait3A_696, %dma_wait3A_697] : memref<3x16x56x32xf32, #tpu.memory_space<vmem>> -> memref<1x1x56x32xf32, #tpu.memory_space<vmem>>
      %dma_wait3A_699 = tpu.memref_squeeze %dma_wait3A_698 : memref<1x1x56x32xf32, #tpu.memory_space<vmem>> -> memref<56x32xf32, #tpu.memory_space<vmem>>
      %dma_wait3A_700 = arith.constant 0 : i32
      %dma_wait3A_701 = arith.constant 0 : i32
      %dma_wait3A_702 = tpu.memref_slice %arg3[%dma_wait3A_700, %dma_wait3A_701] : memref<1000000x32xf32, #tpu.memory_space<hbm>> -> memref<56x32xf32, #tpu.memory_space<hbm>>
      tpu.wait_dma2 semaphore(%dma_wait3A_695 : memref<!tpu.dma_semaphore, #tpu.memory_space<semaphore_mem>>) src(%dma_wait3A_702 : memref<56x32xf32, #tpu.memory_space<hbm>>) dst(%dma_wait3A_699 : memref<56x32xf32, #tpu.memory_space<vmem>>)
      %dma_wait3A_703 = arith.constant 6 : i32
      %dma_wait3A_704 = arith.constant 0 : i32
      %dma_wait3A_705 = arith.constant 0 : i32
      %dma_wait3A_706 = tpu.memref_slice %arg6[%select_n3A_595, %dma_wait3A_703, %dma_wait3A_704, %dma_wait3A_705] : memref<3x16x56x32xf32, #tpu.memory_space<vmem>> -> memref<1x1x56x32xf32, #tpu.memory_space<vmem>>
      %dma_wait3A_707 = tpu.memref_squeeze %dma_wait3A_706 : memref<1x1x56x32xf32, #tpu.memory_space<vmem>> -> memref<56x32xf32, #tpu.memory_space<vmem>>
      %dma_wait3A_708 = arith.constant 0 : i32
      %dma_wait3A_709 = arith.constant 0 : i32
      %dma_wait3A_710 = tpu.memref_slice %arg3[%dma_wait3A_708, %dma_wait3A_709] : memref<1000000x32xf32, #tpu.memory_space<hbm>> -> memref<56x32xf32, #tpu.memory_space<hbm>>
      %dma_wait3A_711 = tpu.memref_slice %arg7[%select_n3A_595] : memref<3x!tpu.dma_semaphore, #tpu.memory_space<semaphore_mem>> -> memref<1x!tpu.dma_semaphore, #tpu.memory_space<semaphore_mem>>
      %dma_wait3A_712 = tpu.memref_squeeze %dma_wait3A_711 : memref<1x!tpu.dma_semaphore, #tpu.memory_space<semaphore_mem>> -> memref<!tpu.dma_semaphore, #tpu.memory_space<semaphore_mem>>
      %dma_wait3A_713 = arith.constant 0 : i32
      %dma_wait3A_714 = arith.constant 0 : i32
      %dma_wait3A_715 = tpu.memref_slice %arg6[%select_n3A_595, %dma_wait3A_703, %dma_wait3A_713, %dma_wait3A_714] : memref<3x16x56x32xf32, #tpu.memory_space<vmem>> -> memref<1x1x56x32xf32, #tpu.memory_space<vmem>>
      %dma_wait3A_716 = tpu.memref_squeeze %dma_wait3A_715 : memref<1x1x56x32xf32, #tpu.memory_space<vmem>> -> memref<56x32xf32, #tpu.memory_space<vmem>>
      %dma_wait3A_717 = arith.constant 0 : i32
      %dma_wait3A_718 = arith.constant 0 : i32
      %dma_wait3A_719 = tpu.memref_slice %arg3[%dma_wait3A_717, %dma_wait3A_718] : memref<1000000x32xf32, #tpu.memory_space<hbm>> -> memref<56x32xf32, #tpu.memory_space<hbm>>
      tpu.wait_dma2 semaphore(%dma_wait3A_712 : memref<!tpu.dma_semaphore, #tpu.memory_space<semaphore_mem>>) src(%dma_wait3A_719 : memref<56x32xf32, #tpu.memory_space<hbm>>) dst(%dma_wait3A_716 : memref<56x32xf32, #tpu.memory_space<vmem>>)
      %dma_wait3A_720 = arith.constant 7 : i32
      %dma_wait3A_721 = arith.constant 0 : i32
      %dma_wait3A_722 = arith.constant 0 : i32
      %dma_wait3A_723 = tpu.memref_slice %arg6[%select_n3A_595, %dma_wait3A_720, %dma_wait3A_721, %dma_wait3A_722] : memref<3x16x56x32xf32, #tpu.memory_space<vmem>> -> memref<1x1x56x32xf32, #tpu.memory_space<vmem>>
      %dma_wait3A_724 = tpu.memref_squeeze %dma_wait3A_723 : memref<1x1x56x32xf32, #tpu.memory_space<vmem>> -> memref<56x32xf32, #tpu.memory_space<vmem>>
      %dma_wait3A_725 = arith.constant 0 : i32
      %dma_wait3A_726 = arith.constant 0 : i32
      %dma_wait3A_727 = tpu.memref_slice %arg3[%dma_wait3A_725, %dma_wait3A_726] : memref<1000000x32xf32, #tpu.memory_space<hbm>> -> memref<56x32xf32, #tpu.memory_space<hbm>>
      %dma_wait3A_728 = tpu.memref_slice %arg7[%select_n3A_595] : memref<3x!tpu.dma_semaphore, #tpu.memory_space<semaphore_mem>> -> memref<1x!tpu.dma_semaphore, #tpu.memory_space<semaphore_mem>>
      %dma_wait3A_729 = tpu.memref_squeeze %dma_wait3A_728 : memref<1x!tpu.dma_semaphore, #tpu.memory_space<semaphore_mem>> -> memref<!tpu.dma_semaphore, #tpu.memory_space<semaphore_mem>>
      %dma_wait3A_730 = arith.constant 0 : i32
      %dma_wait3A_731 = arith.constant 0 : i32
      %dma_wait3A_732 = tpu.memref_slice %arg6[%select_n3A_595, %dma_wait3A_720, %dma_wait3A_730, %dma_wait3A_731] : memref<3x16x56x32xf32, #tpu.memory_space<vmem>> -> memref<1x1x56x32xf32, #tpu.memory_space<vmem>>
      %dma_wait3A_733 = tpu.memref_squeeze %dma_wait3A_732 : memref<1x1x56x32xf32, #tpu.memory_space<vmem>> -> memref<56x32xf32, #tpu.memory_space<vmem>>
      %dma_wait3A_734 = arith.constant 0 : i32
      %dma_wait3A_735 = arith.constant 0 : i32
      %dma_wait3A_736 = tpu.memref_slice %arg3[%dma_wait3A_734, %dma_wait3A_735] : memref<1000000x32xf32, #tpu.memory_space<hbm>> -> memref<56x32xf32, #tpu.memory_space<hbm>>
      tpu.wait_dma2 semaphore(%dma_wait3A_729 : memref<!tpu.dma_semaphore, #tpu.memory_space<semaphore_mem>>) src(%dma_wait3A_736 : memref<56x32xf32, #tpu.memory_space<hbm>>) dst(%dma_wait3A_733 : memref<56x32xf32, #tpu.memory_space<vmem>>)
      %dma_wait3A_737 = arith.constant 8 : i32
      %dma_wait3A_738 = arith.constant 0 : i32
      %dma_wait3A_739 = arith.constant 0 : i32
      %dma_wait3A_740 = tpu.memref_slice %arg6[%select_n3A_595, %dma_wait3A_737, %dma_wait3A_738, %dma_wait3A_739] : memref<3x16x56x32xf32, #tpu.memory_space<vmem>> -> memref<1x1x56x32xf32, #tpu.memory_space<vmem>>
      %dma_wait3A_741 = tpu.memref_squeeze %dma_wait3A_740 : memref<1x1x56x32xf32, #tpu.memory_space<vmem>> -> memref<56x32xf32, #tpu.memory_space<vmem>>
      %dma_wait3A_742 = arith.constant 0 : i32
      %dma_wait3A_743 = arith.constant 0 : i32
      %dma_wait3A_744 = tpu.memref_slice %arg3[%dma_wait3A_742, %dma_wait3A_743] : memref<1000000x32xf32, #tpu.memory_space<hbm>> -> memref<56x32xf32, #tpu.memory_space<hbm>>
      %dma_wait3A_745 = tpu.memref_slice %arg7[%select_n3A_595] : memref<3x!tpu.dma_semaphore, #tpu.memory_space<semaphore_mem>> -> memref<1x!tpu.dma_semaphore, #tpu.memory_space<semaphore_mem>>
      %dma_wait3A_746 = tpu.memref_squeeze %dma_wait3A_745 : memref<1x!tpu.dma_semaphore, #tpu.memory_space<semaphore_mem>> -> memref<!tpu.dma_semaphore, #tpu.memory_space<semaphore_mem>>
      %dma_wait3A_747 = arith.constant 0 : i32
      %dma_wait3A_748 = arith.constant 0 : i32
      %dma_wait3A_749 = tpu.memref_slice %arg6[%select_n3A_595, %dma_wait3A_737, %dma_wait3A_747, %dma_wait3A_748] : memref<3x16x56x32xf32, #tpu.memory_space<vmem>> -> memref<1x1x56x32xf32, #tpu.memory_space<vmem>>
      %dma_wait3A_750 = tpu.memref_squeeze %dma_wait3A_749 : memref<1x1x56x32xf32, #tpu.memory_space<vmem>> -> memref<56x32xf32, #tpu.memory_space<vmem>>
      %dma_wait3A_751 = arith.constant 0 : i32
      %dma_wait3A_752 = arith.constant 0 : i32
      %dma_wait3A_753 = tpu.memref_slice %arg3[%dma_wait3A_751, %dma_wait3A_752] : memref<1000000x32xf32, #tpu.memory_space<hbm>> -> memref<56x32xf32, #tpu.memory_space<hbm>>
      tpu.wait_dma2 semaphore(%dma_wait3A_746 : memref<!tpu.dma_semaphore, #tpu.memory_space<semaphore_mem>>) src(%dma_wait3A_753 : memref<56x32xf32, #tpu.memory_space<hbm>>) dst(%dma_wait3A_750 : memref<56x32xf32, #tpu.memory_space<vmem>>)
      %dma_wait3A_754 = arith.constant 9 : i32
      %dma_wait3A_755 = arith.constant 0 : i32
      %dma_wait3A_756 = arith.constant 0 : i32
      %dma_wait3A_757 = tpu.memref_slice %arg6[%select_n3A_595, %dma_wait3A_754, %dma_wait3A_755, %dma_wait3A_756] : memref<3x16x56x32xf32, #tpu.memory_space<vmem>> -> memref<1x1x56x32xf32, #tpu.memory_space<vmem>>
      %dma_wait3A_758 = tpu.memref_squeeze %dma_wait3A_757 : memref<1x1x56x32xf32, #tpu.memory_space<vmem>> -> memref<56x32xf32, #tpu.memory_space<vmem>>
      %dma_wait3A_759 = arith.constant 0 : i32
      %dma_wait3A_760 = arith.constant 0 : i32
      %dma_wait3A_761 = tpu.memref_slice %arg3[%dma_wait3A_759, %dma_wait3A_760] : memref<1000000x32xf32, #tpu.memory_space<hbm>> -> memref<56x32xf32, #tpu.memory_space<hbm>>
      %dma_wait3A_762 = tpu.memref_slice %arg7[%select_n3A_595] : memref<3x!tpu.dma_semaphore, #tpu.memory_space<semaphore_mem>> -> memref<1x!tpu.dma_semaphore, #tpu.memory_space<semaphore_mem>>
      %dma_wait3A_763 = tpu.memref_squeeze %dma_wait3A_762 : memref<1x!tpu.dma_semaphore, #tpu.memory_space<semaphore_mem>> -> memref<!tpu.dma_semaphore, #tpu.memory_space<semaphore_mem>>
      %dma_wait3A_764 = arith.constant 0 : i32
      %dma_wait3A_765 = arith.constant 0 : i32
      %dma_wait3A_766 = tpu.memref_slice %arg6[%select_n3A_595, %dma_wait3A_754, %dma_wait3A_764, %dma_wait3A_765] : memref<3x16x56x32xf32, #tpu.memory_space<vmem>> -> memref<1x1x56x32xf32, #tpu.memory_space<vmem>>
      %dma_wait3A_767 = tpu.memref_squeeze %dma_wait3A_766 : memref<1x1x56x32xf32, #tpu.memory_space<vmem>> -> memref<56x32xf32, #tpu.memory_space<vmem>>
      %dma_wait3A_768 = arith.constant 0 : i32
      %dma_wait3A_769 = arith.constant 0 : i32
      %dma_wait3A_770 = tpu.memref_slice %arg3[%dma_wait3A_768, %dma_wait3A_769] : memref<1000000x32xf32, #tpu.memory_space<hbm>> -> memref<56x32xf32, #tpu.memory_space<hbm>>
      tpu.wait_dma2 semaphore(%dma_wait3A_763 : memref<!tpu.dma_semaphore, #tpu.memory_space<semaphore_mem>>) src(%dma_wait3A_770 : memref<56x32xf32, #tpu.memory_space<hbm>>) dst(%dma_wait3A_767 : memref<56x32xf32, #tpu.memory_space<vmem>>)
      %dma_wait3A_771 = arith.constant 10 : i32
      %dma_wait3A_772 = arith.constant 0 : i32
      %dma_wait3A_773 = arith.constant 0 : i32
      %dma_wait3A_774 = tpu.memref_slice %arg6[%select_n3A_595, %dma_wait3A_771, %dma_wait3A_772, %dma_wait3A_773] : memref<3x16x56x32xf32, #tpu.memory_space<vmem>> -> memref<1x1x56x32xf32, #tpu.memory_space<vmem>>
      %dma_wait3A_775 = tpu.memref_squeeze %dma_wait3A_774 : memref<1x1x56x32xf32, #tpu.memory_space<vmem>> -> memref<56x32xf32, #tpu.memory_space<vmem>>
      %dma_wait3A_776 = arith.constant 0 : i32
      %dma_wait3A_777 = arith.constant 0 : i32
      %dma_wait3A_778 = tpu.memref_slice %arg3[%dma_wait3A_776, %dma_wait3A_777] : memref<1000000x32xf32, #tpu.memory_space<hbm>> -> memref<56x32xf32, #tpu.memory_space<hbm>>
      %dma_wait3A_779 = tpu.memref_slice %arg7[%select_n3A_595] : memref<3x!tpu.dma_semaphore, #tpu.memory_space<semaphore_mem>> -> memref<1x!tpu.dma_semaphore, #tpu.memory_space<semaphore_mem>>
      %dma_wait3A_780 = tpu.memref_squeeze %dma_wait3A_779 : memref<1x!tpu.dma_semaphore, #tpu.memory_space<semaphore_mem>> -> memref<!tpu.dma_semaphore, #tpu.memory_space<semaphore_mem>>
      %dma_wait3A_781 = arith.constant 0 : i32
      %dma_wait3A_782 = arith.constant 0 : i32
      %dma_wait3A_783 = tpu.memref_slice %arg6[%select_n3A_595, %dma_wait3A_771, %dma_wait3A_781, %dma_wait3A_782] : memref<3x16x56x32xf32, #tpu.memory_space<vmem>> -> memref<1x1x56x32xf32, #tpu.memory_space<vmem>>
      %dma_wait3A_784 = tpu.memref_squeeze %dma_wait3A_783 : memref<1x1x56x32xf32, #tpu.memory_space<vmem>> -> memref<56x32xf32, #tpu.memory_space<vmem>>
      %dma_wait3A_785 = arith.constant 0 : i32
      %dma_wait3A_786 = arith.constant 0 : i32
      %dma_wait3A_787 = tpu.memref_slice %arg3[%dma_wait3A_785, %dma_wait3A_786] : memref<1000000x32xf32, #tpu.memory_space<hbm>> -> memref<56x32xf32, #tpu.memory_space<hbm>>
      tpu.wait_dma2 semaphore(%dma_wait3A_780 : memref<!tpu.dma_semaphore, #tpu.memory_space<semaphore_mem>>) src(%dma_wait3A_787 : memref<56x32xf32, #tpu.memory_space<hbm>>) dst(%dma_wait3A_784 : memref<56x32xf32, #tpu.memory_space<vmem>>)
      %dma_wait3A_788 = arith.constant 11 : i32
      %dma_wait3A_789 = arith.constant 0 : i32
      %dma_wait3A_790 = arith.constant 0 : i32
      %dma_wait3A_791 = tpu.memref_slice %arg6[%select_n3A_595, %dma_wait3A_788, %dma_wait3A_789, %dma_wait3A_790] : memref<3x16x56x32xf32, #tpu.memory_space<vmem>> -> memref<1x1x56x32xf32, #tpu.memory_space<vmem>>
      %dma_wait3A_792 = tpu.memref_squeeze %dma_wait3A_791 : memref<1x1x56x32xf32, #tpu.memory_space<vmem>> -> memref<56x32xf32, #tpu.memory_space<vmem>>
      %dma_wait3A_793 = arith.constant 0 : i32
      %dma_wait3A_794 = arith.constant 0 : i32
      %dma_wait3A_795 = tpu.memref_slice %arg3[%dma_wait3A_793, %dma_wait3A_794] : memref<1000000x32xf32, #tpu.memory_space<hbm>> -> memref<56x32xf32, #tpu.memory_space<hbm>>
      %dma_wait3A_796 = tpu.memref_slice %arg7[%select_n3A_595] : memref<3x!tpu.dma_semaphore, #tpu.memory_space<semaphore_mem>> -> memref<1x!tpu.dma_semaphore, #tpu.memory_space<semaphore_mem>>
      %dma_wait3A_797 = tpu.memref_squeeze %dma_wait3A_796 : memref<1x!tpu.dma_semaphore, #tpu.memory_space<semaphore_mem>> -> memref<!tpu.dma_semaphore, #tpu.memory_space<semaphore_mem>>
      %dma_wait3A_798 = arith.constant 0 : i32
      %dma_wait3A_799 = arith.constant 0 : i32
      %dma_wait3A_800 = tpu.memref_slice %arg6[%select_n3A_595, %dma_wait3A_788, %dma_wait3A_798, %dma_wait3A_799] : memref<3x16x56x32xf32, #tpu.memory_space<vmem>> -> memref<1x1x56x32xf32, #tpu.memory_space<vmem>>
      %dma_wait3A_801 = tpu.memref_squeeze %dma_wait3A_800 : memref<1x1x56x32xf32, #tpu.memory_space<vmem>> -> memref<56x32xf32, #tpu.memory_space<vmem>>
      %dma_wait3A_802 = arith.constant 0 : i32
      %dma_wait3A_803 = arith.constant 0 : i32
      %dma_wait3A_804 = tpu.memref_slice %arg3[%dma_wait3A_802, %dma_wait3A_803] : memref<1000000x32xf32, #tpu.memory_space<hbm>> -> memref<56x32xf32, #tpu.memory_space<hbm>>
      tpu.wait_dma2 semaphore(%dma_wait3A_797 : memref<!tpu.dma_semaphore, #tpu.memory_space<semaphore_mem>>) src(%dma_wait3A_804 : memref<56x32xf32, #tpu.memory_space<hbm>>) dst(%dma_wait3A_801 : memref<56x32xf32, #tpu.memory_space<vmem>>)
      %dma_wait3A_805 = arith.constant 12 : i32
      %dma_wait3A_806 = arith.constant 0 : i32
      %dma_wait3A_807 = arith.constant 0 : i32
      %dma_wait3A_808 = tpu.memref_slice %arg6[%select_n3A_595, %dma_wait3A_805, %dma_wait3A_806, %dma_wait3A_807] : memref<3x16x56x32xf32, #tpu.memory_space<vmem>> -> memref<1x1x56x32xf32, #tpu.memory_space<vmem>>
      %dma_wait3A_809 = tpu.memref_squeeze %dma_wait3A_808 : memref<1x1x56x32xf32, #tpu.memory_space<vmem>> -> memref<56x32xf32, #tpu.memory_space<vmem>>
      %dma_wait3A_810 = arith.constant 0 : i32
      %dma_wait3A_811 = arith.constant 0 : i32
      %dma_wait3A_812 = tpu.memref_slice %arg3[%dma_wait3A_810, %dma_wait3A_811] : memref<1000000x32xf32, #tpu.memory_space<hbm>> -> memref<56x32xf32, #tpu.memory_space<hbm>>
      %dma_wait3A_813 = tpu.memref_slice %arg7[%select_n3A_595] : memref<3x!tpu.dma_semaphore, #tpu.memory_space<semaphore_mem>> -> memref<1x!tpu.dma_semaphore, #tpu.memory_space<semaphore_mem>>
      %dma_wait3A_814 = tpu.memref_squeeze %dma_wait3A_813 : memref<1x!tpu.dma_semaphore, #tpu.memory_space<semaphore_mem>> -> memref<!tpu.dma_semaphore, #tpu.memory_space<semaphore_mem>>
      %dma_wait3A_815 = arith.constant 0 : i32
      %dma_wait3A_816 = arith.constant 0 : i32
      %dma_wait3A_817 = tpu.memref_slice %arg6[%select_n3A_595, %dma_wait3A_805, %dma_wait3A_815, %dma_wait3A_816] : memref<3x16x56x32xf32, #tpu.memory_space<vmem>> -> memref<1x1x56x32xf32, #tpu.memory_space<vmem>>
      %dma_wait3A_818 = tpu.memref_squeeze %dma_wait3A_817 : memref<1x1x56x32xf32, #tpu.memory_space<vmem>> -> memref<56x32xf32, #tpu.memory_space<vmem>>
      %dma_wait3A_819 = arith.constant 0 : i32
      %dma_wait3A_820 = arith.constant 0 : i32
      %dma_wait3A_821 = tpu.memref_slice %arg3[%dma_wait3A_819, %dma_wait3A_820] : memref<1000000x32xf32, #tpu.memory_space<hbm>> -> memref<56x32xf32, #tpu.memory_space<hbm>>
      tpu.wait_dma2 semaphore(%dma_wait3A_814 : memref<!tpu.dma_semaphore, #tpu.memory_space<semaphore_mem>>) src(%dma_wait3A_821 : memref<56x32xf32, #tpu.memory_space<hbm>>) dst(%dma_wait3A_818 : memref<56x32xf32, #tpu.memory_space<vmem>>)
      %dma_wait3A_822 = arith.constant 13 : i32
      %dma_wait3A_823 = arith.constant 0 : i32
      %dma_wait3A_824 = arith.constant 0 : i32
      %dma_wait3A_825 = tpu.memref_slice %arg6[%select_n3A_595, %dma_wait3A_822, %dma_wait3A_823, %dma_wait3A_824] : memref<3x16x56x32xf32, #tpu.memory_space<vmem>> -> memref<1x1x56x32xf32, #tpu.memory_space<vmem>>
      %dma_wait3A_826 = tpu.memref_squeeze %dma_wait3A_825 : memref<1x1x56x32xf32, #tpu.memory_space<vmem>> -> memref<56x32xf32, #tpu.memory_space<vmem>>
      %dma_wait3A_827 = arith.constant 0 : i32
      %dma_wait3A_828 = arith.constant 0 : i32
      %dma_wait3A_829 = tpu.memref_slice %arg3[%dma_wait3A_827, %dma_wait3A_828] : memref<1000000x32xf32, #tpu.memory_space<hbm>> -> memref<56x32xf32, #tpu.memory_space<hbm>>
      %dma_wait3A_830 = tpu.memref_slice %arg7[%select_n3A_595] : memref<3x!tpu.dma_semaphore, #tpu.memory_space<semaphore_mem>> -> memref<1x!tpu.dma_semaphore, #tpu.memory_space<semaphore_mem>>
      %dma_wait3A_831 = tpu.memref_squeeze %dma_wait3A_830 : memref<1x!tpu.dma_semaphore, #tpu.memory_space<semaphore_mem>> -> memref<!tpu.dma_semaphore, #tpu.memory_space<semaphore_mem>>
      %dma_wait3A_832 = arith.constant 0 : i32
      %dma_wait3A_833 = arith.constant 0 : i32
      %dma_wait3A_834 = tpu.memref_slice %arg6[%select_n3A_595, %dma_wait3A_822, %dma_wait3A_832, %dma_wait3A_833] : memref<3x16x56x32xf32, #tpu.memory_space<vmem>> -> memref<1x1x56x32xf32, #tpu.memory_space<vmem>>
      %dma_wait3A_835 = tpu.memref_squeeze %dma_wait3A_834 : memref<1x1x56x32xf32, #tpu.memory_space<vmem>> -> memref<56x32xf32, #tpu.memory_space<vmem>>
      %dma_wait3A_836 = arith.constant 0 : i32
      %dma_wait3A_837 = arith.constant 0 : i32
      %dma_wait3A_838 = tpu.memref_slice %arg3[%dma_wait3A_836, %dma_wait3A_837] : memref<1000000x32xf32, #tpu.memory_space<hbm>> -> memref<56x32xf32, #tpu.memory_space<hbm>>
      tpu.wait_dma2 semaphore(%dma_wait3A_831 : memref<!tpu.dma_semaphore, #tpu.memory_space<semaphore_mem>>) src(%dma_wait3A_838 : memref<56x32xf32, #tpu.memory_space<hbm>>) dst(%dma_wait3A_835 : memref<56x32xf32, #tpu.memory_space<vmem>>)
      %dma_wait3A_839 = arith.constant 14 : i32
      %dma_wait3A_840 = arith.constant 0 : i32
      %dma_wait3A_841 = arith.constant 0 : i32
      %dma_wait3A_842 = tpu.memref_slice %arg6[%select_n3A_595, %dma_wait3A_839, %dma_wait3A_840, %dma_wait3A_841] : memref<3x16x56x32xf32, #tpu.memory_space<vmem>> -> memref<1x1x56x32xf32, #tpu.memory_space<vmem>>
      %dma_wait3A_843 = tpu.memref_squeeze %dma_wait3A_842 : memref<1x1x56x32xf32, #tpu.memory_space<vmem>> -> memref<56x32xf32, #tpu.memory_space<vmem>>
      %dma_wait3A_844 = arith.constant 0 : i32
      %dma_wait3A_845 = arith.constant 0 : i32
      %dma_wait3A_846 = tpu.memref_slice %arg3[%dma_wait3A_844, %dma_wait3A_845] : memref<1000000x32xf32, #tpu.memory_space<hbm>> -> memref<56x32xf32, #tpu.memory_space<hbm>>
      %dma_wait3A_847 = tpu.memref_slice %arg7[%select_n3A_595] : memref<3x!tpu.dma_semaphore, #tpu.memory_space<semaphore_mem>> -> memref<1x!tpu.dma_semaphore, #tpu.memory_space<semaphore_mem>>
      %dma_wait3A_848 = tpu.memref_squeeze %dma_wait3A_847 : memref<1x!tpu.dma_semaphore, #tpu.memory_space<semaphore_mem>> -> memref<!tpu.dma_semaphore, #tpu.memory_space<semaphore_mem>>
      %dma_wait3A_849 = arith.constant 0 : i32
      %dma_wait3A_850 = arith.constant 0 : i32
      %dma_wait3A_851 = tpu.memref_slice %arg6[%select_n3A_595, %dma_wait3A_839, %dma_wait3A_849, %dma_wait3A_850] : memref<3x16x56x32xf32, #tpu.memory_space<vmem>> -> memref<1x1x56x32xf32, #tpu.memory_space<vmem>>
      %dma_wait3A_852 = tpu.memref_squeeze %dma_wait3A_851 : memref<1x1x56x32xf32, #tpu.memory_space<vmem>> -> memref<56x32xf32, #tpu.memory_space<vmem>>
      %dma_wait3A_853 = arith.constant 0 : i32
      %dma_wait3A_854 = arith.constant 0 : i32
      %dma_wait3A_855 = tpu.memref_slice %arg3[%dma_wait3A_853, %dma_wait3A_854] : memref<1000000x32xf32, #tpu.memory_space<hbm>> -> memref<56x32xf32, #tpu.memory_space<hbm>>
      tpu.wait_dma2 semaphore(%dma_wait3A_848 : memref<!tpu.dma_semaphore, #tpu.memory_space<semaphore_mem>>) src(%dma_wait3A_855 : memref<56x32xf32, #tpu.memory_space<hbm>>) dst(%dma_wait3A_852 : memref<56x32xf32, #tpu.memory_space<vmem>>)
      %dma_wait3A_856 = arith.constant 15 : i32
      %dma_wait3A_857 = arith.constant 0 : i32
      %dma_wait3A_858 = arith.constant 0 : i32
      %dma_wait3A_859 = tpu.memref_slice %arg6[%select_n3A_595, %dma_wait3A_856, %dma_wait3A_857, %dma_wait3A_858] : memref<3x16x56x32xf32, #tpu.memory_space<vmem>> -> memref<1x1x56x32xf32, #tpu.memory_space<vmem>>
      %dma_wait3A_860 = tpu.memref_squeeze %dma_wait3A_859 : memref<1x1x56x32xf32, #tpu.memory_space<vmem>> -> memref<56x32xf32, #tpu.memory_space<vmem>>
      %dma_wait3A_861 = arith.constant 0 : i32
      %dma_wait3A_862 = arith.constant 0 : i32
      %dma_wait3A_863 = tpu.memref_slice %arg3[%dma_wait3A_861, %dma_wait3A_862] : memref<1000000x32xf32, #tpu.memory_space<hbm>> -> memref<56x32xf32, #tpu.memory_space<hbm>>
      %dma_wait3A_864 = tpu.memref_slice %arg7[%select_n3A_595] : memref<3x!tpu.dma_semaphore, #tpu.memory_space<semaphore_mem>> -> memref<1x!tpu.dma_semaphore, #tpu.memory_space<semaphore_mem>>
      %dma_wait3A_865 = tpu.memref_squeeze %dma_wait3A_864 : memref<1x!tpu.dma_semaphore, #tpu.memory_space<semaphore_mem>> -> memref<!tpu.dma_semaphore, #tpu.memory_space<semaphore_mem>>
      %dma_wait3A_866 = arith.constant 0 : i32
      %dma_wait3A_867 = arith.constant 0 : i32
      %dma_wait3A_868 = tpu.memref_slice %arg6[%select_n3A_595, %dma_wait3A_856, %dma_wait3A_866, %dma_wait3A_867] : memref<3x16x56x32xf32, #tpu.memory_space<vmem>> -> memref<1x1x56x32xf32, #tpu.memory_space<vmem>>
      %dma_wait3A_869 = tpu.memref_squeeze %dma_wait3A_868 : memref<1x1x56x32xf32, #tpu.memory_space<vmem>> -> memref<56x32xf32, #tpu.memory_space<vmem>>
      %dma_wait3A_870 = arith.constant 0 : i32
      %dma_wait3A_871 = arith.constant 0 : i32
      %dma_wait3A_872 = tpu.memref_slice %arg3[%dma_wait3A_870, %dma_wait3A_871] : memref<1000000x32xf32, #tpu.memory_space<hbm>> -> memref<56x32xf32, #tpu.memory_space<hbm>>
      tpu.wait_dma2 semaphore(%dma_wait3A_865 : memref<!tpu.dma_semaphore, #tpu.memory_space<semaphore_mem>>) src(%dma_wait3A_872 : memref<56x32xf32, #tpu.memory_space<hbm>>) dst(%dma_wait3A_869 : memref<56x32xf32, #tpu.memory_space<vmem>>)
      %mul3A_873 = arith.constant 16 : i32
      %mul3A_874 = arith.muli %scan3A_585, %mul3A_873 : i32
      %add3A_875 = arith.addi %mul3A_2, %mul3A_874 : i32
      %dma_start3A_876 = arith.constant 0 : i32
      %dma_start3A_877 = arith.constant 0 : i32
      %dma_start3A_878 = arith.constant 0 : i32
      %dma_start3A_879 = tpu.memref_slice %arg6[%select_n3A_595, %dma_start3A_876, %dma_start3A_877, %dma_start3A_878] : memref<3x16x56x32xf32, #tpu.memory_space<vmem>> -> memref<1x16x50x32xf32, #tpu.memory_space<vmem>>
      %dma_start3A_880 = tpu.memref_squeeze %dma_start3A_879 : memref<1x16x50x32xf32, #tpu.memory_space<vmem>> -> memref<16x50x32xf32, #tpu.memory_space<vmem>>
      %dma_start3A_881 = arith.constant 0 : i32
      %dma_start3A_882 = arith.constant 0 : i32
      %dma_start3A_883 = tpu.memref_slice %arg4[%add3A_875, %dma_start3A_881, %dma_start3A_882] : memref<16384x50x32xf32, #tpu.memory_space<hbm>> -> memref<16x50x32xf32, #tpu.memory_space<hbm>>
      %dma_start3A_884 = tpu.memref_slice %arg8[%select_n3A_595] : memref<3x!tpu.dma_semaphore, #tpu.memory_space<semaphore_mem>> -> memref<1x!tpu.dma_semaphore, #tpu.memory_space<semaphore_mem>>
      %dma_start3A_885 = tpu.memref_squeeze %dma_start3A_884 : memref<1x!tpu.dma_semaphore, #tpu.memory_space<semaphore_mem>> -> memref<!tpu.dma_semaphore, #tpu.memory_space<semaphore_mem>>
      %dma_start3A_886 = arith.constant 0 : i32
      %dma_start3A_887 = arith.constant 0 : i32
      %dma_start3A_888 = tpu.memref_slice %arg4[%add3A_875, %dma_start3A_886, %dma_start3A_887] : memref<16384x50x32xf32, #tpu.memory_space<hbm>> -> memref<16x50x32xf32, #tpu.memory_space<hbm>>
      %dma_start3A_889 = arith.constant 0 : i32
      %dma_start3A_890 = arith.constant 0 : i32
      %dma_start3A_891 = arith.constant 0 : i32
      %dma_start3A_892 = tpu.memref_slice %arg6[%select_n3A_595, %dma_start3A_889, %dma_start3A_890, %dma_start3A_891] : memref<3x16x56x32xf32, #tpu.memory_space<vmem>> -> memref<1x16x50x32xf32, #tpu.memory_space<vmem>>
      %dma_start3A_893 = tpu.memref_squeeze %dma_start3A_892 : memref<1x16x50x32xf32, #tpu.memory_space<vmem>> -> memref<16x50x32xf32, #tpu.memory_space<vmem>>
      tpu.enqueue_dma source(%dma_start3A_893 : memref<16x50x32xf32, #tpu.memory_space<vmem>>) target(%dma_start3A_888 : memref<16x50x32xf32, #tpu.memory_space<hbm>>) target_semaphore(%dma_start3A_885 : memref<!tpu.dma_semaphore, #tpu.memory_space<semaphore_mem>>)
      %scan3A_894 = arith.constant 0 : i32
      scf.yield %scan3A_894 : i32
    }
    %scan3A_519 = arith.constant 32 : i32
    %add3A_520 = arith.constant 464 : i32
    %add3A_521 = arith.addi %mul3A_2, %add3A_520 : i32
    %dma_wait3A = arith.constant 2 : i32
    %dma_wait3A_522 = arith.constant 2 : i32
    %dma_wait3A_523 = arith.constant 0 : i32
    %dma_wait3A_524 = arith.constant 0 : i32
    %dma_wait3A_525 = arith.constant 0 : i32
    %dma_wait3A_526 = tpu.memref_slice %arg6[%dma_wait3A, %dma_wait3A_523, %dma_wait3A_524, %dma_wait3A_525] : memref<3x16x56x32xf32, #tpu.memory_space<vmem>> -> memref<1x16x50x32xf32, #tpu.memory_space<vmem>>
    %dma_wait3A_527 = tpu.memref_squeeze %dma_wait3A_526 : memref<1x16x50x32xf32, #tpu.memory_space<vmem>> -> memref<16x50x32xf32, #tpu.memory_space<vmem>>
    %dma_wait3A_528 = arith.constant 0 : i32
    %dma_wait3A_529 = arith.constant 0 : i32
    %dma_wait3A_530 = tpu.memref_slice %arg4[%add3A_521, %dma_wait3A_528, %dma_wait3A_529] : memref<16384x50x32xf32, #tpu.memory_space<hbm>> -> memref<16x50x32xf32, #tpu.memory_space<hbm>>
    %dma_wait3A_531 = tpu.memref_slice %arg8[%dma_wait3A_522] : memref<3x!tpu.dma_semaphore, #tpu.memory_space<semaphore_mem>> -> memref<1x!tpu.dma_semaphore, #tpu.memory_space<semaphore_mem>>
    %dma_wait3A_532 = tpu.memref_squeeze %dma_wait3A_531 : memref<1x!tpu.dma_semaphore, #tpu.memory_space<semaphore_mem>> -> memref<!tpu.dma_semaphore, #tpu.memory_space<semaphore_mem>>
    %dma_wait3A_533 = arith.constant 0 : i32
    %dma_wait3A_534 = arith.constant 0 : i32
    %dma_wait3A_535 = tpu.memref_slice %arg4[%add3A_521, %dma_wait3A_533, %dma_wait3A_534] : memref<16384x50x32xf32, #tpu.memory_space<hbm>> -> memref<16x50x32xf32, #tpu.memory_space<hbm>>
    %dma_wait3A_536 = arith.constant 0 : i32
    %dma_wait3A_537 = arith.constant 0 : i32
    %dma_wait3A_538 = arith.constant 0 : i32
    %dma_wait3A_539 = tpu.memref_slice %arg6[%dma_wait3A, %dma_wait3A_536, %dma_wait3A_537, %dma_wait3A_538] : memref<3x16x56x32xf32, #tpu.memory_space<vmem>> -> memref<1x16x50x32xf32, #tpu.memory_space<vmem>>
    %dma_wait3A_540 = tpu.memref_squeeze %dma_wait3A_539 : memref<1x16x50x32xf32, #tpu.memory_space<vmem>> -> memref<16x50x32xf32, #tpu.memory_space<vmem>>
    tpu.wait_dma2 semaphore(%dma_wait3A_532 : memref<!tpu.dma_semaphore, #tpu.memory_space<semaphore_mem>>) src(%dma_wait3A_540 : memref<16x50x32xf32, #tpu.memory_space<vmem>>) dst(%dma_wait3A_535 : memref<16x50x32xf32, #tpu.memory_space<hbm>>)
    %add3A_541 = arith.constant 480 : i32
    %add3A_542 = arith.addi %mul3A_2, %add3A_541 : i32
    %dma_wait3A_543 = arith.constant 0 : i32
    %dma_wait3A_544 = arith.constant 0 : i32
    %dma_wait3A_545 = arith.constant 0 : i32
    %dma_wait3A_546 = arith.constant 0 : i32
    %dma_wait3A_547 = arith.constant 0 : i32
    %dma_wait3A_548 = tpu.memref_slice %arg6[%dma_wait3A_543, %dma_wait3A_545, %dma_wait3A_546, %dma_wait3A_547] : memref<3x16x56x32xf32, #tpu.memory_space<vmem>> -> memref<1x16x50x32xf32, #tpu.memory_space<vmem>>
    %dma_wait3A_549 = tpu.memref_squeeze %dma_wait3A_548 : memref<1x16x50x32xf32, #tpu.memory_space<vmem>> -> memref<16x50x32xf32, #tpu.memory_space<vmem>>
    %dma_wait3A_550 = arith.constant 0 : i32
    %dma_wait3A_551 = arith.constant 0 : i32
    %dma_wait3A_552 = tpu.memref_slice %arg4[%add3A_542, %dma_wait3A_550, %dma_wait3A_551] : memref<16384x50x32xf32, #tpu.memory_space<hbm>> -> memref<16x50x32xf32, #tpu.memory_space<hbm>>
    %dma_wait3A_553 = tpu.memref_slice %arg8[%dma_wait3A_544] : memref<3x!tpu.dma_semaphore, #tpu.memory_space<semaphore_mem>> -> memref<1x!tpu.dma_semaphore, #tpu.memory_space<semaphore_mem>>
    %dma_wait3A_554 = tpu.memref_squeeze %dma_wait3A_553 : memref<1x!tpu.dma_semaphore, #tpu.memory_space<semaphore_mem>> -> memref<!tpu.dma_semaphore, #tpu.memory_space<semaphore_mem>>
    %dma_wait3A_555 = arith.constant 0 : i32
    %dma_wait3A_556 = arith.constant 0 : i32
    %dma_wait3A_557 = tpu.memref_slice %arg4[%add3A_542, %dma_wait3A_555, %dma_wait3A_556] : memref<16384x50x32xf32, #tpu.memory_space<hbm>> -> memref<16x50x32xf32, #tpu.memory_space<hbm>>
    %dma_wait3A_558 = arith.constant 0 : i32
    %dma_wait3A_559 = arith.constant 0 : i32
    %dma_wait3A_560 = arith.constant 0 : i32
    %dma_wait3A_561 = tpu.memref_slice %arg6[%dma_wait3A_543, %dma_wait3A_558, %dma_wait3A_559, %dma_wait3A_560] : memref<3x16x56x32xf32, #tpu.memory_space<vmem>> -> memref<1x16x50x32xf32, #tpu.memory_space<vmem>>
    %dma_wait3A_562 = tpu.memref_squeeze %dma_wait3A_561 : memref<1x16x50x32xf32, #tpu.memory_space<vmem>> -> memref<16x50x32xf32, #tpu.memory_space<vmem>>
    tpu.wait_dma2 semaphore(%dma_wait3A_554 : memref<!tpu.dma_semaphore, #tpu.memory_space<semaphore_mem>>) src(%dma_wait3A_562 : memref<16x50x32xf32, #tpu.memory_space<vmem>>) dst(%dma_wait3A_557 : memref<16x50x32xf32, #tpu.memory_space<hbm>>)
    %add3A_563 = arith.constant 496 : i32
    %add3A_564 = arith.addi %mul3A_2, %add3A_563 : i32
    %dma_wait3A_565 = arith.constant 1 : i32
    %dma_wait3A_566 = arith.constant 1 : i32
    %dma_wait3A_567 = arith.constant 0 : i32
    %dma_wait3A_568 = arith.constant 0 : i32
    %dma_wait3A_569 = arith.constant 0 : i32
    %dma_wait3A_570 = tpu.memref_slice %arg6[%dma_wait3A_565, %dma_wait3A_567, %dma_wait3A_568, %dma_wait3A_569] : memref<3x16x56x32xf32, #tpu.memory_space<vmem>> -> memref<1x16x50x32xf32, #tpu.memory_space<vmem>>
    %dma_wait3A_571 = tpu.memref_squeeze %dma_wait3A_570 : memref<1x16x50x32xf32, #tpu.memory_space<vmem>> -> memref<16x50x32xf32, #tpu.memory_space<vmem>>
    %dma_wait3A_572 = arith.constant 0 : i32
    %dma_wait3A_573 = arith.constant 0 : i32
    %dma_wait3A_574 = tpu.memref_slice %arg4[%add3A_564, %dma_wait3A_572, %dma_wait3A_573] : memref<16384x50x32xf32, #tpu.memory_space<hbm>> -> memref<16x50x32xf32, #tpu.memory_space<hbm>>
    %dma_wait3A_575 = tpu.memref_slice %arg8[%dma_wait3A_566] : memref<3x!tpu.dma_semaphore, #tpu.memory_space<semaphore_mem>> -> memref<1x!tpu.dma_semaphore, #tpu.memory_space<semaphore_mem>>
    %dma_wait3A_576 = tpu.memref_squeeze %dma_wait3A_575 : memref<1x!tpu.dma_semaphore, #tpu.memory_space<semaphore_mem>> -> memref<!tpu.dma_semaphore, #tpu.memory_space<semaphore_mem>>
    %dma_wait3A_577 = arith.constant 0 : i32
    %dma_wait3A_578 = arith.constant 0 : i32
    %dma_wait3A_579 = tpu.memref_slice %arg4[%add3A_564, %dma_wait3A_577, %dma_wait3A_578] : memref<16384x50x32xf32, #tpu.memory_space<hbm>> -> memref<16x50x32xf32, #tpu.memory_space<hbm>>
    %dma_wait3A_580 = arith.constant 0 : i32
    %dma_wait3A_581 = arith.constant 0 : i32
    %dma_wait3A_582 = arith.constant 0 : i32
    %dma_wait3A_583 = tpu.memref_slice %arg6[%dma_wait3A_565, %dma_wait3A_580, %dma_wait3A_581, %dma_wait3A_582] : memref<3x16x56x32xf32, #tpu.memory_space<vmem>> -> memref<1x16x50x32xf32, #tpu.memory_space<vmem>>
    %dma_wait3A_584 = tpu.memref_squeeze %dma_wait3A_583 : memref<1x16x50x32xf32, #tpu.memory_space<vmem>> -> memref<16x50x32xf32, #tpu.memory_space<vmem>>
    tpu.wait_dma2 semaphore(%dma_wait3A_576 : memref<!tpu.dma_semaphore, #tpu.memory_space<semaphore_mem>>) src(%dma_wait3A_584 : memref<16x50x32xf32, #tpu.memory_space<vmem>>) dst(%dma_wait3A_579 : memref<16x50x32xf32, #tpu.memory_space<hbm>>)
    return
  }
}

</mosaic_0001>

<sc_bundles>
// kernel: _emb.3.cloned.1.call-start
scs
__scs_entry_jumppad:
0x0: {  	(pc) =	sbr.rel $0x88, $3  }
0x1: {  	(tag) =	ssettag $0x0;
	lr =	simm.s32 $0x1  }
0x2: {  	[smem:$0x3F9F] =	sst lr;
	_ =	strace $0xD0000000  }
0x3: {  	_ = 	snop  }
0x4: {  	_ = 	snop  }
0x5: {  	_ = 	snop  }
0x6: {  	_ = 	snop  }
0x7: {  	_ = 	snop  }
__scs_overlays_trampoline_lowered:
0x8: {  	[smem:$0x3FAE] =	sst s0  }
0x9: {  	[smem:$0x3FAF] =	sst s1  }
0xa: {  	[smem:$0x3FB0] =	sst s2  }
0xb: {  	[smem:$0x3FB1] =	sst s3  }
0xc: {  	[smem:$0x3FB2] =	sst s4  }
0xd: {  	[smem:$0x3FB3] =	sst s5  }
0xe: {  	[smem:$0x3FB4] =	sst s6  }
0xf: {  	[smem:$0x3FB5] =	sst s7  }
0x10: {  	[smem:$0x3FB6] =	sst s8  }
0x11: {  	[smem:$0x3FB7] =	sst s9;
	s0 =	simm.s32 @!p0 $0x0  }
0x12: {  	s1 =	sld [smem:$0x3F9D];
	s0 =	simm.s32 @p0 $0x1  }
0x13: {  	[smem:$0x3FB8] =	sst s0;
	s0 =	simm.s32 @!p1 $0x0  }
0x14: {  	s2 =	sld [smem:$0x3F9C];
	s0 =	simm.s32 @p1 $0x1  }
0x15: {  	[smem:$0x3FB9] =	sst s0;
	s0 =	simm.s32 @!p2 $0x0  }
0x16: {  	s3 =	sld [smem:$0x3FDB];
	s0 =	simm.s32 @p2 $0x1  }
0x17: {  	s4 =	simm.s32 $0x1BF5;
	[smem:$0x3FBB] =	sst s0  }
0x18: {  	s0 =	sld [smem:$0x3F9E];
	_ =	swait.ge [sflag:s4], $0x0  }
0x19: {  	s7 =	sld [smem:$0x3F9F]  }
0x1a: {  	s8 =	sadd.s32 $0xFFFFE003, lr  }
0x1b: {  	s9 =	sadd.s32 $0xFFFFFEF7, lr;
	s5 =	simm.s32 $0xFFFFFFFF;
	p2 =	slt.u32 s8, $0xFFFFF086  }
0x1c: {  	p1 =	slt.u32 s9, $0xF7A;
	s5 =	simm.s32 @!p2 $0x0  }
0x1d: {  	s5 =	simm.s32 @p1 $0x1;
	p0 =	seq.s32 s7, s2  }
0x1e: {  	s7 =	smul.u32 @!p0 $0xF7A, s2;
	p2 =	seq.s32 @!p0 s5, $0x0  }
0x1f: {  	s9 =	smul.u32 $0xF7A, s1;
	s8 =	simm.s32 @!p0 $0x1BF5;
	p2 =	por !p2, p0  }
0x20: {  	[sflag:s8] =	ssyncset.s32 @!p0 $0xFFFFF086;
	s6 =	sadd.s32 @!p0 s3, s7;
	s7 =	simm.s32 @!p0 $0x108  }
0x21: {  	s3 =	sadd.s32 s3, s9;
	s6 =	sadd.s32 @!p0 $0x88, s6;
	s7 =	simm.s32 @p2 $0x1082  }
0x22: {  	[simem:s7], [sflag:s8] =	dma.local @!p0 [hbm:s6], $0xF7A  }
0x23: {  	s9 =	sor.u32 $0xD0000000, s2;
	s6 =	simm.s32 $0x108;
	_ =	swait.ge @!p0 [sflag:s8], $0x0  }
0x24: {  	s3 =	sadd.s32 $0x88, s3;
	s6 =	simm.s32 @!p1 $0x1082;
	[sflag:s4] =	ssyncset.s32 $0xFFFFF086  }
0x25: {  	[simem:s6], [sflag:s4] =	dma.local [hbm:s3], $0xF7A  }
0x26: {  	[smem:$0x3F9F] =	sst s1;
	(tag) =	ssettag s2;
	_ =	strace s9  }
0x27: {  	s1 =	sld [smem:$0x3FAF]  }
0x28: {  	s2 =	sld [smem:$0x3FB0]  }
0x29: {  	s4 =	sld [smem:$0x3FB2]  }
0x2a: {  	p0 =	seq.s32 s5, $0x0;
	s5 =	sld [smem:$0x3FB3]  }
0x2b: {  	s6 =	sld [smem:$0x3FB4]  }
0x2c: {  	s7 =	sld [smem:$0x3FB5]  }
0x2d: {  	s3 =	simm.s32 $0x108;
	s8 =	sld [smem:$0x3FB6]  }
0x2e: {  	s3 =	simm.s32 @!p0 $0x1082;
	s9 =	sld [smem:$0x3FB7]  }
0x2f: {  	lr =	sadd.s32 s0, s3;
	s0 =	sld [smem:$0x3FAE]  }
0x30: {  	s3 =	sld [smem:$0x3FB1]  }
0x31: {  	[smem:$0x3FBA] =	sst s10  }
0x32: {  	s10 =	sld [smem:$0x3FB8];
	_ =	sdelay $0x3  }
0x33: {  	p0 =	seq.s32 s10, $0x1;
	s10 =	sld [smem:$0x3FBA];
	_ =	sdelay $0x3  }
0x34: {  	[smem:$0x3FBA] =	sst s10  }
0x35: {  	s10 =	sld [smem:$0x3FB9];
	_ =	sdelay $0x3  }
0x36: {  	p1 =	seq.s32 s10, $0x1;
	s10 =	sld [smem:$0x3FBA];
	_ =	sdelay $0x3  }
0x37: {  	[smem:$0x3FBA] =	sst s10  }
0x38: {  	s10 =	sld [smem:$0x3FBB]  }
0x39: {  	_ = 	snop;
	(pc) =	sbr.ind lr, $3  }
0x3a: {  	_ = 	snop  }
0x3b: {  	_ = 	snop  }
0x3c: {  	p2 =	seq.s32 s10, $0x1;
	s10 =	sld [smem:$0x3FBA]  }
0x3d: {  	_ =	shalt  }
0x3e: {  	_ =	shalt  }
0x3f: {  	_ =	shalt  }
0x40: {  	_ =	shalt  }
0x41: {  	_ =	shalt  }
0x42: {  	_ =	shalt  }
0x43: {  	_ =	shalt  }
0x44: {  	_ =	shalt  }
0x45: {  	_ =	shalt  }
0x46: {  	_ =	shalt  }
0x47: {  	_ =	shalt  }
0x48: {  	_ =	shalt  }
0x49: {  	_ =	shalt  }
0x4a: {  	_ =	shalt  }
0x4b: {  	_ =	shalt  }
0x4c: {  	_ =	shalt  }
0x4d: {  	_ =	shalt  }
0x4e: {  	_ =	shalt  }
0x4f: {  	_ =	shalt  }
0x50: {  	_ =	shalt  }
0x51: {  	_ =	shalt  }
0x52: {  	_ =	shalt  }
0x53: {  	_ =	shalt  }
0x54: {  	_ =	shalt  }
0x55: {  	_ =	shalt  }
0x56: {  	_ =	shalt  }
0x57: {  	_ =	shalt  }
0x58: {  	_ =	shalt  }
0x59: {  	_ =	shalt  }
0x5a: {  	_ =	shalt  }
0x5b: {  	_ =	shalt  }
0x5c: {  	_ =	shalt  }
0x5d: {  	_ =	shalt  }
0x5e: {  	_ =	shalt  }
0x5f: {  	_ =	shalt  }
0x60: {  	_ =	shalt  }
0x61: {  	_ =	shalt  }
0x62: {  	_ =	shalt  }
0x63: {  	_ =	shalt  }
0x64: {  	_ =	shalt  }
0x65: {  	_ =	shalt  }
0x66: {  	_ =	shalt  }
0x67: {  	_ =	shalt  }
0x68: {  	_ =	shalt  }
0x69: {  	_ =	shalt  }
0x6a: {  	_ =	shalt  }
0x6b: {  	_ =	shalt  }
0x6c: {  	_ =	shalt  }
0x6d: {  	_ =	shalt  }
0x6e: {  	_ =	shalt  }
0x6f: {  	_ =	shalt  }
0x70: {  	_ =	shalt  }
0x71: {  	_ =	shalt  }
0x72: {  	_ =	shalt  }
0x73: {  	_ =	shalt  }
0x74: {  	_ =	shalt  }
0x75: {  	_ =	shalt  }
0x76: {  	_ =	shalt  }
0x77: {  	_ =	shalt  }
0x78: {  	_ =	shalt  }
0x79: {  	_ =	shalt  }
0x7a: {  	_ =	shalt  }
0x7b: {  	_ =	shalt  }
0x7c: {  	_ =	shalt  }
0x7d: {  	_ =	shalt  }
0x7e: {  	_ =	shalt  }
0x7f: {  	_ =	shalt  }
0x80: {  	_ =	shalt  }
0x81: {  	_ =	shalt  }
0x82: {  	_ =	shalt  }
0x83: {  	_ =	shalt  }
0x84: {  	_ =	shalt  }
0x85: {  	_ =	shalt  }
0x86: {  	_ =	shalt  }
0x87: {  	_ =	shalt  }
.Lfunc_end0:
.L_simem_size_0:
called_computation.1_lowered:
.L_overlay_start_0:
0x88: {  	s2 =	sld [smem:$0x3FD9]  }
0x89: {  	s3 =	sld [smem:$0x3FFE];
	_ =	sdelay $0x1  }
0x8a: {  	s1 =	srdreg.scid  }
0x8b: {  	s0 =	sand.u32 $0x1, s1  }
0x8c: {  	s17 =	sshll.u32 s0, $0xA;
	s2 =	sadd.s32 s3, s2  }
0x8d: {  	s2 =	sadd.s32 s2, s17  }
0x8e: {  	[smem:$0x3FC6] =	sst s2  }
0x8f: {  	_ = 	snop  }
0x90: {  	s2 =	sld [smem:$0x3FD0];
	(tm) =	ssettm $0x1  }
0x91: {  	s18 =	sld [smem:$0x3FFB];
	_ =	sdelay $0x3  }
0x92: {  	_ =	strace s18  }
0x93: {  	s3 =	sld [smem:$0x3FFC];
	_ =	sdelay $0x3  }
0x94: {  	_ =	strace s3  }
0x95: {  	s3 =	sld [smem:$0x3FFD];
	_ =	sdelay $0x3  }
0x96: {  	_ =	strace s3  }
0x97: {  	_ =	strace $0x8FFFFFFF  }
0x98: {  	s19 =	sld [smem:$0x3FDB];
	_ =	sdelay $0x1  }
0x99: {  	s4 =	simm.s32 $_scs_section_size  }
0x9a: {  	s5 =	simm.s32 $_size__tile_overlayer_lowered;
	s6 =	simm.s32 $_tile_overlayer_lowered  }
0x9b: {  	s22 =	simm.s32 $0x1BFF;
	s21 =	sshll.u32 s6, $0x1;
	s3 =	sadd.s32 s4, s19  }
0x9c: {  	s7 =	simm.s32 $0x0;
	s20 =	sshll.u32 s5, $0x1;
	s5 =	sadd.s32 s21, s3  }
0x9d: {  	[timem:s7], [sflag:s22] =	dma.local [hbm:s5], s20  }
0x9e: {  	_ =	swait.ge [sflag:s22], s20  }
0x9f: {  	s4 =	ssub.s32 $0x0, s20;
	[sflag:s22] =	ssyncset.done $0x0  }
0xa0: {  	[sflag:s22] =	ssyncadd.s32 s4;
	_ =	sdelay $0x1  }
0xa1: {  	s23 =	simm.s32 $0x1B8B  }
0xa2: {  	_ =	swait.ge [sflag:s23], $0x1  }
0xa3: {  	[sflag:s23] =	ssyncset.done $0x0  }
0xa4: {  	s25 =	simm.s32 $0x1B8E;
	s24 =	sld [smem:$0x3FFE];
	[sflag:s23] =	ssyncadd.s32 $0xFFFFFFFF  }
0xa5: {  	s26 =	simm.s32 $execute0_lowered;
	[smem:$0x3FD2] =	sst s25  }
0xa6: {  	s5 =	sshll.u32 s26, $0x1;
	_ =	strace $0x80000046;
	[dreg:$0x1] =	wrdreg $0xFFFFFFFF  }
0xa7: {  	s28 =	simm.s32 $_size_execute0_lowered;
	s3 =	sadd.s32 s3, s5;
	[dreg:$0x0] =	wrdreg $0x0  }
0xa8: {  	s5 =	sshll.u32 s28, $0x1;
	[dreg:$0x2] =	wrdreg s3  }
0xa9: {  	[dreg:$0x3] =	wrdreg s5  }
0xaa: {  	[dreg:$0x4] =	wrdreg $0xC0  }
0xab: {  	_ =	task [dreg:s7], $0x5FFFF  }
0xac: {  	[dreg:$0x1] =	wrdreg $0xFFFFFFFF  }
0xad: {  	[dreg:$0x0] =	wrdreg $0x60  }
0xae: {  	[dreg:$0x2] =	wrdreg s24  }
0xaf: {  	[dreg:$0x3] =	wrdreg s2  }
0xb0: {  	[dreg:$0x4] =	wrdreg $0x9  }
0xb1: {  	_ =	task.clear_ibuf [dreg:s7], $0x5FFFF;
	_ =	strace $0x90000046  }
0xb2: {  	s29 =	simm.s32 $0x9;
	_ =	strace $0x80000048  }
0xb3: {  	_ =	swait.ge [sflag:s29], $0x1  }
0xb4: {  	[sflag:s29] =	ssyncadd.s32 $0xFFFFFFFF  }
0xb5: {  	_ =	strace $0x90000048  }
0xb6: {  	_ =	sfence  }
0xb7: {  	s30 =	sld [smem:$0x0];
	_ =	sdelay $0x2  }
0xb8: {  	s31 =	sshll.u32 s1, $0xD;
	s1 =	sshrl.u32 s1, $0x2  }
0xb9: {  	s3 =	sand.u32 $0x4000, s31;
	s1 =	sadd.s32 s1, s30  }
0xba: {  	s0 =	sor.u32 s3, s0;
	s1 =	sshll.u32 s1, $0x11  }
0xbb: {  	s0 =	sor.u32 s1, s0  }
0xbc: {  	s0 =	sadd.s32 $0x8F2B, s0  }
0xbd: {  	[sflag:s0] =	ssyncadd.remote.s32 $0x1  }
0xbe: {  	_ =	sfence.sel $0xFFFF  }
0xbf: {  	[dreg:$0x0] =	wrdreg $0xFFFFFFFF;
	(pc) =	sbr.abs _section_cstart, $3  }
0xc0: {  	[dreg:$0x1] =	wrdreg $0xFFFFFFFF  }
0xc1: {  	_ =	task.clear_ibuf [dreg:s7], $0x2FFFF;
	_ =	strace $0x9FFFFFFF  }
0xc2: {  	(tm) =	ssettm $0x7FFFFFFF  }
0xc3: {  	_ =	shalt  }
tec
execute0_lowered:
.L_overlay_start_1:
0x0: {  	(tag) =	ssettag $0x1  }
0x1: {  	s0 =	srdreg.scid  }
0x2: {  	s1 =	rddreg [dreg:$0x0];
	s7 =	stileid.u32  }
0x3: {  	s2 =	rddreg [dreg:$0x1];
	s5 =	simm.s32 $0x0;
	s0 =	sand.u32 $0x1, s0  }
0x4: {  	s3 =	sshll.u32 s7, $0xA;
	s7 =	smul.u32 $0x32000, s7;
	s4 =	sshll.u32 s0, $0x9  }
0x5: {  	s28 =	ssub.s32 $0x2, s0;
	s0 =	smul.u32 $0x19000, s0;
	s3 =	sor.u32 s4, s3  }
0x6: {  	[smem:$0x7FF] =	sst s5;
	s31 =	sadd.s32 s7, s2;
	s3 =	smul.u32 $0x7, s3  }
0x7: {  	_ =	strace $0x80000047;
	s6 =	sshrl.u32 s28, $0x1;
	s0 =	sadd.s32 s0, s31  }
0x8: {  	[dreg:$0x12] =	wrdreg s0;
	s29 =	sadd.s32 s3, s1;
	s1 =	sadd.s32 $0xF42E00, s1  }
0x9: {  	s30 =	ssub.s32 s28, s6;
	[dreg:$0x3] =	wrdreg s1;
	s3 =	sadd.s32 $0xA00, s29  }
0xa: {  	s1 =	smax.u32 s30, $0x1;
	[dreg:$0x10] =	wrdreg s3  }
0xb: {  	s2 =	simm.s32 $0x0;
	[dreg:$0x11] =	wrdreg s1  }
.LBB2_1:
0xc: {  	[dreg:$0x13] =	wrdreg s2  }
0xd: {  	s3 =	simm.s32 $0x0;
	s0 =	rddreg [dreg:$0x10];
	s2 =	simm.s32 $0x7  }
0xe: {  	[tilespmem:s3], [sflag:$0x7] =	stream.linear.gather [hbm4b:s0+s3], $0x7000, $0x38;
	[tilespmem:$0x1C000] =	vst v63  }
0xf: {  	_ =	swait.ge [sflag:s2], $0x7000  }
0x10: {  	s1 =	simm.s32 $0x38;
	[sflag:s2] =	ssyncset.done $0x0  }
0x11: {  	s4 =	simm.s32 $0x7000;
	s7 =	rddreg [dreg:$0x3];
	[sflag:s2] =	ssyncadd.s32 $0xFFFF9000  }
0x12: {  	[tilespmem:s4], [sflag:$0x1] =	stream.indirect.gather [hbm4b:s7+s1], $0x20, s3, s1, $0xb8;
	[tilespmem:$0x1C000] =	vst v63  }
0x13: {  	s5 =	simm.s32 $0x7700  }
0x14: {  	[tilespmem:s5], [sflag:$0x1] =	stream.indirect.gather [hbm4b:s7+s1], $0x20, s1, s1, $0xb8;
	[tilespmem:$0x1C000] =	vst v63  }
0x15: {  	s6 =	simm.s32 $0x70;
	s8 =	simm.s32 $0x7E00  }
0x16: {  	[tilespmem:s8], [sflag:$0x1] =	stream.indirect.gather [hbm4b:s7+s1], $0x20, s6, s1, $0xb8;
	[tilespmem:$0x1C000] =	vst v63  }
0x17: {  	s9 =	simm.s32 $0xA8;
	s10 =	simm.s32 $0x8500  }
0x18: {  	[tilespmem:s10], [sflag:$0x1] =	stream.indirect.gather [hbm4b:s7+s1], $0x20, s9, s1, $0xb8;
	[tilespmem:$0x1C000] =	vst v63  }
0x19: {  	s11 =	simm.s32 $0xE0;
	s12 =	simm.s32 $0x8C00  }
0x1a: {  	[tilespmem:s12], [sflag:$0x1] =	stream.indirect.gather [hbm4b:s7+s1], $0x20, s11, s1, $0xb8;
	[tilespmem:$0x1C000] =	vst v63  }
0x1b: {  	s13 =	simm.s32 $0x118;
	s14 =	simm.s32 $0x9300  }
0x1c: {  	[tilespmem:s14], [sflag:$0x1] =	stream.indirect.gather [hbm4b:s7+s1], $0x20, s13, s1, $0xb8;
	[tilespmem:$0x1C000] =	vst v63  }
0x1d: {  	s15 =	simm.s32 $0x150;
	s16 =	simm.s32 $0x9A00  }
0x1e: {  	[tilespmem:s16], [sflag:$0x1] =	stream.indirect.gather [hbm4b:s7+s1], $0x20, s15, s1, $0xb8;
	[tilespmem:$0x1C000] =	vst v63  }
0x1f: {  	s17 =	simm.s32 $0x188;
	s18 =	simm.s32 $0xA100  }
0x20: {  	[tilespmem:s18], [sflag:$0x1] =	stream.indirect.gather [hbm4b:s7+s1], $0x20, s17, s1, $0xb8;
	[tilespmem:$0x1C000] =	vst v63  }
0x21: {  	s19 =	simm.s32 $0x1C0;
	s20 =	simm.s32 $0xA800  }
0x22: {  	[tilespmem:s20], [sflag:$0x1] =	stream.indirect.gather [hbm4b:s7+s1], $0x20, s19, s1, $0xb8;
	[tilespmem:$0x1C000] =	vst v63  }
0x23: {  	s21 =	simm.s32 $0x1F8;
	s22 =	simm.s32 $0xAF00  }
0x24: {  	[tilespmem:s22], [sflag:$0x1] =	stream.indirect.gather [hbm4b:s7+s1], $0x20, s21, s1, $0xb8;
	[tilespmem:$0x1C000] =	vst v63  }
0x25: {  	s23 =	simm.s32 $0x230;
	s24 =	simm.s32 $0xB600  }
0x26: {  	[tilespmem:s24], [sflag:$0x1] =	stream.indirect.gather [hbm4b:s7+s1], $0x20, s23, s1, $0xb8;
	[tilespmem:$0x1C000] =	vst v63  }
0x27: {  	s25 =	simm.s32 $0x268;
	s26 =	simm.s32 $0xBD00  }
0x28: {  	[tilespmem:s26], [sflag:$0x1] =	stream.indirect.gather [hbm4b:s7+s1], $0x20, s25, s1, $0xb8;
	[tilespmem:$0x1C000] =	vst v63  }
0x29: {  	s4 =	simm.s32 $0x2A0;
	s5 =	simm.s32 $0xC400  }
0x2a: {  	[tilespmem:s5], [sflag:$0x1] =	stream.indirect.gather [hbm4b:s7+s1], $0x20, s4, s1, $0xb8;
	[tilespmem:$0x1C000] =	vst v63  }
0x2b: {  	s6 =	simm.s32 $0x2D8;
	s8 =	simm.s32 $0xCB00  }
0x2c: {  	[tilespmem:s8], [sflag:$0x1] =	stream.indirect.gather [hbm4b:s7+s1], $0x20, s6, s1, $0xb8;
	[tilespmem:$0x1C000] =	vst v63  }
0x2d: {  	s9 =	simm.s32 $0x310;
	s10 =	simm.s32 $0xD200  }
0x2e: {  	[tilespmem:s10], [sflag:$0x1] =	stream.indirect.gather [hbm4b:s7+s1], $0x20, s9, s1, $0xb8;
	[tilespmem:$0x1C000] =	vst v63  }
0x2f: {  	s11 =	simm.s32 $0x348;
	s12 =	simm.s32 $0xD900  }
0x30: {  	[tilespmem:s12], [sflag:$0x1] =	stream.indirect.gather [hbm4b:s7+s1], $0x20, s11, s1, $0xb8;
	[tilespmem:$0x1C000] =	vst v63  }
0x31: {  	s13 =	simm.s32 $0x380;
	s14 =	simm.s32 $0xE000  }
0x32: {  	[tilespmem:s14], [sflag:$0x2] =	stream.indirect.gather [hbm4b:s7+s1], $0x20, s13, s1, $0xb8;
	[tilespmem:$0x1C000] =	vst v63  }
0x33: {  	s15 =	simm.s32 $0x3B8;
	s16 =	simm.s32 $0xE700  }
0x34: {  	[tilespmem:s16], [sflag:$0x2] =	stream.indirect.gather [hbm4b:s7+s1], $0x20, s15, s1, $0xb8;
	[tilespmem:$0x1C000] =	vst v63  }
0x35: {  	s17 =	simm.s32 $0x3F0;
	s18 =	simm.s32 $0xEE00  }
0x36: {  	[tilespmem:s18], [sflag:$0x2] =	stream.indirect.gather [hbm4b:s7+s1], $0x20, s17, s1, $0xb8;
	[tilespmem:$0x1C000] =	vst v63  }
0x37: {  	s19 =	simm.s32 $0x428;
	s20 =	simm.s32 $0xF500  }
0x38: {  	[tilespmem:s20], [sflag:$0x2] =	stream.indirect.gather [hbm4b:s7+s1], $0x20, s19, s1, $0xb8;
	[tilespmem:$0x1C000] =	vst v63  }
0x39: {  	s21 =	simm.s32 $0x460;
	s22 =	simm.s32 $0xFC00  }
0x3a: {  	[tilespmem:s22], [sflag:$0x2] =	stream.indirect.gather [hbm4b:s7+s1], $0x20, s21, s1, $0xb8;
	[tilespmem:$0x1C000] =	vst v63  }
0x3b: {  	p0 =	por $0x0, $0x0;
	s23 =	simm.s32 $0x498;
	s24 =	simm.s32 $0x10300  }
0x3c: {  	[tilespmem:s24], [sflag:$0x2] =	stream.indirect.gather [hbm4b:s7+s1], $0x20, s23, s1, $0xb8;
	[tilespmem:$0x1C000] =	vst v63  }
0x3d: {  	s0 =	simm.s32 $0x2;
	s25 =	simm.s32 $0x4D0;
	s26 =	simm.s32 $0x10A00  }
0x3e: {  	[tilespmem:s26], [sflag:$0x2] =	stream.indirect.gather [hbm4b:s7+s1], $0x20, s25, s1, $0xb8;
	[tilespmem:$0x1C000] =	vst v63  }
0x3f: {  	p1 =	por @!p0 $0x1, $0x1;
	s2 =	simm.s32 $0x508;
	s4 =	simm.s32 $0x11100  }
0x40: {  	[tilespmem:s4], [sflag:$0x2] =	stream.indirect.gather [hbm4b:s7+s1], $0x20, s2, s1, $0xb8;
	[tilespmem:$0x1C000] =	vst v63  }
0x41: {  	s0 =	smul.u32 @!p0 $0xAB, s0;
	s5 =	simm.s32 $0x540;
	s6 =	simm.s32 $0x11800  }
0x42: {  	[tilespmem:s6], [sflag:$0x2] =	stream.indirect.gather [hbm4b:s7+s1], $0x20, s5, s1, $0xb8;
	[tilespmem:$0x1C000] =	vst v63  }
0x43: {  	p1 =	por p1, p0;
	s8 =	simm.s32 $0x578;
	s9 =	simm.s32 $0x11F00  }
0x44: {  	[tilespmem:s9], [sflag:$0x2] =	stream.indirect.gather [hbm4b:s7+s1], $0x20, s8, s1, $0xb8;
	[tilespmem:$0x1C000] =	vst v63  }
0x45: {  	s0 =	sshrl.u32 @!p0 s0, $0x9;
	s10 =	simm.s32 $0x5B0;
	s11 =	simm.s32 $0x12600  }
0x46: {  	[tilespmem:s11], [sflag:$0x2] =	stream.indirect.gather [hbm4b:s7+s1], $0x20, s10, s1, $0xb8;
	[tilespmem:$0x1C000] =	vst v63  }
0x47: {  	s0 =	sand.u32 @!p0 $0x7F, s0;
	s12 =	simm.s32 $0x5E8;
	s13 =	simm.s32 $0x12D00  }
0x48: {  	[tilespmem:s13], [sflag:$0x2] =	stream.indirect.gather [hbm4b:s7+s1], $0x20, s12, s1, $0xb8;
	[tilespmem:$0x1C000] =	vst v63  }
0x49: {  	s0 =	smul.u32 @!p0 $0x3, s0;
	s14 =	simm.s32 $0x620;
	s15 =	simm.s32 $0x13400  }
0x4a: {  	[tilespmem:s15], [sflag:$0x2] =	stream.indirect.gather [hbm4b:s7+s1], $0x20, s14, s1, $0xb8;
	[tilespmem:$0x1C000] =	vst v63  }
0x4b: {  	s0 =	ssub.s32 @!p0 $0x2, s0;
	s16 =	simm.s32 $0x658;
	s17 =	simm.s32 $0x13B00  }
0x4c: {  	[tilespmem:s17], [sflag:$0x2] =	stream.indirect.gather [hbm4b:s7+s1], $0x20, s16, s1, $0xb8;
	[tilespmem:$0x1C000] =	vst v63  }
0x4d: {  	s0 =	sand.u32 @!p0 $0xFF, s0;
	s18 =	simm.s32 $0x690;
	s4 =	simm.s32 $0x14200  }
0x4e: {  	[tilespmem:s4], [sflag:$0x2] =	stream.indirect.gather [hbm4b:s7+s1], $0x20, s18, s1, $0xb8;
	[tilespmem:$0x1C000] =	vst v63  }
0x4f: {  	s19 =	simm.s32 $0x6C8;
	s20 =	simm.s32 $0x14900;
	s2 =	smul.u32 @!p0 $0x1C000, s0  }
0x50: {  	[tilespmem:s20], [sflag:$0x2] =	stream.indirect.gather [hbm4b:s7+s1], $0x20, s19, s1, $0xb8;
	[tilespmem:$0x1C000] =	vst v63  }
0x51: {  	s1 =	sadd.s32 @!p1 $0x4, s0  }
0x52: {  	s2 =	sshrl.u32 @!p0 s2, $0x2;
	_ =	swait.ge @!p1 [sflag:s1], $0x6400  }
0x53: {  	s5 =	simm.s32 @!p0 $0x38;
	s6 =	sadd.s32 @!p0 $0x7000, s2;
	[sflag:s1] =	ssyncset.done @!p1 $0x0  }
0x54: {  	s4 =	simm.s32 @!p0 $0x700;
	s0 =	sadd.s32 @!p0 $0x1, s0;
	[sflag:s1] =	ssyncadd.s32 @!p1 $0xFFFF9C00  }
0x55: {  	[tilespmem:s6], [sflag:s0] =	stream.indirect.gather @!p0 [hbm4b:s7+s5], $0x20, s4, s5, $0xb8;
	[tilespmem:$0x1C000] =	vst v63  }
0x56: {  	s1 =	simm.s32 @!p0 $0x738;
	s4 =	sadd.s32 @!p0 $0x7700, s2  }
0x57: {  	[tilespmem:s4], [sflag:s0] =	stream.indirect.gather @!p0 [hbm4b:s7+s5], $0x20, s1, s5, $0xb8;
	[tilespmem:$0x1C000] =	vst v63  }
0x58: {  	s1 =	simm.s32 @!p0 $0x770;
	s4 =	sadd.s32 @!p0 $0x7E00, s2  }
0x59: {  	[tilespmem:s4], [sflag:s0] =	stream.indirect.gather @!p0 [hbm4b:s7+s5], $0x20, s1, s5, $0xb8;
	[tilespmem:$0x1C000] =	vst v63  }
0x5a: {  	s1 =	simm.s32 @!p0 $0x7A8;
	s4 =	sadd.s32 @!p0 $0x8500, s2  }
0x5b: {  	[tilespmem:s4], [sflag:s0] =	stream.indirect.gather @!p0 [hbm4b:s7+s5], $0x20, s1, s5, $0xb8;
	[tilespmem:$0x1C000] =	vst v63  }
0x5c: {  	s1 =	simm.s32 @!p0 $0x7E0;
	s4 =	sadd.s32 @!p0 $0x8C00, s2  }
0x5d: {  	[tilespmem:s4], [sflag:s0] =	stream.indirect.gather @!p0 [hbm4b:s7+s5], $0x20, s1, s5, $0xb8;
	[tilespmem:$0x1C000] =	vst v63  }
0x5e: {  	s1 =	simm.s32 @!p0 $0x818;
	s4 =	sadd.s32 @!p0 $0x9300, s2  }
0x5f: {  	[tilespmem:s4], [sflag:s0] =	stream.indirect.gather @!p0 [hbm4b:s7+s5], $0x20, s1, s5, $0xb8;
	[tilespmem:$0x1C000] =	vst v63  }
0x60: {  	s1 =	simm.s32 @!p0 $0x850;
	s4 =	sadd.s32 @!p0 $0x9A00, s2  }
0x61: {  	[tilespmem:s4], [sflag:s0] =	stream.indirect.gather @!p0 [hbm4b:s7+s5], $0x20, s1, s5, $0xb8;
	[tilespmem:$0x1C000] =	vst v63  }
0x62: {  	s1 =	simm.s32 @!p0 $0x888;
	s4 =	sadd.s32 @!p0 $0xA100, s2  }
0x63: {  	[tilespmem:s4], [sflag:s0] =	stream.indirect.gather @!p0 [hbm4b:s7+s5], $0x20, s1, s5, $0xb8;
	[tilespmem:$0x1C000] =	vst v63  }
0x64: {  	s21 =	simm.s32 $0x0;
	s6 =	sadd.s32 @!p0 $0xA800, s2;
	s4 =	simm.s32 @!p0 $0x8C0  }
0x65: {  	[tilespmem:s6], [sflag:s0] =	stream.indirect.gather @!p0 [hbm4b:s7+s5], $0x20, s4, s5, $0xb8;
	[tilespmem:$0x1C000] =	vst v63  }
0x66: {  	s1 =	smul.u32 $0xAB, s21;
	s4 =	simm.s32 @!p0 $0x8F8;
	s6 =	sadd.s32 @!p0 $0xAF00, s2  }
0x67: {  	[tilespmem:s6], [sflag:s0] =	stream.indirect.gather @!p0 [hbm4b:s7+s5], $0x20, s4, s5, $0xb8;
	[tilespmem:$0x1C000] =	vst v63  }
0x68: {  	s1 =	sshrl.u32 s1, $0x9;
	s4 =	simm.s32 @!p0 $0x930;
	s6 =	sadd.s32 @!p0 $0xB600, s2  }
0x69: {  	[tilespmem:s6], [sflag:s0] =	stream.indirect.gather @!p0 [hbm4b:s7+s5], $0x20, s4, s5, $0xb8;
	[tilespmem:$0x1C000] =	vst v63  }
0x6a: {  	s1 =	sand.u32 $0x7F, s1;
	s4 =	simm.s32 @!p0 $0x968;
	s6 =	sadd.s32 @!p0 $0xBD00, s2  }
0x6b: {  	[tilespmem:s6], [sflag:s0] =	stream.indirect.gather @!p0 [hbm4b:s7+s5], $0x20, s4, s5, $0xb8;
	[tilespmem:$0x1C000] =	vst v63  }
0x6c: {  	s1 =	smul.u32 $0x3, s1;
	s4 =	simm.s32 @!p0 $0x9A0;
	s6 =	sadd.s32 @!p0 $0xC400, s2  }
0x6d: {  	[tilespmem:s6], [sflag:s0] =	stream.indirect.gather @!p0 [hbm4b:s7+s5], $0x20, s4, s5, $0xb8;
	[tilespmem:$0x1C000] =	vst v63  }
0x6e: {  	s1 =	ssub.s32 $0x0, s1;
	s4 =	simm.s32 @!p0 $0x9D8;
	s6 =	sadd.s32 @!p0 $0xCB00, s2  }
0x6f: {  	[tilespmem:s6], [sflag:s0] =	stream.indirect.gather @!p0 [hbm4b:s7+s5], $0x20, s4, s5, $0xb8;
	[tilespmem:$0x1C000] =	vst v63  }
0x70: {  	s1 =	sand.u32 $0xFF, s1;
	s4 =	simm.s32 @!p0 $0xA10;
	s6 =	sadd.s32 @!p0 $0xD200, s2  }
0x71: {  	[tilespmem:s6], [sflag:s0] =	stream.indirect.gather @!p0 [hbm4b:s7+s5], $0x20, s4, s5, $0xb8;
	[tilespmem:$0x1C000] =	vst v63  }
0x72: {  	s22 =	sadd.s32 $0x1, s1;
	s2 =	sadd.s32 @!p0 $0xD900, s2;
	s6 =	simm.s32 @!p0 $0xA48  }
0x73: {  	[tilespmem:s2], [sflag:s0] =	stream.indirect.gather @!p0 [hbm4b:s7+s5], $0x20, s6, s5, $0xb8;
	[tilespmem:$0x1C000] =	vst v63  }
0x74: {  	_ =	swait.ge [sflag:s22], $0x700  }
0x75: {  	[sflag:s22] =	ssyncset.done $0x0  }
0x76: {  	[sflag:s22] =	ssyncadd.s32 $0xFFFFF900  }
0x77: {  	_ =	swait.ge [sflag:s22], $0x700  }
0x78: {  	[sflag:s22] =	ssyncset.done $0x0  }
0x79: {  	[sflag:s22] =	ssyncadd.s32 $0xFFFFF900  }
0x7a: {  	_ =	swait.ge [sflag:s22], $0x700  }
0x7b: {  	[sflag:s22] =	ssyncset.done $0x0  }
0x7c: {  	[sflag:s22] =	ssyncadd.s32 $0xFFFFF900  }
0x7d: {  	_ =	swait.ge [sflag:s22], $0x700  }
0x7e: {  	[sflag:s22] =	ssyncset.done $0x0  }
0x7f: {  	[sflag:s22] =	ssyncadd.s32 $0xFFFFF900  }
0x80: {  	_ =	swait.ge [sflag:s22], $0x700  }
0x81: {  	[sflag:s22] =	ssyncset.done $0x0  }
0x82: {  	[sflag:s22] =	ssyncadd.s32 $0xFFFFF900  }
0x83: {  	_ =	swait.ge [sflag:s22], $0x700  }
0x84: {  	[sflag:s22] =	ssyncset.done $0x0  }
0x85: {  	[sflag:s22] =	ssyncadd.s32 $0xFFFFF900  }
0x86: {  	_ =	swait.ge [sflag:s22], $0x700  }
0x87: {  	[sflag:s22] =	ssyncset.done $0x0  }
0x88: {  	[sflag:s22] =	ssyncadd.s32 $0xFFFFF900  }
0x89: {  	_ =	swait.ge [sflag:s22], $0x700  }
0x8a: {  	[sflag:s22] =	ssyncset.done $0x0  }
0x8b: {  	[sflag:s22] =	ssyncadd.s32 $0xFFFFF900  }
0x8c: {  	_ =	swait.ge [sflag:s22], $0x700  }
0x8d: {  	[sflag:s22] =	ssyncset.done $0x0  }
0x8e: {  	[sflag:s22] =	ssyncadd.s32 $0xFFFFF900  }
0x8f: {  	_ =	swait.ge [sflag:s22], $0x700  }
0x90: {  	[sflag:s22] =	ssyncset.done $0x0  }
0x91: {  	s13 =	simm.s32 $0x3;
	[sflag:s22] =	ssyncadd.s32 $0xFFFFF900  }
0x92: {  	s17 =	simm.s32 $0x1;
	s9 =	smul.u32 $0x1C000, s1;
	_ =	swait.ge [sflag:s22], $0x700  }
0x93: {  	s12 =	simm.s32 $0x4;
	s15 =	smul.u32 $0xAB, s17;
	[sflag:s22] =	ssyncset.done $0x0  }
0x94: {  	s18 =	simm.s32 $0x1C00;
	s9 =	sshrl.u32 s9, $0x2;
	[sflag:s22] =	ssyncadd.s32 $0xFFFFF900  }
0x95: {  	s20 =	sadd.s32 $0x4, s1;
	s19 =	sadd.s32 $0x8500, s9;
	_ =	swait.ge [sflag:s22], $0x700  }
0x96: {  	s21 =	sadd.s32 $0x7000, s9;
	s31 =	sadd.s32 $0x9A00, s9;
	s14 =	rddreg [dreg:$0x12]  }
0x97: {  	s30 =	sadd.s32 $0x8C00, s9;
	[sflag:s22] =	ssyncset.done $0x0;
	s7 =	sadd.s32 $0x258, s14  }
0x98: {  	s0 =	simm.s32 $0x2A00;
	[sflag:s22] =	ssyncadd.s32 $0xFFFFF900;
	[dreg:$0x9] =	wrdreg s7  }
0x99: {  	p0 =	por $0x0, $0x0;
	s8 =	sadd.s32 $0xC80, s14;
	_ =	swait.ge [sflag:s22], $0x700  }
0x9a: {  	p2 =	por @!p0 $0x0, $0x0;
	s10 =	sadd.s32 $0x258, s8;
	[sflag:s22] =	ssyncset.done $0x0  }
0x9b: {  	s25 =	sadd.s32 $0x320, s14;
	[dreg:$0x6] =	wrdreg s10;
	[sflag:s22] =	ssyncadd.s32 $0xFFFFF900  }
0x9c: {  	s16 =	sadd.s32 $0x898, s14;
	s23 =	sadd.s32 $0x640, s14;
	_ =	swait.ge [sflag:s22], $0x700  }
0x9d: {  	s5 =	sadd.s32 $0x708, s14;
	s26 =	sadd.s32 $0x4B0, s14;
	[sflag:s22] =	ssyncset.done $0x0  }
0x9e: {  	s24 =	sadd.s32 $0x578, s14;
	s2 =	sadd.s32 $0x190, s14;
	[sflag:s22] =	ssyncadd.s32 $0xFFFFF900  }
0x9f: {  	s29 =	sadd.s32 $0x3E8, s14;
	s11 =	sadd.s32 $0xC8, s14;
	_ =	swait.ge [sflag:s22], $0x700  }
0xa0: {  	s6 =	smov.u32 s14;
	[dreg:$0x4] =	wrdreg s8;
	[sflag:s22] =	ssyncset.done $0x0  }
0xa1: {  	s7 =	smul.u32 @!p0 $0xAB, s13;
	[dreg:$0x5] =	wrdreg s12;
	[sflag:s22] =	ssyncadd.s32 $0xFFFFF900  }
0xa2: {  	s28 =	sadd.s32 $0xC80, s8;
	s10 =	sadd.s32 $0xA100, s9;
	_ =	swait.ge [sflag:s22], $0x700  }
0xa3: {  	s4 =	sshrl.u32 @!p0 s7, $0x9;
	s7 =	simm.s32 @!p0 $0xA80;
	[sflag:s22] =	ssyncset.done $0x0  }
0xa4: {  	s1 =	sand.u32 @!p0 $0x7F, s4;
	s4 =	simm.s32 @!p0 $0xAB8;
	[sflag:s22] =	ssyncadd.s32 $0xFFFFF900  }
0xa5: {  	[hbm4b:s14+s3] =	stream.linear.scatter [tilespmem:s21], [sflag:s20], $0x640, $0x38;
	[tilespmem:$0x1C000] =	vst v63  }
0xa6: {  	s1 =	smul.u32 @!p0 $0x3, s1;
	s8 =	sadd.s32 $0x9300, s9;
	s22 =	sadd.s32 $0x7700, s9  }
0xa7: {  	[hbm4b:s11+s3] =	stream.linear.scatter [tilespmem:s22], [sflag:s20], $0x640, $0x38;
	[tilespmem:$0x1C000] =	vst v63  }
0xa8: {  	s12 =	sshrl.u32 s15, $0x9;
	s15 =	simm.s32 @!p0 $0x380;
	s3 =	simm.s32 @!p0 $0xB60  }
0xa9: {  	s21 =	simm.s32 @!p0 $0xB28;
	[dreg:$0xc] =	wrdreg s3;
	s3 =	simm.s32 @!p0 $0xB98  }
0xaa: {  	s11 =	sadd.s32 $0x7E00, s9;
	s22 =	simm.s32 @!p0 $0xAF0;
	[dreg:$0xb] =	wrdreg s3  }
.LBB2_2:
0xab: {  	s3 =	simm.s32 $0x0;
	s14 =	smov.u32 s18  }
0xac: {  	[hbm4b:s2+s3] =	stream.linear.scatter [tilespmem:s11], [sflag:s20], $0x640, $0x38;
	[tilespmem:$0x1C000] =	vst v63  }
0xad: {  	[dreg:$0x8] =	wrdreg s14  }
0xae: {  	s11 =	smov.u32 s0;
	s1 =	ssub.s32 @!p0 s13, s1;
	s13 =	rddreg [dreg:$0x9]  }
0xaf: {  	p2 =	por p2, p0;
	s14 =	sadd.s32 @!p0 $0x9A0, s15;
	[dreg:$0x7] =	wrdreg s11  }
0xb0: {  	s2 =	sadd.s32 @!p0 $0x850, s15;
	s11 =	sadd.s32 @!p0 $0x888, s15;
	[dreg:$0xd] =	wrdreg s14  }
0xb1: {  	[hbm4b:s13+s3] =	stream.linear.scatter [tilespmem:s19], [sflag:s20], $0x640, $0x38;
	[tilespmem:$0x1C000] =	vst v63  }
0xb2: {  	s14 =	sand.u32 $0x7F, s12;
	s12 =	sadd.s32 @!p0 $0xA10, s15;
	[dreg:$0xe] =	wrdreg s11  }
0xb3: {  	[hbm4b:s25+s3] =	stream.linear.scatter [tilespmem:s30], [sflag:s20], $0x640, $0x38;
	[tilespmem:$0x1C000] =	vst v63  }
0xb4: {  	s13 =	sand.u32 @!p0 $0xFF, s1;
	s11 =	sadd.s32 @!p0 $0x8C0, s15;
	s1 =	sadd.s32 @!p0 $0x8F8, s15  }
0xb5: {  	[hbm4b:s29+s3] =	stream.linear.scatter [tilespmem:s8], [sflag:s20], $0x640, $0x38;
	[tilespmem:$0x1C000] =	vst v63  }
0xb6: {  	s18 =	smul.u32 $0x3, s14;
	s19 =	sadd.s32 $0xA800, s9;
	[dreg:$0xf] =	wrdreg s1  }
0xb7: {  	[hbm4b:s26+s3] =	stream.linear.scatter [tilespmem:s31], [sflag:s20], $0x640, $0x38;
	[tilespmem:$0x1C000] =	vst v63  }
0xb8: {  	s1 =	sadd.s32 @!p0 $0x930, s15;
	s25 =	sadd.s32 @!p0 $0x968, s15;
	s14 =	ssub.s32 s17, s18  }
0xb9: {  	[hbm4b:s24+s3] =	stream.linear.scatter [tilespmem:s10], [sflag:s20], $0x640, $0x38;
	[tilespmem:$0x1C000] =	vst v63  }
0xba: {  	s17 =	sadd.s32 $0xAF00, s9;
	s18 =	sadd.s32 $0xB600, s9;
	s29 =	sadd.s32 @!p0 $0x9D8, s15  }
0xbb: {  	[hbm4b:s23+s3] =	stream.linear.scatter [tilespmem:s19], [sflag:s20], $0x640, $0x38;
	[tilespmem:$0x1C000] =	vst v63  }
0xbc: {  	s26 =	sadd.s32 @!p0 $0xA48, s15;
	s15 =	sand.u32 $0xFF, s14;
	s14 =	sadd.s32 @!p2 $0x4, s13  }
0xbd: {  	[hbm4b:s5+s3] =	stream.linear.scatter [tilespmem:s17], [sflag:s20], $0x640, $0x38;
	[tilespmem:$0x1C000] =	vst v63  }
0xbe: {  	s24 =	sadd.s32 $0xBD00, s9;
	s19 =	sadd.s32 $0x7D0, s6;
	s23 =	smul.u32 $0x1C000, s15  }
0xbf: {  	[hbm4b:s19+s3] =	stream.linear.scatter [tilespmem:s18], [sflag:s20], $0x640, $0x38;
	[tilespmem:$0x1C000] =	vst v63  }
0xc0: {  	s10 =	sadd.s32 $0xC400, s9;
	s17 =	sshrl.u32 s23, $0x2;
	s23 =	sadd.s32 $0xCB00, s9  }
0xc1: {  	[hbm4b:s16+s3] =	stream.linear.scatter [tilespmem:s24], [sflag:s20], $0x640, $0x38;
	[tilespmem:$0x1C000] =	vst v63  }
0xc2: {  	s5 =	simm.s32 @!p0 $0x38;
	s18 =	sadd.s32 $0x960, s6;
	s19 =	sadd.s32 $0x8500, s17  }
0xc3: {  	[hbm4b:s18+s3] =	stream.linear.scatter [tilespmem:s10], [sflag:s20], $0x640, $0x38;
	[tilespmem:$0x1C000] =	vst v63  }
0xc4: {  	[dreg:$0xa] =	wrdreg s19;
	s19 =	sadd.s32 $0xAF0, s6;
	s24 =	sadd.s32 $0xA28, s6  }
0xc5: {  	[hbm4b:s24+s3] =	stream.linear.scatter [tilespmem:s23], [sflag:s20], $0x640, $0x38;
	[tilespmem:$0x1C000] =	vst v63  }
0xc6: {  	s18 =	sadd.s32 $0xD200, s9;
	s10 =	smul.u32 @!p0 $0x1C000, s13;
	s23 =	sadd.s32 $0xD900, s9  }
0xc7: {  	[hbm4b:s19+s3] =	stream.linear.scatter [tilespmem:s18], [sflag:s20], $0x640, $0x38;
	[tilespmem:$0x1C000] =	vst v63  }
0xc8: {  	s24 =	sadd.s32 $0xBB8, s6;
	s6 =	sshrl.u32 @!p0 s10, $0x2;
	s10 =	sadd.s32 @!p0 $0x1, s13  }
0xc9: {  	[hbm4b:s24+s3] =	stream.linear.scatter [tilespmem:s23], [sflag:s20], $0x640, $0x38;
	[tilespmem:$0x1C000] =	vst v63  }
0xca: {  	s9 =	sadd.s32 @!p0 $0x7000, s6;
	s13 =	sadd.s32 @!p0 $0x7700, s6;
	_ =	swait.ge @!p2 [sflag:s14], $0x6400  }
0xcb: {  	s16 =	sadd.s32 @!p0 $0x8500, s6;
	s30 =	sadd.s32 @!p0 $0xAF00, s6;
	[sflag:s14] =	ssyncset.done @!p2 $0x0  }
0xcc: {  	s31 =	sadd.s32 @!p0 $0xBD00, s6;
	s18 =	rddreg [dreg:$0x3];
	[sflag:s14] =	ssyncadd.s32 @!p2 $0xFFFF9C00  }
0xcd: {  	[tilespmem:s9], [sflag:s10] =	stream.indirect.gather @!p0 [hbm4b:s18+s5], $0x20, s7, s5, $0xb8;
	[tilespmem:$0x1C000] =	vst v63  }
0xce: {  	s19 =	sadd.s32 @!p0 $0xD900, s6;
	s20 =	sadd.s32 @!p0 $0x9300, s6;
	s23 =	sadd.s32 @!p0 $0x9A00, s6  }
0xcf: {  	[tilespmem:s13], [sflag:s10] =	stream.indirect.gather @!p0 [hbm4b:s18+s5], $0x20, s4, s5, $0xb8;
	[tilespmem:$0x1C000] =	vst v63  }
0xd0: {  	s24 =	sadd.s32 @!p0 $0xA800, s6;
	s14 =	sadd.s32 @!p0 $0x7E00, s6;
	s7 =	sadd.s32 @!p0 $0x8C00, s6  }
0xd1: {  	[tilespmem:s14], [sflag:s10] =	stream.indirect.gather @!p0 [hbm4b:s18+s5], $0x20, s22, s5, $0xb8;
	[tilespmem:$0x1C000] =	vst v63  }
0xd2: {  	s4 =	sadd.s32 @!p0 $0xA100, s6;
	s22 =	sadd.s32 @!p0 $0xB600, s6;
	s14 =	sadd.s32 @!p0 $0xC400, s6  }
0xd3: {  	[tilespmem:s16], [sflag:s10] =	stream.indirect.gather @!p0 [hbm4b:s18+s5], $0x20, s21, s5, $0xb8;
	[tilespmem:$0x1C000] =	vst v63  }
0xd4: {  	s16 =	sadd.s32 @!p0 $0xCB00, s6;
	s21 =	sadd.s32 @!p0 $0xD200, s6;
	s6 =	rddreg [dreg:$0xc]  }
0xd5: {  	[tilespmem:s7], [sflag:s10] =	stream.indirect.gather @!p0 [hbm4b:s18+s5], $0x20, s6, s5, $0xb8;
	[tilespmem:$0x1C000] =	vst v63  }
0xd6: {  	s6 =	rddreg [dreg:$0xb]  }
0xd7: {  	[tilespmem:s20], [sflag:s10] =	stream.indirect.gather @!p0 [hbm4b:s18+s5], $0x20, s6, s5, $0xb8;
	[tilespmem:$0x1C000] =	vst v63  }
0xd8: {  	_ = 	snop  }
0xd9: {  	[tilespmem:s23], [sflag:s10] =	stream.indirect.gather @!p0 [hbm4b:s18+s5], $0x20, s2, s5, $0xb8;
	[tilespmem:$0x1C000] =	vst v63  }
0xda: {  	s2 =	rddreg [dreg:$0xe]  }
0xdb: {  	[tilespmem:s4], [sflag:s10] =	stream.indirect.gather @!p0 [hbm4b:s18+s5], $0x20, s2, s5, $0xb8;
	[tilespmem:$0x1C000] =	vst v63  }
0xdc: {  	s9 =	rddreg [dreg:$0x6]  }
0xdd: {  	[tilespmem:s24], [sflag:s10] =	stream.indirect.gather @!p0 [hbm4b:s18+s5], $0x20, s11, s5, $0xb8;
	[tilespmem:$0x1C000] =	vst v63  }
0xde: {  	s2 =	rddreg [dreg:$0xf]  }
0xdf: {  	[tilespmem:s30], [sflag:s10] =	stream.indirect.gather @!p0 [hbm4b:s18+s5], $0x20, s2, s5, $0xb8;
	[tilespmem:$0x1C000] =	vst v63  }
0xe0: {  	s13 =	smov.u32 s9  }
0xe1: {  	[tilespmem:s22], [sflag:s10] =	stream.indirect.gather @!p0 [hbm4b:s18+s5], $0x20, s1, s5, $0xb8;
	[tilespmem:$0x1C000] =	vst v63  }
0xe2: {  	s8 =	sadd.s32 $0x258, s28;
	[dreg:$0x9] =	wrdreg s13  }
0xe3: {  	[tilespmem:s31], [sflag:s10] =	stream.indirect.gather @!p0 [hbm4b:s18+s5], $0x20, s25, s5, $0xb8;
	[tilespmem:$0x1C000] =	vst v63  }
0xe4: {  	s9 =	smov.u32 s8;
	s1 =	rddreg [dreg:$0xd]  }
0xe5: {  	[tilespmem:s14], [sflag:s10] =	stream.indirect.gather @!p0 [hbm4b:s18+s5], $0x20, s1, s5, $0xb8;
	[tilespmem:$0x1C000] =	vst v63  }
0xe6: {  	[dreg:$0x6] =	wrdreg s9  }
0xe7: {  	[tilespmem:s16], [sflag:s10] =	stream.indirect.gather @!p0 [hbm4b:s18+s5], $0x20, s29, s5, $0xb8;
	[tilespmem:$0x1C000] =	vst v63  }
0xe8: {  	s9 =	smov.u32 s17;
	s13 =	rddreg [dreg:$0x4];
	s17 =	smov.u32 s28  }
0xe9: {  	[tilespmem:s21], [sflag:s10] =	stream.indirect.gather @!p0 [hbm4b:s18+s5], $0x20, s12, s5, $0xb8;
	[tilespmem:$0x1C000] =	vst v63  }
0xea: {  	[dreg:$0x4] =	wrdreg s17;
	s1 =	sadd.s32 $0x1, s15  }
0xeb: {  	[tilespmem:s19], [sflag:s10] =	stream.indirect.gather @!p0 [hbm4b:s18+s5], $0x20, s26, s5, $0xb8;
	[tilespmem:$0x1C000] =	vst v63  }
0xec: {  	s20 =	rddreg [dreg:$0x5];
	_ =	swait.ge [sflag:s1], $0x700  }
0xed: {  	[sflag:s1] =	ssyncset.done $0x0  }
0xee: {  	[sflag:s1] =	ssyncadd.s32 $0xFFFFF900  }
0xef: {  	_ =	swait.ge [sflag:s1], $0x700  }
0xf0: {  	[sflag:s1] =	ssyncset.done $0x0  }
0xf1: {  	[sflag:s1] =	ssyncadd.s32 $0xFFFFF900  }
0xf2: {  	_ =	swait.ge [sflag:s1], $0x700  }
0xf3: {  	[sflag:s1] =	ssyncset.done $0x0  }
0xf4: {  	[sflag:s1] =	ssyncadd.s32 $0xFFFFF900  }
0xf5: {  	_ =	swait.ge [sflag:s1], $0x700  }
0xf6: {  	[sflag:s1] =	ssyncset.done $0x0  }
0xf7: {  	[sflag:s1] =	ssyncadd.s32 $0xFFFFF900  }
0xf8: {  	_ =	swait.ge [sflag:s1], $0x700  }
0xf9: {  	[sflag:s1] =	ssyncset.done $0x0  }
0xfa: {  	[sflag:s1] =	ssyncadd.s32 $0xFFFFF900  }
0xfb: {  	_ =	swait.ge [sflag:s1], $0x700  }
0xfc: {  	[sflag:s1] =	ssyncset.done $0x0  }
0xfd: {  	[sflag:s1] =	ssyncadd.s32 $0xFFFFF900  }
0xfe: {  	_ =	swait.ge [sflag:s1], $0x700  }
0xff: {  	[sflag:s1] =	ssyncset.done $0x0  }
0x100: {  	[sflag:s1] =	ssyncadd.s32 $0xFFFFF900  }
0x101: {  	_ =	swait.ge [sflag:s1], $0x700  }
0x102: {  	[sflag:s1] =	ssyncset.done $0x0  }
0x103: {  	[sflag:s1] =	ssyncadd.s32 $0xFFFFF900  }
0x104: {  	_ =	swait.ge [sflag:s1], $0x700  }
0x105: {  	[sflag:s1] =	ssyncset.done $0x0  }
0x106: {  	[sflag:s1] =	ssyncadd.s32 $0xFFFFF900  }
0x107: {  	_ =	swait.ge [sflag:s1], $0x700  }
0x108: {  	[sflag:s1] =	ssyncset.done $0x0  }
0x109: {  	[sflag:s1] =	ssyncadd.s32 $0xFFFFF900  }
0x10a: {  	_ =	swait.ge [sflag:s1], $0x700  }
0x10b: {  	[sflag:s1] =	ssyncset.done $0x0  }
0x10c: {  	s0 =	sadd.s32 $0xE00, s0;
	[sflag:s1] =	ssyncadd.s32 $0xFFFFF900  }
0x10d: {  	p1 =	sne.s32 s0, $0x1C000;
	s28 =	sadd.s32 $0xC80, s28;
	_ =	swait.ge [sflag:s1], $0x700  }
0x10e: {  	s8 =	sadd.s32 $0x9300, s9;
	s6 =	smov.u32 s13;
	[sflag:s1] =	ssyncset.done $0x0  }
0x10f: {  	s13 =	smov.u32 s20;
	s7 =	sadd.s32 $0x1, s20;
	[sflag:s1] =	ssyncadd.s32 $0xFFFFF900  }
0x110: {  	s20 =	sadd.s32 $0x4, s15;
	s23 =	sadd.s32 $0x640, s6;
	_ =	swait.ge [sflag:s1], $0x700  }
0x111: {  	s17 =	sadd.s32 $0xFFFFFFFE, s13;
	s24 =	sadd.s32 $0x578, s6;
	[sflag:s1] =	ssyncset.done $0x0  }
0x112: {  	s11 =	sadd.s32 $0x7E00, s9;
	s2 =	sadd.s32 $0x190, s6;
	[sflag:s1] =	ssyncadd.s32 $0xFFFFF900  }
0x113: {  	s30 =	sadd.s32 $0x8C00, s9;
	s22 =	sadd.s32 $0x7000, s9;
	_ =	swait.ge [sflag:s1], $0x700  }
0x114: {  	s25 =	sadd.s32 $0x320, s6;
	s31 =	sadd.s32 $0x9A00, s9;
	[sflag:s1] =	ssyncset.done $0x0  }
0x115: {  	s14 =	sadd.s32 $0xC8, s6;
	[dreg:$0x5] =	wrdreg s7;
	[sflag:s1] =	ssyncadd.s32 $0xFFFFF900  }
0x116: {  	s16 =	sadd.s32 $0x898, s6;
	s29 =	sadd.s32 $0x3E8, s6;
	_ =	swait.ge [sflag:s1], $0x700  }
0x117: {  	s21 =	smul.u32 $0xAB, s17;
	s5 =	sadd.s32 $0x708, s6;
	[sflag:s1] =	ssyncset.done $0x0  }
0x118: {  	s26 =	sadd.s32 $0x4B0, s6;
	s10 =	sadd.s32 $0xA100, s9;
	[sflag:s1] =	ssyncadd.s32 $0xFFFFF900  }
0x119: {  	s18 =	sadd.s32 $0x7700, s9;
	p0 =	sgt.u32 s17, $0x1D;
	_ =	swait.ge [sflag:s1], $0x700  }
0x11a: {  	s12 =	sshrl.u32 s21, $0x9;
	s7 =	smul.u32 @!p0 $0xAB, s13;
	s15 =	rddreg [dreg:$0x8]  }
0x11b: {  	[sflag:s1] =	ssyncset.done $0x0;
	s19 =	rddreg [dreg:$0xa];
	p2 =	seq.s32 @!p0 s15, $0x0  }
0x11c: {  	s15 =	sshra.s32 @!p0 s15, $0x2;
	[sflag:s1] =	ssyncadd.s32 $0xFFFFF900;
	s1 =	sshrl.u32 @!p0 s7, $0x9  }
0x11d: {  	[hbm4b:s6+s3] =	stream.linear.scatter [tilespmem:s22], [sflag:s20], $0x640, $0x38;
	[tilespmem:$0x1C000] =	vst v63  }
.Ltmp0:
0x11e: {  	s7 =	sadd.s32 @!p0 $0x700, s15;
	s4 =	sadd.s32 @!p0 $0x738, s15;
	(pc) =	sbr.rel @p1 .LBB2_2-.Ltmp0, $4  }
0x11f: {  	[hbm4b:s14+s3] =	stream.linear.scatter [tilespmem:s18], [sflag:s20], $0x640, $0x38;
	[tilespmem:$0x1C000] =	vst v63  }
0x120: {  	s1 =	sand.u32 @!p0 $0x7F, s1;
	s18 =	rddreg [dreg:$0x7];
	s3 =	sadd.s32 @!p0 $0x7E0, s15  }
0x121: {  	s22 =	sadd.s32 @!p0 $0x770, s15;
	[dreg:$0xc] =	wrdreg s3;
	s3 =	sadd.s32 @!p0 $0x818, s15  }
0x122: {  	s21 =	sadd.s32 @!p0 $0x7A8, s15;
	s1 =	smul.u32 @!p0 $0x3, s1;
	[dreg:$0xb] =	wrdreg s3  }
0x123: {  	s14 =	simm.s32 $0x0  }
0x124: {  	[hbm4b:s2+s14] =	stream.linear.scatter [tilespmem:s11], [sflag:s20], $0x640, $0x38;
	[tilespmem:$0x1C000] =	vst v63  }
0x125: {  	s0 =	rddreg [dreg:$0x9]  }
0x126: {  	[hbm4b:s0+s14] =	stream.linear.scatter [tilespmem:s19], [sflag:s20], $0x640, $0x38;
	[tilespmem:$0x1C000] =	vst v63  }
0x127: {  	_ = 	snop  }
0x128: {  	[hbm4b:s25+s14] =	stream.linear.scatter [tilespmem:s30], [sflag:s20], $0x640, $0x38;
	[tilespmem:$0x1C000] =	vst v63  }
0x129: {  	_ = 	snop  }
0x12a: {  	[hbm4b:s29+s14] =	stream.linear.scatter [tilespmem:s8], [sflag:s20], $0x640, $0x38;
	[tilespmem:$0x1C000] =	vst v63  }
0x12b: {  	_ = 	snop  }
0x12c: {  	[hbm4b:s26+s14] =	stream.linear.scatter [tilespmem:s31], [sflag:s20], $0x640, $0x38;
	[tilespmem:$0x1C000] =	vst v63  }
0x12d: {  	_ = 	snop  }
0x12e: {  	[hbm4b:s24+s14] =	stream.linear.scatter [tilespmem:s10], [sflag:s20], $0x640, $0x38;
	[tilespmem:$0x1C000] =	vst v63  }
0x12f: {  	s2 =	sadd.s32 $0xA800, s9  }
0x130: {  	[hbm4b:s23+s14] =	stream.linear.scatter [tilespmem:s2], [sflag:s20], $0x640, $0x38;
	[tilespmem:$0x1C000] =	vst v63  }
0x131: {  	s3 =	sadd.s32 $0xAF00, s9  }
0x132: {  	[hbm4b:s5+s14] =	stream.linear.scatter [tilespmem:s3], [sflag:s20], $0x640, $0x38;
	[tilespmem:$0x1C000] =	vst v63  }
0x133: {  	s8 =	sadd.s32 $0x7D0, s6;
	s5 =	sadd.s32 $0xB600, s9  }
0x134: {  	[hbm4b:s8+s14] =	stream.linear.scatter [tilespmem:s5], [sflag:s20], $0x640, $0x38;
	[tilespmem:$0x1C000] =	vst v63  }
0x135: {  	p1 =	por p2, p0;
	s10 =	sadd.s32 $0xBD00, s9  }
0x136: {  	[hbm4b:s16+s14] =	stream.linear.scatter [tilespmem:s10], [sflag:s20], $0x640, $0x38;
	[tilespmem:$0x1C000] =	vst v63  }
0x137: {  	s11 =	sadd.s32 $0xC400, s9;
	s0 =	ssub.s32 @!p0 s13, s1;
	s16 =	sadd.s32 $0x960, s6  }
0x138: {  	[hbm4b:s16+s14] =	stream.linear.scatter [tilespmem:s11], [sflag:s20], $0x640, $0x38;
	[tilespmem:$0x1C000] =	vst v63  }
0x139: {  	s19 =	sadd.s32 $0xCB00, s9;
	s0 =	sand.u32 @!p0 $0xFF, s0;
	s23 =	sadd.s32 $0xA28, s6  }
0x13a: {  	[hbm4b:s23+s14] =	stream.linear.scatter [tilespmem:s19], [sflag:s20], $0x640, $0x38;
	[tilespmem:$0x1C000] =	vst v63  }
0x13b: {  	s25 =	sadd.s32 $0xAF0, s6;
	s1 =	sadd.s32 @!p1 $0x4, s0;
	s24 =	sadd.s32 $0xD200, s9  }
0x13c: {  	[hbm4b:s25+s14] =	stream.linear.scatter [tilespmem:s24], [sflag:s20], $0x640, $0x38;
	[tilespmem:$0x1C000] =	vst v63  }
0x13d: {  	s29 =	sadd.s32 $0xBB8, s6;
	s26 =	sadd.s32 $0xD900, s9;
	s2 =	smul.u32 @!p0 $0x1C000, s0  }
0x13e: {  	[hbm4b:s29+s14] =	stream.linear.scatter [tilespmem:s26], [sflag:s20], $0x640, $0x38;
	[tilespmem:$0x1C000] =	vst v63  }
0x13f: {  	s0 =	sadd.s32 @!p0 $0x1, s0;
	_ =	swait.ge @!p1 [sflag:s1], $0x6400  }
0x140: {  	s2 =	sshrl.u32 @!p0 s2, $0x2;
	s5 =	simm.s32 @!p0 $0x38;
	[sflag:s1] =	ssyncset.done @!p1 $0x0  }
0x141: {  	s3 =	rddreg [dreg:$0x3];
	[sflag:s1] =	ssyncadd.s32 @!p1 $0xFFFF9C00;
	s1 =	sadd.s32 @!p0 $0x7000, s2  }
0x142: {  	[tilespmem:s1], [sflag:s0] =	stream.indirect.gather @!p0 [hbm4b:s3+s5], $0x20, s7, s5, $0xb8;
	[tilespmem:$0x1C000] =	vst v63  }
0x143: {  	s1 =	sadd.s32 @!p0 $0x7700, s2  }
0x144: {  	[tilespmem:s1], [sflag:s0] =	stream.indirect.gather @!p0 [hbm4b:s3+s5], $0x20, s4, s5, $0xb8;
	[tilespmem:$0x1C000] =	vst v63  }
0x145: {  	s1 =	sadd.s32 @!p0 $0x7E00, s2  }
0x146: {  	[tilespmem:s1], [sflag:s0] =	stream.indirect.gather @!p0 [hbm4b:s3+s5], $0x20, s22, s5, $0xb8;
	[tilespmem:$0x1C000] =	vst v63  }
0x147: {  	s1 =	sadd.s32 @!p0 $0x8500, s2  }
0x148: {  	[tilespmem:s1], [sflag:s0] =	stream.indirect.gather @!p0 [hbm4b:s3+s5], $0x20, s21, s5, $0xb8;
	[tilespmem:$0x1C000] =	vst v63  }
0x149: {  	s4 =	rddreg [dreg:$0xc];
	s1 =	sadd.s32 @!p0 $0x8C00, s2  }
0x14a: {  	[tilespmem:s1], [sflag:s0] =	stream.indirect.gather @!p0 [hbm4b:s3+s5], $0x20, s4, s5, $0xb8;
	[tilespmem:$0x1C000] =	vst v63  }
0x14b: {  	s1 =	sadd.s32 @!p0 $0x9300, s2;
	s4 =	rddreg [dreg:$0xb]  }
0x14c: {  	[tilespmem:s1], [sflag:s0] =	stream.indirect.gather @!p0 [hbm4b:s3+s5], $0x20, s4, s5, $0xb8;
	[tilespmem:$0x1C000] =	vst v63  }
0x14d: {  	s1 =	sadd.s32 @!p0 $0x850, s15;
	s4 =	sadd.s32 @!p0 $0x9A00, s2  }
0x14e: {  	[tilespmem:s4], [sflag:s0] =	stream.indirect.gather @!p0 [hbm4b:s3+s5], $0x20, s1, s5, $0xb8;
	[tilespmem:$0x1C000] =	vst v63  }
0x14f: {  	s1 =	sadd.s32 @!p0 $0x888, s15;
	s4 =	sadd.s32 @!p0 $0xA100, s2  }
0x150: {  	[tilespmem:s4], [sflag:s0] =	stream.indirect.gather @!p0 [hbm4b:s3+s5], $0x20, s1, s5, $0xb8;
	[tilespmem:$0x1C000] =	vst v63  }
0x151: {  	s1 =	sadd.s32 @!p0 $0x8C0, s15;
	s4 =	sadd.s32 @!p0 $0xA800, s2  }
0x152: {  	[tilespmem:s4], [sflag:s0] =	stream.indirect.gather @!p0 [hbm4b:s3+s5], $0x20, s1, s5, $0xb8;
	[tilespmem:$0x1C000] =	vst v63  }
0x153: {  	s1 =	sadd.s32 @!p0 $0x8F8, s15;
	s4 =	sadd.s32 @!p0 $0xAF00, s2  }
0x154: {  	[tilespmem:s4], [sflag:s0] =	stream.indirect.gather @!p0 [hbm4b:s3+s5], $0x20, s1, s5, $0xb8;
	[tilespmem:$0x1C000] =	vst v63  }
0x155: {  	s1 =	sadd.s32 @!p0 $0x930, s15;
	s4 =	sadd.s32 @!p0 $0xB600, s2  }
0x156: {  	[tilespmem:s4], [sflag:s0] =	stream.indirect.gather @!p0 [hbm4b:s3+s5], $0x20, s1, s5, $0xb8;
	[tilespmem:$0x1C000] =	vst v63  }
0x157: {  	s1 =	sadd.s32 @!p0 $0x968, s15;
	s4 =	sadd.s32 @!p0 $0xBD00, s2  }
0x158: {  	[tilespmem:s4], [sflag:s0] =	stream.indirect.gather @!p0 [hbm4b:s3+s5], $0x20, s1, s5, $0xb8;
	[tilespmem:$0x1C000] =	vst v63  }
0x159: {  	s30 =	sand.u32 $0x7F, s12;
	s1 =	sadd.s32 @!p0 $0x9A0, s15;
	s4 =	sadd.s32 @!p0 $0xC400, s2  }
0x15a: {  	[tilespmem:s4], [sflag:s0] =	stream.indirect.gather @!p0 [hbm4b:s3+s5], $0x20, s1, s5, $0xb8;
	[tilespmem:$0x1C000] =	vst v63  }
0x15b: {  	s6 =	sadd.s32 @!p0 $0xCB00, s2;
	s4 =	sadd.s32 @!p0 $0x9D8, s15;
	s1 =	smul.u32 $0x3, s30  }
0x15c: {  	[tilespmem:s6], [sflag:s0] =	stream.indirect.gather @!p0 [hbm4b:s3+s5], $0x20, s4, s5, $0xb8;
	[tilespmem:$0x1C000] =	vst v63  }
0x15d: {  	s1 =	ssub.s32 s17, s1  }
0x15e: {  	s4 =	sadd.s32 @!p0 $0xA10, s15;
	s6 =	sadd.s32 @!p0 $0xD200, s2;
	s1 =	sand.u32 $0xFF, s1  }
0x15f: {  	[tilespmem:s6], [sflag:s0] =	stream.indirect.gather @!p0 [hbm4b:s3+s5], $0x20, s4, s5, $0xb8;
	[tilespmem:$0x1C000] =	vst v63  }
0x160: {  	s2 =	sadd.s32 @!p0 $0xD900, s2;
	s4 =	sadd.s32 @!p0 $0xA48, s15;
	s31 =	sadd.s32 $0x1, s1  }
0x161: {  	[tilespmem:s2], [sflag:s0] =	stream.indirect.gather @!p0 [hbm4b:s3+s5], $0x20, s4, s5, $0xb8;
	[tilespmem:$0x1C000] =	vst v63  }
0x162: {  	_ =	swait.ge [sflag:s31], $0x700  }
0x163: {  	[sflag:s31] =	ssyncset.done $0x0  }
0x164: {  	[sflag:s31] =	ssyncadd.s32 $0xFFFFF900  }
0x165: {  	_ =	swait.ge [sflag:s31], $0x700  }
0x166: {  	[sflag:s31] =	ssyncset.done $0x0  }
0x167: {  	[sflag:s31] =	ssyncadd.s32 $0xFFFFF900  }
0x168: {  	_ =	swait.ge [sflag:s31], $0x700  }
0x169: {  	[sflag:s31] =	ssyncset.done $0x0  }
0x16a: {  	[sflag:s31] =	ssyncadd.s32 $0xFFFFF900  }
0x16b: {  	_ =	swait.ge [sflag:s31], $0x700  }
0x16c: {  	[sflag:s31] =	ssyncset.done $0x0  }
0x16d: {  	[sflag:s31] =	ssyncadd.s32 $0xFFFFF900  }
0x16e: {  	_ =	swait.ge [sflag:s31], $0x700  }
0x16f: {  	[sflag:s31] =	ssyncset.done $0x0  }
0x170: {  	[sflag:s31] =	ssyncadd.s32 $0xFFFFF900  }
0x171: {  	_ =	swait.ge [sflag:s31], $0x700  }
0x172: {  	[sflag:s31] =	ssyncset.done $0x0  }
0x173: {  	[sflag:s31] =	ssyncadd.s32 $0xFFFFF900  }
0x174: {  	_ =	swait.ge [sflag:s31], $0x700  }
0x175: {  	[sflag:s31] =	ssyncset.done $0x0  }
0x176: {  	[sflag:s31] =	ssyncadd.s32 $0xFFFFF900  }
0x177: {  	_ =	swait.ge [sflag:s31], $0x700  }
0x178: {  	[sflag:s31] =	ssyncset.done $0x0  }
0x179: {  	[sflag:s31] =	ssyncadd.s32 $0xFFFFF900  }
0x17a: {  	_ =	swait.ge [sflag:s31], $0x700  }
0x17b: {  	[sflag:s31] =	ssyncset.done $0x0  }
0x17c: {  	[sflag:s31] =	ssyncadd.s32 $0xFFFFF900  }
0x17d: {  	_ =	swait.ge [sflag:s31], $0x700  }
0x17e: {  	[sflag:s31] =	ssyncset.done $0x0  }
0x17f: {  	[sflag:s31] =	ssyncadd.s32 $0xFFFFF900  }
0x180: {  	_ =	swait.ge [sflag:s31], $0x700  }
0x181: {  	[sflag:s31] =	ssyncset.done $0x0  }
0x182: {  	[sflag:s31] =	ssyncadd.s32 $0xFFFFF900  }
0x183: {  	_ =	swait.ge [sflag:s31], $0x700  }
0x184: {  	[sflag:s31] =	ssyncset.done $0x0  }
0x185: {  	[sflag:s31] =	ssyncadd.s32 $0xFFFFF900  }
0x186: {  	_ =	swait.ge [sflag:s31], $0x700  }
0x187: {  	[sflag:s31] =	ssyncset.done $0x0  }
0x188: {  	[sflag:s31] =	ssyncadd.s32 $0xFFFFF900  }
0x189: {  	_ =	swait.ge [sflag:s31], $0x700  }
0x18a: {  	[sflag:s31] =	ssyncset.done $0x0  }
0x18b: {  	[sflag:s31] =	ssyncadd.s32 $0xFFFFF900  }
0x18c: {  	_ =	swait.ge [sflag:s31], $0x700  }
0x18d: {  	[sflag:s31] =	ssyncset.done $0x0  }
0x18e: {  	s4 =	smul.u32 $0x1C000, s1;
	[sflag:s31] =	ssyncadd.s32 $0xFFFFF900  }
0x18f: {  	_ =	swait.ge [sflag:s31], $0x700  }
0x190: {  	s2 =	sshrl.u32 s4, $0x2;
	s4 =	sadd.s32 $0x4, s1;
	[sflag:s31] =	ssyncset.done $0x0  }
0x191: {  	s5 =	sadd.s32 $0x7000, s2;
	s8 =	rddreg [dreg:$0x4];
	[sflag:s31] =	ssyncadd.s32 $0xFFFFF900  }
0x192: {  	[hbm4b:s8+s14] =	stream.linear.scatter [tilespmem:s5], [sflag:s4], $0x640, $0x38;
	[tilespmem:$0x1C000] =	vst v63  }
0x193: {  	s7 =	sadd.s32 $0x7700, s2;
	s6 =	sadd.s32 $0xC8, s8  }
0x194: {  	[hbm4b:s6+s14] =	stream.linear.scatter [tilespmem:s7], [sflag:s4], $0x640, $0x38;
	[tilespmem:$0x1C000] =	vst v63  }
0x195: {  	s10 =	sadd.s32 $0x7E00, s2;
	s9 =	sadd.s32 $0x190, s8  }
0x196: {  	[hbm4b:s9+s14] =	stream.linear.scatter [tilespmem:s10], [sflag:s4], $0x640, $0x38;
	[tilespmem:$0x1C000] =	vst v63  }
0x197: {  	s11 =	sadd.s32 $0x8500, s2;
	s15 =	sadd.s32 $0x8C00, s2;
	s12 =	rddreg [dreg:$0x6]  }
0x198: {  	[hbm4b:s12+s14] =	stream.linear.scatter [tilespmem:s11], [sflag:s4], $0x640, $0x38;
	[tilespmem:$0x1C000] =	vst v63  }
0x199: {  	s17 =	sadd.s32 $0x9300, s2;
	s20 =	sadd.s32 $0x9A00, s2;
	s13 =	sadd.s32 $0x320, s8  }
0x19a: {  	[hbm4b:s13+s14] =	stream.linear.scatter [tilespmem:s15], [sflag:s4], $0x640, $0x38;
	[tilespmem:$0x1C000] =	vst v63  }
0x19b: {  	s22 =	sadd.s32 $0xA100, s2;
	s24 =	sadd.s32 $0xA800, s2;
	s16 =	sadd.s32 $0x3E8, s8  }
0x19c: {  	[hbm4b:s16+s14] =	stream.linear.scatter [tilespmem:s17], [sflag:s4], $0x640, $0x38;
	[tilespmem:$0x1C000] =	vst v63  }
0x19d: {  	s26 =	sadd.s32 $0xAF00, s2;
	s19 =	sadd.s32 $0x4B0, s8;
	s7 =	rddreg [dreg:$0x5]  }
0x19e: {  	[hbm4b:s19+s14] =	stream.linear.scatter [tilespmem:s20], [sflag:s4], $0x640, $0x38;
	[tilespmem:$0x1C000] =	vst v63  }
0x19f: {  	s30 =	sadd.s32 $0xB600, s2;
	s21 =	sadd.s32 $0x578, s8;
	s29 =	sadd.s32 $0xFFFFFFFE, s7  }
0x1a0: {  	[hbm4b:s21+s14] =	stream.linear.scatter [tilespmem:s22], [sflag:s4], $0x640, $0x38;
	[tilespmem:$0x1C000] =	vst v63  }
0x1a1: {  	s23 =	sadd.s32 $0x640, s8;
	s25 =	sadd.s32 $0x708, s8;
	p0 =	sgt.u32 s29, $0x1D  }
0x1a2: {  	[hbm4b:s23+s14] =	stream.linear.scatter [tilespmem:s24], [sflag:s4], $0x640, $0x38;
	[tilespmem:$0x1C000] =	vst v63  }
0x1a3: {  	s31 =	sadd.s32 $0x7D0, s8;
	s5 =	sadd.s32 $0x898, s8;
	s1 =	smul.u32 @!p0 $0xAB, s7  }
0x1a4: {  	[hbm4b:s25+s14] =	stream.linear.scatter [tilespmem:s26], [sflag:s4], $0x640, $0x38;
	[tilespmem:$0x1C000] =	vst v63  }
0x1a5: {  	s6 =	sadd.s32 $0xBD00, s2;
	s9 =	sadd.s32 $0xC400, s2;
	s1 =	sshrl.u32 @!p0 s1, $0x9  }
0x1a6: {  	[hbm4b:s31+s14] =	stream.linear.scatter [tilespmem:s30], [sflag:s4], $0x640, $0x38;
	[tilespmem:$0x1C000] =	vst v63  }
0x1a7: {  	s10 =	sadd.s32 $0x960, s8;
	p1 =	seq.s32 @!p0 s18, $0x0;
	s1 =	sand.u32 @!p0 $0x7F, s1  }
0x1a8: {  	[hbm4b:s5+s14] =	stream.linear.scatter [tilespmem:s6], [sflag:s4], $0x640, $0x38;
	[tilespmem:$0x1C000] =	vst v63  }
0x1a9: {  	s11 =	sadd.s32 $0xCB00, s2;
	s12 =	sadd.s32 $0xA28, s8;
	s1 =	smul.u32 @!p0 $0x3, s1  }
0x1aa: {  	[hbm4b:s10+s14] =	stream.linear.scatter [tilespmem:s9], [sflag:s4], $0x640, $0x38;
	[tilespmem:$0x1C000] =	vst v63  }
0x1ab: {  	p1 =	por p1, p0;
	s13 =	sadd.s32 $0xD200, s2;
	s5 =	ssub.s32 @!p0 s7, s1  }
0x1ac: {  	[hbm4b:s12+s14] =	stream.linear.scatter [tilespmem:s11], [sflag:s4], $0x640, $0x38;
	[tilespmem:$0x1C000] =	vst v63  }
0x1ad: {  	s15 =	sadd.s32 $0xAF0, s8;
	s2 =	sadd.s32 $0xD900, s2;
	s5 =	sand.u32 @!p0 $0xFF, s5  }
0x1ae: {  	[hbm4b:s15+s14] =	stream.linear.scatter [tilespmem:s13], [sflag:s4], $0x640, $0x38;
	[tilespmem:$0x1C000] =	vst v63  }
0x1af: {  	s16 =	sadd.s32 $0xBB8, s8;
	s7 =	sadd.s32 @!p1 $0x4, s5;
	s8 =	smul.u32 @!p0 $0x1C000, s5  }
0x1b0: {  	[hbm4b:s16+s14] =	stream.linear.scatter [tilespmem:s2], [sflag:s4], $0x640, $0x38;
	[tilespmem:$0x1C000] =	vst v63  }
0x1b1: {  	s1 =	sshra.s32 @!p0 s18, $0x2;
	s6 =	sshrl.u32 @!p0 s8, $0x2;
	_ =	swait.ge @!p1 [sflag:s7], $0x6400  }
0x1b2: {  	s5 =	sadd.s32 @!p0 $0x1, s5;
	s8 =	sadd.s32 @!p0 $0x7000, s6;
	[sflag:s7] =	ssyncset.done @!p1 $0x0  }
0x1b3: {  	s2 =	sadd.s32 @!p0 $0x700, s1;
	s4 =	simm.s32 @!p0 $0x38;
	[sflag:s7] =	ssyncadd.s32 @!p1 $0xFFFF9C00  }
0x1b4: {  	[tilespmem:s8], [sflag:s5] =	stream.indirect.gather @!p0 [hbm4b:s3+s4], $0x20, s2, s4, $0xb8;
	[tilespmem:$0x1C000] =	vst v63  }
0x1b5: {  	s7 =	sadd.s32 @!p0 $0x7700, s6;
	s2 =	sadd.s32 @!p0 $0x738, s1  }
0x1b6: {  	[tilespmem:s7], [sflag:s5] =	stream.indirect.gather @!p0 [hbm4b:s3+s4], $0x20, s2, s4, $0xb8;
	[tilespmem:$0x1C000] =	vst v63  }
0x1b7: {  	s2 =	sadd.s32 @!p0 $0x770, s1;
	s7 =	sadd.s32 @!p0 $0x7E00, s6  }
0x1b8: {  	[tilespmem:s7], [sflag:s5] =	stream.indirect.gather @!p0 [hbm4b:s3+s4], $0x20, s2, s4, $0xb8;
	[tilespmem:$0x1C000] =	vst v63  }
0x1b9: {  	s2 =	sadd.s32 @!p0 $0x7A8, s1;
	s7 =	sadd.s32 @!p0 $0x8500, s6  }
0x1ba: {  	[tilespmem:s7], [sflag:s5] =	stream.indirect.gather @!p0 [hbm4b:s3+s4], $0x20, s2, s4, $0xb8;
	[tilespmem:$0x1C000] =	vst v63  }
0x1bb: {  	s2 =	sadd.s32 @!p0 $0x7E0, s1;
	s7 =	sadd.s32 @!p0 $0x8C00, s6  }
0x1bc: {  	[tilespmem:s7], [sflag:s5] =	stream.indirect.gather @!p0 [hbm4b:s3+s4], $0x20, s2, s4, $0xb8;
	[tilespmem:$0x1C000] =	vst v63  }
0x1bd: {  	s2 =	sadd.s32 @!p0 $0x818, s1;
	s7 =	sadd.s32 @!p0 $0x9300, s6  }
0x1be: {  	[tilespmem:s7], [sflag:s5] =	stream.indirect.gather @!p0 [hbm4b:s3+s4], $0x20, s2, s4, $0xb8;
	[tilespmem:$0x1C000] =	vst v63  }
0x1bf: {  	s2 =	sadd.s32 @!p0 $0x850, s1;
	s7 =	sadd.s32 @!p0 $0x9A00, s6  }
0x1c0: {  	[tilespmem:s7], [sflag:s5] =	stream.indirect.gather @!p0 [hbm4b:s3+s4], $0x20, s2, s4, $0xb8;
	[tilespmem:$0x1C000] =	vst v63  }
0x1c1: {  	s2 =	sadd.s32 @!p0 $0x888, s1;
	s7 =	sadd.s32 @!p0 $0xA100, s6  }
0x1c2: {  	[tilespmem:s7], [sflag:s5] =	stream.indirect.gather @!p0 [hbm4b:s3+s4], $0x20, s2, s4, $0xb8;
	[tilespmem:$0x1C000] =	vst v63  }
0x1c3: {  	s2 =	sadd.s32 @!p0 $0x8C0, s1;
	s7 =	sadd.s32 @!p0 $0xA800, s6  }
0x1c4: {  	[tilespmem:s7], [sflag:s5] =	stream.indirect.gather @!p0 [hbm4b:s3+s4], $0x20, s2, s4, $0xb8;
	[tilespmem:$0x1C000] =	vst v63  }
0x1c5: {  	s2 =	sadd.s32 @!p0 $0x8F8, s1;
	s7 =	sadd.s32 @!p0 $0xAF00, s6  }
0x1c6: {  	[tilespmem:s7], [sflag:s5] =	stream.indirect.gather @!p0 [hbm4b:s3+s4], $0x20, s2, s4, $0xb8;
	[tilespmem:$0x1C000] =	vst v63  }
0x1c7: {  	s2 =	sadd.s32 @!p0 $0x930, s1;
	s7 =	sadd.s32 @!p0 $0xB600, s6  }
0x1c8: {  	[tilespmem:s7], [sflag:s5] =	stream.indirect.gather @!p0 [hbm4b:s3+s4], $0x20, s2, s4, $0xb8;
	[tilespmem:$0x1C000] =	vst v63  }
0x1c9: {  	s2 =	sadd.s32 @!p0 $0x968, s1;
	s7 =	sadd.s32 @!p0 $0xBD00, s6  }
0x1ca: {  	[tilespmem:s7], [sflag:s5] =	stream.indirect.gather @!p0 [hbm4b:s3+s4], $0x20, s2, s4, $0xb8;
	[tilespmem:$0x1C000] =	vst v63  }
0x1cb: {  	s2 =	sadd.s32 @!p0 $0x9A0, s1;
	s7 =	sadd.s32 @!p0 $0xC400, s6  }
0x1cc: {  	[tilespmem:s7], [sflag:s5] =	stream.indirect.gather @!p0 [hbm4b:s3+s4], $0x20, s2, s4, $0xb8;
	[tilespmem:$0x1C000] =	vst v63  }
0x1cd: {  	s17 =	smul.u32 $0xAB, s29;
	s2 =	sadd.s32 @!p0 $0x9D8, s1;
	s7 =	sadd.s32 @!p0 $0xCB00, s6  }
0x1ce: {  	[tilespmem:s7], [sflag:s5] =	stream.indirect.gather @!p0 [hbm4b:s3+s4], $0x20, s2, s4, $0xb8;
	[tilespmem:$0x1C000] =	vst v63  }
0x1cf: {  	s2 =	sshrl.u32 s17, $0x9  }
0x1d0: {  	s8 =	sadd.s32 @!p0 $0xD200, s6;
	s7 =	sadd.s32 @!p0 $0xA10, s1;
	s2 =	sand.u32 $0x7F, s2  }
0x1d1: {  	[tilespmem:s8], [sflag:s5] =	stream.indirect.gather @!p0 [hbm4b:s3+s4], $0x20, s7, s4, $0xb8;
	[tilespmem:$0x1C000] =	vst v63  }
0x1d2: {  	s6 =	sadd.s32 @!p0 $0xD900, s6;
	s1 =	sadd.s32 @!p0 $0xA48, s1;
	s2 =	smul.u32 $0x3, s2  }
0x1d3: {  	[tilespmem:s6], [sflag:s5] =	stream.indirect.gather @!p0 [hbm4b:s3+s4], $0x20, s1, s4, $0xb8;
	[tilespmem:$0x1C000] =	vst v63  }
0x1d4: {  	s0 =	ssub.s32 s29, s2  }
0x1d5: {  	s0 =	sand.u32 $0xFF, s0  }
0x1d6: {  	s18 =	sadd.s32 $0x1, s0  }
0x1d7: {  	_ =	swait.ge [sflag:s18], $0x700  }
0x1d8: {  	[sflag:s18] =	ssyncset.done $0x0  }
0x1d9: {  	[sflag:s18] =	ssyncadd.s32 $0xFFFFF900  }
0x1da: {  	_ =	swait.ge [sflag:s18], $0x700  }
0x1db: {  	[sflag:s18] =	ssyncset.done $0x0  }
0x1dc: {  	[sflag:s18] =	ssyncadd.s32 $0xFFFFF900  }
0x1dd: {  	_ =	swait.ge [sflag:s18], $0x700  }
0x1de: {  	[sflag:s18] =	ssyncset.done $0x0  }
0x1df: {  	[sflag:s18] =	ssyncadd.s32 $0xFFFFF900  }
0x1e0: {  	_ =	swait.ge [sflag:s18], $0x700  }
0x1e1: {  	[sflag:s18] =	ssyncset.done $0x0  }
0x1e2: {  	[sflag:s18] =	ssyncadd.s32 $0xFFFFF900  }
0x1e3: {  	_ =	swait.ge [sflag:s18], $0x700  }
0x1e4: {  	[sflag:s18] =	ssyncset.done $0x0  }
0x1e5: {  	[sflag:s18] =	ssyncadd.s32 $0xFFFFF900  }
0x1e6: {  	_ =	swait.ge [sflag:s18], $0x700  }
0x1e7: {  	[sflag:s18] =	ssyncset.done $0x0  }
0x1e8: {  	[sflag:s18] =	ssyncadd.s32 $0xFFFFF900  }
0x1e9: {  	_ =	swait.ge [sflag:s18], $0x700  }
0x1ea: {  	[sflag:s18] =	ssyncset.done $0x0  }
0x1eb: {  	[sflag:s18] =	ssyncadd.s32 $0xFFFFF900  }
0x1ec: {  	_ =	swait.ge [sflag:s18], $0x700  }
0x1ed: {  	[sflag:s18] =	ssyncset.done $0x0  }
0x1ee: {  	[sflag:s18] =	ssyncadd.s32 $0xFFFFF900  }
0x1ef: {  	_ =	swait.ge [sflag:s18], $0x700  }
0x1f0: {  	[sflag:s18] =	ssyncset.done $0x0  }
0x1f1: {  	[sflag:s18] =	ssyncadd.s32 $0xFFFFF900  }
0x1f2: {  	_ =	swait.ge [sflag:s18], $0x700  }
0x1f3: {  	[sflag:s18] =	ssyncset.done $0x0  }
0x1f4: {  	[sflag:s18] =	ssyncadd.s32 $0xFFFFF900  }
0x1f5: {  	_ =	swait.ge [sflag:s18], $0x700  }
0x1f6: {  	[sflag:s18] =	ssyncset.done $0x0  }
0x1f7: {  	[sflag:s18] =	ssyncadd.s32 $0xFFFFF900  }
0x1f8: {  	_ =	swait.ge [sflag:s18], $0x700  }
0x1f9: {  	[sflag:s18] =	ssyncset.done $0x0  }
0x1fa: {  	[sflag:s18] =	ssyncadd.s32 $0xFFFFF900  }
0x1fb: {  	_ =	swait.ge [sflag:s18], $0x700  }
0x1fc: {  	[sflag:s18] =	ssyncset.done $0x0  }
0x1fd: {  	[sflag:s18] =	ssyncadd.s32 $0xFFFFF900  }
0x1fe: {  	_ =	swait.ge [sflag:s18], $0x700  }
0x1ff: {  	[sflag:s18] =	ssyncset.done $0x0  }
0x200: {  	[sflag:s18] =	ssyncadd.s32 $0xFFFFF900  }
0x201: {  	_ =	swait.ge [sflag:s18], $0x700  }
0x202: {  	[sflag:s18] =	ssyncset.done $0x0  }
0x203: {  	s19 =	smul.u32 $0x1C000, s0;
	[sflag:s18] =	ssyncadd.s32 $0xFFFFF900  }
0x204: {  	_ =	swait.ge [sflag:s18], $0x700  }
0x205: {  	s2 =	sshrl.u32 s19, $0x2;
	[sflag:s18] =	ssyncset.done $0x0  }
0x206: {  	s0 =	sadd.s32 $0x4, s0;
	s20 =	sadd.s32 $0x7000, s2;
	[sflag:s18] =	ssyncadd.s32 $0xFFFFF900  }
0x207: {  	[hbm4b:s28+s14] =	stream.linear.scatter [tilespmem:s20], [sflag:s0], $0x640, $0x38;
	[tilespmem:$0x1C000] =	vst v63  }
0x208: {  	s21 =	sadd.s32 $0xC8, s28;
	s22 =	sadd.s32 $0x7700, s2  }
0x209: {  	[hbm4b:s21+s14] =	stream.linear.scatter [tilespmem:s22], [sflag:s0], $0x640, $0x38;
	[tilespmem:$0x1C000] =	vst v63  }
0x20a: {  	s23 =	sadd.s32 $0x190, s28;
	s24 =	sadd.s32 $0x7E00, s2  }
0x20b: {  	[hbm4b:s23+s14] =	stream.linear.scatter [tilespmem:s24], [sflag:s0], $0x640, $0x38;
	[tilespmem:$0x1C000] =	vst v63  }
0x20c: {  	s25 =	sadd.s32 $0x258, s28;
	s26 =	sadd.s32 $0x8500, s2  }
0x20d: {  	[hbm4b:s25+s14] =	stream.linear.scatter [tilespmem:s26], [sflag:s0], $0x640, $0x38;
	[tilespmem:$0x1C000] =	vst v63  }
0x20e: {  	s29 =	sadd.s32 $0x320, s28;
	s30 =	sadd.s32 $0x8C00, s2  }
0x20f: {  	[hbm4b:s29+s14] =	stream.linear.scatter [tilespmem:s30], [sflag:s0], $0x640, $0x38;
	[tilespmem:$0x1C000] =	vst v63  }
0x210: {  	s31 =	sadd.s32 $0x3E8, s28;
	s3 =	sadd.s32 $0x9300, s2  }
0x211: {  	[hbm4b:s31+s14] =	stream.linear.scatter [tilespmem:s3], [sflag:s0], $0x640, $0x38;
	[tilespmem:$0x1C000] =	vst v63  }
0x212: {  	s5 =	sadd.s32 $0x4B0, s28;
	s6 =	sadd.s32 $0x9A00, s2  }
0x213: {  	[hbm4b:s5+s14] =	stream.linear.scatter [tilespmem:s6], [sflag:s0], $0x640, $0x38;
	[tilespmem:$0x1C000] =	vst v63  }
0x214: {  	s7 =	sadd.s32 $0x578, s28;
	s8 =	sadd.s32 $0xA100, s2  }
0x215: {  	[hbm4b:s7+s14] =	stream.linear.scatter [tilespmem:s8], [sflag:s0], $0x640, $0x38;
	[tilespmem:$0x1C000] =	vst v63  }
0x216: {  	s9 =	sadd.s32 $0x640, s28;
	s10 =	sadd.s32 $0xA800, s2  }
0x217: {  	[hbm4b:s9+s14] =	stream.linear.scatter [tilespmem:s10], [sflag:s0], $0x640, $0x38;
	[tilespmem:$0x1C000] =	vst v63  }
0x218: {  	s11 =	sadd.s32 $0x708, s28;
	s12 =	sadd.s32 $0xAF00, s2  }
0x219: {  	[hbm4b:s11+s14] =	stream.linear.scatter [tilespmem:s12], [sflag:s0], $0x640, $0x38;
	[tilespmem:$0x1C000] =	vst v63  }
0x21a: {  	s15 =	sadd.s32 $0x7D0, s28;
	s13 =	sadd.s32 $0xB600, s2  }
0x21b: {  	[hbm4b:s15+s14] =	stream.linear.scatter [tilespmem:s13], [sflag:s0], $0x640, $0x38;
	[tilespmem:$0x1C000] =	vst v63  }
0x21c: {  	s16 =	sadd.s32 $0x898, s28;
	s17 =	sadd.s32 $0xBD00, s2  }
0x21d: {  	[hbm4b:s16+s14] =	stream.linear.scatter [tilespmem:s17], [sflag:s0], $0x640, $0x38;
	[tilespmem:$0x1C000] =	vst v63  }
0x21e: {  	s19 =	sadd.s32 $0x960, s28;
	s18 =	sadd.s32 $0xC400, s2  }
0x21f: {  	[hbm4b:s19+s14] =	stream.linear.scatter [tilespmem:s18], [sflag:s0], $0x640, $0x38;
	[tilespmem:$0x1C000] =	vst v63  }
0x220: {  	s20 =	sadd.s32 $0xCB00, s2;
	s21 =	sadd.s32 $0xA28, s28  }
0x221: {  	[hbm4b:s21+s14] =	stream.linear.scatter [tilespmem:s20], [sflag:s0], $0x640, $0x38;
	[tilespmem:$0x1C000] =	vst v63  }
0x222: {  	s22 =	sadd.s32 $0xD200, s2;
	s23 =	sadd.s32 $0xAF0, s28  }
0x223: {  	[hbm4b:s23+s14] =	stream.linear.scatter [tilespmem:s22], [sflag:s0], $0x640, $0x38;
	[tilespmem:$0x1C000] =	vst v63  }
0x224: {  	s24 =	sadd.s32 $0xD900, s2;
	s25 =	sadd.s32 $0xBB8, s28;
	s26 =	simm.s32 $0x6  }
0x225: {  	[hbm4b:s25+s14] =	stream.linear.scatter [tilespmem:s24], [sflag:s0], $0x640, $0x38;
	[tilespmem:$0x1C000] =	vst v63  }
0x226: {  	_ =	swait.ge [sflag:s26], $0x6400  }
0x227: {  	[sflag:s26] =	ssyncset.done $0x0  }
0x228: {  	s28 =	simm.s32 $0x4;
	[sflag:s26] =	ssyncadd.s32 $0xFFFF9C00  }
0x229: {  	_ =	swait.ge [sflag:s28], $0x6400  }
0x22a: {  	[sflag:s28] =	ssyncset.done $0x0  }
0x22b: {  	s29 =	simm.s32 $0x5;
	[sflag:s28] =	ssyncadd.s32 $0xFFFF9C00  }
0x22c: {  	_ =	swait.ge [sflag:s29], $0x6400  }
0x22d: {  	s30 =	rddreg [dreg:$0x13]  }
0x22e: {  	s31 =	rddreg [dreg:$0x11];
	s2 =	sadd.s32 $0x1, s30  }
0x22f: {  	p0 =	sne.s32 s2, s31  }
.Ltmp1:
0x230: {  	_ = 	snop;
	(pc) =	sbr.rel @p0 .LBB2_1-.Ltmp1, $3  }
0x231: {  	_ =	sdelay $0x1  }
0x232: {  	[sflag:s29] =	ssyncset.done $0x0  }
0x233: {  	[sflag:s29] =	ssyncadd.s32 $0xFFFF9C00  }
0x234: {  	_ =	sfence.sel $0x180000  }
0x235: {  	[bflag:$0x0] =	sbarrier.arrive $0xFFFF  }
0x236: {  	_ =	strace $0x90000047  }
0x237: {  	s0 =	stileid.u32;
	[bflag:$0x2] =	sbarrier.arrive $0xFFFF  }
0x238: {  	p0 =	sne.s32 s0, $0x0;
	s0 =	rddreg [dreg:$0x2]  }
0x239: {  	s0 =	sadd.s32 @!p0 $0x100000, s0  }
0x23a: {  	[sflag:s0] =	ssyncadd.tile.s32 @!p0 $0x1;
	_ =	shalt  }
.Lfunc_end2:
_tile_overlayer_lowered:
.L_overlay_start_2:
0x23b: {  	(tag) =	ssettag $0x2  }
0x23c: {  	s0 =	rddreg [dreg:$0x0];
	s2 =	stileid.u32  }
0x23d: {  	s1 =	rddreg [dreg:$0x1];
	p0 =	sne.s32 s2, $0x0  }
0x23e: {  	s3 =	rddreg [dreg:$0x2];
	[bflag:$0x3] =	sbarrier.arrive $0xFFFF;
	s2 =	simm.s32 @!p0 $0x1C07  }
0x23f: {  	[timem:s3], [sflag:s2] =	dma.local @!p0 [hbm:s0], s1  }
0x240: {  	s0 =	simm.s32 @!p0 $0x7  }
0x241: {  	_ =	swait.ge @!p0 [sflag:s0], s1  }
0x242: {  	s1 =	ssub.s32 @!p0 $0x0, s1;
	[sflag:s0] =	ssyncset.done @!p0 $0x0  }
0x243: {  	[sflag:s0] =	ssyncadd.s32 @!p0 s1  }
0x244: {  	[bflag:$0x3] =	sbarrier.arrive $0xFFFF  }
0x245: {  	_ =	shalt  }

// kernel: sparse-core-data-format-call.cloned.1.call-start
scs
called_computation_lowered:
.L_overlay_start_0:
0x0: {  	s2 =	sld [smem:$0x3FD9]  }
0x1: {  	s3 =	sld [smem:$0x3FFE];
	_ =	sdelay $0x1  }
0x2: {  	s1 =	srdreg.scid  }
0x3: {  	s0 =	sand.u32 $0x1, s1  }
0x4: {  	s18 =	sshll.u32 s0, $0xA;
	s2 =	sadd.s32 s3, s2  }
0x5: {  	s2 =	sadd.s32 s2, s18  }
0x6: {  	[smem:$0x3FC6] =	sst s2  }
0x7: {  	_ = 	snop  }
0x8: {  	s2 =	sld [smem:$0x3FD0];
	(tm) =	ssettm $0x1  }
0x9: {  	s19 =	sld [smem:$0x3FFB];
	_ =	sdelay $0x3  }
0xa: {  	_ =	strace s19  }
0xb: {  	s3 =	sld [smem:$0x3FFC];
	_ =	sdelay $0x3  }
0xc: {  	_ =	strace s3  }
0xd: {  	s3 =	sld [smem:$0x3FFD];
	_ =	sdelay $0x3  }
0xe: {  	_ =	strace s3  }
0xf: {  	_ =	strace $0x8FFFFFFF  }
0x10: {  	s20 =	sld [smem:$0x3FDB];
	_ =	sdelay $0x1  }
0x11: {  	s4 =	simm.s32 $_scs_section_size  }
0x12: {  	s5 =	simm.s32 $_size__tile_overlayer_lowered;
	s6 =	simm.s32 $_tile_overlayer_lowered  }
0x13: {  	s23 =	simm.s32 $0x1BFF;
	s22 =	sshll.u32 s6, $0x1;
	s3 =	sadd.s32 s4, s20  }
0x14: {  	s7 =	simm.s32 $0x0;
	s21 =	sshll.u32 s5, $0x1;
	s5 =	sadd.s32 s22, s3  }
0x15: {  	[timem:s7], [sflag:s23] =	dma.local [hbm:s5], s21  }
0x16: {  	_ =	swait.ge [sflag:s23], s21  }
0x17: {  	s4 =	ssub.s32 $0x0, s21;
	[sflag:s23] =	ssyncset.done $0x0  }
0x18: {  	[sflag:s23] =	ssyncadd.s32 s4;
	_ =	sdelay $0x1  }
0x19: {  	s24 =	simm.s32 $0x1B8B  }
0x1a: {  	_ =	swait.ge [sflag:s24], $0x1  }
0x1b: {  	[sflag:s24] =	ssyncset.done $0x0  }
0x1c: {  	s26 =	simm.s32 $0x1B8E;
	s25 =	sld [smem:$0x3FFE];
	[sflag:s24] =	ssyncadd.s32 $0xFFFFFFFF  }
0x1d: {  	s27 =	simm.s32 $execute0_lowered;
	[smem:$0x3FD2] =	sst s26  }
0x1e: {  	s5 =	sshll.u32 s27, $0x1;
	_ =	strace $0x80000049;
	[dreg:$0x1] =	wrdreg $0xFFFFFFFF  }
0x1f: {  	s28 =	simm.s32 $_size_execute0_lowered;
	s3 =	sadd.s32 s3, s5;
	[dreg:$0x0] =	wrdreg $0x0  }
0x20: {  	s5 =	sshll.u32 s28, $0x1;
	[dreg:$0x2] =	wrdreg s3  }
0x21: {  	[dreg:$0x3] =	wrdreg s5  }
0x22: {  	[dreg:$0x4] =	wrdreg $0xC0  }
0x23: {  	_ =	task [dreg:s7], $0x5FFFF  }
0x24: {  	[dreg:$0x1] =	wrdreg $0xFFFFFFFF  }
0x25: {  	[dreg:$0x0] =	wrdreg $0x60  }
0x26: {  	[dreg:$0x2] =	wrdreg s25  }
0x27: {  	[dreg:$0x3] =	wrdreg s2  }
0x28: {  	[dreg:$0x4] =	wrdreg $0x9  }
0x29: {  	_ =	task.clear_ibuf [dreg:s7], $0x5FFFF;
	_ =	strace $0x90000049  }
0x2a: {  	s29 =	simm.s32 $0x9;
	_ =	strace $0x8000004B  }
0x2b: {  	_ =	swait.ge [sflag:s29], $0x1  }
0x2c: {  	[sflag:s29] =	ssyncadd.s32 $0xFFFFFFFF  }
0x2d: {  	_ =	strace $0x9000004B  }
0x2e: {  	_ =	sfence  }
0x2f: {  	s30 =	sld [smem:$0x0];
	_ =	sdelay $0x2  }
0x30: {  	s31 =	sshll.u32 s1, $0xD;
	s1 =	sshrl.u32 s1, $0x2  }
0x31: {  	s3 =	sand.u32 $0x4000, s31;
	s1 =	sadd.s32 s1, s30  }
0x32: {  	s0 =	sor.u32 s3, s0;
	s1 =	sshll.u32 s1, $0x11  }
0x33: {  	s0 =	sor.u32 s1, s0  }
0x34: {  	s0 =	sadd.s32 $0x8F2B, s0  }
0x35: {  	[sflag:s0] =	ssyncadd.remote.s32 $0x1  }
0x36: {  	_ =	sfence.sel $0xFFFF  }
0x37: {  	[dreg:$0x0] =	wrdreg $0xFFFFFFFF;
	(pc) =	sbr.abs _section_cstart, $3  }
0x38: {  	[dreg:$0x1] =	wrdreg $0xFFFFFFFF  }
0x39: {  	_ =	task.clear_ibuf [dreg:s7], $0x2FFFF;
	_ =	strace $0x9FFFFFFF  }
0x3a: {  	(tm) =	ssettm $0x7FFFFFFF  }
0x3b: {  	_ =	shalt  }
tec
execute0_lowered:
.L_overlay_start_1:
0x0: {  	(tag) =	ssettag $0x1  }
0x1: {  	s0 =	srdreg.scid  }
0x2: {  	s1 =	sshll.u32 s0, $0x4  }
0x3: {  	s0 =	stileid.u32;
	s1 =	sand.u32 $0x10, s1  }
0x4: {  	s1 =	sor.u32 s0, s1  }
0x5: {  	s6 =	rddreg [dreg:$0x0];
	s4 =	simm.s32 $0x1;
	s2 =	sshll.u32 s1, $0x7  }
0x6: {  	s7 =	simm.s32 $0x2;
	s12 =	simm.s32 $0x0;
	s1 =	ssub.s32 $0x4000, s2  }
0x7: {  	s8 =	simm.s32 $0x20000;
	s13 =	simm.s32 $0x0;
	s3 =	sand.u32 $0xF80, s1  }
0x8: {  	s9 =	simm.s32 $0x0;
	s5 =	sshrl.u32 s1, $0xC;
	p0 =	sne.s32 s3, $0x0  }
.Ltmp0:
0x9: {  	s1 =	rddreg [dreg:$0x2];
	s4 =	simm.s32 @!p0 $0x0;
	(pc) =	sbr.rel .LBB1_1-.Ltmp0, $4  }
0xa: {  	s11 =	simm.s32 $0x0;
	s3 =	rddreg [dreg:$0x1];
	s5 =	sadd.s32 s4, s5  }
0xb: {  	_ =	strace $0x8000004A;
	s4 =	simm.s32 $0x1;
	s5 =	smul.u32 $0x32, s5  }
0xc: {  	s6 =	sadd.s32 $0xA00, s6;
	s10 =	smov.u32 s2;
	[sflag:s4] =	ssyncpa.u1 $0x0  }
0xd: {  	p0 =	por $0x0, $0x0;
	[sflag:s7] =	ssyncpa.u1 $0x0;
	s7 =	sor.u32 $0x1, s5  }
.LBB1_4:
0xe: {  	s16 =	sshll.u32 s13, $0x3;
	s17 =	sand.u32 $0x78, s13  }
0xf: {  	s30 =	sand.u32 $0xF800, s13;
	s12 =	sshll.u32 s12, $0x10;
	s16 =	sand.u32 $0x3C00, s16  }
0x10: {  	s31 =	sand.u32 $0x7, s13;
	s16 =	sor.u32 s17, s16;
	s17 =	sadd.s32 s3, s30  }
0x11: {  	s13 =	sshll.u32 s31, $0x12;
	s16 =	sshrl.u32 s16, $0x3;
	s12 =	sadd.s32 s12, s17  }
0x12: {  	[tilespmem:s15+$0x0 ss:$0x81] =	vst.msk $0xffff, v0;
	s13 =	sor.u32 $0x400, s13;
	s12 =	sadd.s32 s16, s12  }
0x13: {  	[hbm4b:s12+s13] =	stream.strided.scatter [tilespmem:s14], [sflag:$0x2], $0x1000, s8, s13, $0x20;
	[tilespmem:$0x4040] =	vst v63  }
.LBB1_5:
0x14: {  	s14 =	sadd.s32 $0x1, s9  }
0x15: {  	s12 =	sadd.s32 $0x1000, s10;
	s16 =	smov.u32 s10;
	p2 =	sgt.s32 s14, $0x31  }
0x16: {  	s16 =	smov.u32 @p2 s12  }
0x17: {  	s14 =	simm.s32 @p2 $0x0;
	p2 =	sgt.s32 s16, $0x3FFF  }
0x18: {  	s16 =	smov.u32 @p2 s2;
	p2 =	sne.s32 s11, s7  }
.Ltmp1:
0x19: {  	p1 =	slt.u32 s11, $0x2;
	(pc) =	sbr.rel @!p2 .LBB1_6-.Ltmp1, $4  }
0x1a: {  	s15 =	simm.s32 @!p1 $0x2  }
0x1b: {  	s13 =	smov.u32 s10;
	p0 =	por !p0, !p0;
	_ =	swait.ge @!p1 [sflag:s15], $0x1000  }
0x1c: {  	s12 =	smov.u32 s9;
	[sflag:s15] =	ssyncset.done @!p1 $0x0;
	s9 =	smov.u32 s14  }
0x1d: {  	s11 =	sadd.s32 $0x1, s11;
	[sflag:s15] =	ssyncadd.s32 @!p1 $0xFFFFF000;
	s10 =	smov.u32 s16  }
.LBB1_1:
0x1e: {  	p1 =	sge.u32 s11, s5  }
0x1f: {  	s14 =	sand.u32 @!p1 $0x1FFFFFF, s9  }
0x20: {  	s15 =	smulhi.u32 @!p1 $0x4924925, s14;
	_ =	sdelay $0x1  }
0x21: {  	s15 =	smul.u32 @!p1 $0x38, s15  }
0x22: {  	s16 =	sxor.u32 @!p1 $0xFFFFFFFF, s11;
	s17 =	smul.u32 @!p1 $0x380, s10  }
0x23: {  	s31 =	sadd.s32 $0xFFFFFFFF, s11;
	s16 =	sshll.u32 @!p1 s16, $0xC;
	s14 =	ssub.s32 @!p1 s14, s15  }
0x24: {  	s15 =	sand.u32 @!p1 $0x1000, s16;
	s16 =	sadd.s32 @!p1 s6, s17;
	s14 =	sshll.u32 @!p1 s14, $0x4  }
0x25: {  	s17 =	simm.s32 @!p1 $0x1C00;
	s14 =	sadd.s32 @!p1 s14, s16;
	s16 =	simm.s32 @!p1 $0x20  }
0x26: {  	[tilespmem:s15], [sflag:$0x1] =	stream.strided.gather @!p1 [hbm4b:s14+s16], $0x1000, s17, s16, $0x38;
	[tilespmem:$0x4040] =	vst v63  }
0x27: {  	p1 =	sge.u32 s31, s5  }
.Ltmp2:
0x28: {  	_ = 	snop;
	(pc) =	sbr.rel @p1 .LBB1_5-.Ltmp2, $1  }
0x29: {  	_ =	sdelay $0x3  }
0x2a: {  	s14 =	simm.s32 $0x1  }
0x2b: {  	_ =	swait.ge [sflag:s4], $0x1000;
	s14 =	simm.s32 @!p0 $0x0  }
0x2c: {  	[sflag:s4] =	ssyncset.done $0x0;
	s15 =	sshll.u32 s14, $0xC  }
0x2d: {  	[sflag:s4] =	ssyncadd.s32 $0xFFFFF000;
	s18 =	sor.u32 $0x10, s15  }
0x2e: {  	s14 =	smul.u32 $0x4080, s14;
	v1 =	vld [tilespmem:s18+$0x0]  }
0x2f: {  	s30 =	sand.u32 $0x1, s11;
	v0 =	vld [tilespmem:s18+$0xFFFFFFF0]  }
0x30: {  	s15 =	smul.u32 $0x4080, s30;
	s14 =	sshrl.u32 s14, $0x2  }
0x31: {  	s16 =	sor.u32 $0x2000, s14  }
0x32: {  	s31 =	sshrl.u32 s15, $0x2;
	s15 =	sadd.s32 $0x0, s16  }
0x33: {  	s17 =	simm.s32 $0x4;
	s18 =	sadd.s32 $0x20, s18;
	s14 =	sor.u32 $0x2000, s31;
	[tilespmem:s15+$0x810 ss:$0x81] =	vst.msk $0xffff, v1  }
.LBB1_3:
0x34: {  	v1 =	vld [tilespmem:s18+$0x0];
	p1 =	sne.s32 s17, $0x1FC;
	[tilespmem:s15+$0x0 ss:$0x81] =	vst.msk $0xffff, v0;
	s15 =	smov.u32 s17;
	s17 =	sadd.s32 $0x4, s17  }
.Ltmp3:
0x35: {  	v0 =	vld [tilespmem:s18+$0xFFFFFFF0];
	(pc) =	sbr.rel @p1 .LBB1_3-.Ltmp3, $4  }
0x36: {  	_ = 	snop  }
0x37: {  	s15 =	sshra.s32 s15, $0x2  }
0x38: {  	s15 =	sadd.s32 s15, s16  }
0x39: {  	s18 =	sadd.s32 $0x20, s18;
	[tilespmem:s15+$0x810 ss:$0x81] =	vst.msk $0xffff, v1  }
.Ltmp4:
0x3a: {  	_ = 	snop;
	(pc) =	sbr.rel .LBB1_4-.Ltmp4, $1  }
0x3b: {  	_ =	sdelay $0x3  }
.LBB1_6:
0x3c: {  	_ =	sfence.sel $0x180000  }
0x3d: {  	s2 =	simm.s32 $0x1;
	[bflag:$0x0] =	sbarrier.arrive $0xFFFF  }
0x3e: {  	s31 =	simm.s32 $0x2;
	[sflag:s2] =	ssyncpa.u1 $0x1  }
0x3f: {  	[sflag:s31] =	ssyncpa.u1 $0x1  }
0x40: {  	p0 =	sne.s32 s0, $0x0;
	_ =	strace $0x9000004A  }
0x41: {  	s0 =	sadd.s32 @!p0 $0x100000, s1;
	[bflag:$0x2] =	sbarrier.arrive $0xFFFF  }
0x42: {  	[sflag:s0] =	ssyncadd.tile.s32 @!p0 $0x1;
	_ =	shalt  }
.Lfunc_end1:
_tile_overlayer_lowered:
.L_overlay_start_2:
0x43: {  	(tag) =	ssettag $0x2  }
0x44: {  	s0 =	rddreg [dreg:$0x0];
	s2 =	stileid.u32  }
0x45: {  	s1 =	rddreg [dreg:$0x1];
	p0 =	sne.s32 s2, $0x0  }
0x46: {  	s3 =	rddreg [dreg:$0x2];
	[bflag:$0x3] =	sbarrier.arrive $0xFFFF;
	s2 =	simm.s32 @!p0 $0x1C01  }
0x47: {  	[timem:s3], [sflag:s2] =	dma.local @!p0 [hbm:s0], s1  }
0x48: {  	s0 =	simm.s32 @!p0 $0x1  }
0x49: {  	_ =	swait.ge @!p0 [sflag:s0], s1  }
0x4a: {  	s1 =	ssub.s32 @!p0 $0x0, s1;
	[sflag:s0] =	ssyncset.done @!p0 $0x0  }
0x4b: {  	[sflag:s0] =	ssyncadd.s32 @!p0 s1  }
0x4c: {  	[bflag:$0x3] =	sbarrier.arrive $0xFFFF  }
0x4d: {  	_ =	shalt  }

</sc_bundles>
